<compile_context>
chip_gen: v7x
topology: tpu7x:2x2x1
jax: 0.10.2.dev20260603
libtpu: 0.0.44.dev20260713+nightly
codegen_flags: <defaults>
</compile_context>

<pallas_src>
import jax
import jax.numpy as jnp
import numpy as np
from jax import lax
from jax.experimental import pallas as pl
from jax.experimental.pallas import tpu as pltpu
from jax.experimental.pallas import tpu_sc as plsc

N = 10000
E = 320000
D = 128

NC = 2
NS = 16
NW = NC * NS

N_PAD = 10240
RPT = N_PAD // NS

CHUNK = 128
NBUF = 2
NCH = 80
STG = 40
TOT_CH = NW * NCH
E_PAD = TOT_CH * CHUNK

_PAD_N = E_PAD - E
_PAD_SRC = np.arange(_PAD_N, dtype=np.int32) % N
_PAD_DST = (N + np.arange(_PAD_N, dtype=np.int32) % (N_PAD - N)).astype(np.int32)

_mesh = plsc.VectorSubcoreMesh(core_axis_name="c", subcore_axis_name="s")


EPT = E // NW


def _deg_body(dst_hbm, deg_out, hist, dbuf, hbuf, obuf, histall):
    c = lax.axis_index("c")
    s = lax.axis_index("s")
    wid = c * NS + s

    zeros16 = jnp.zeros((16,), jnp.float32)
    ones16 = jnp.ones((16,), jnp.float32)

    def zero_hist(i, _):
        hist[pl.ds(i * 16, 16)] = zeros16
        return _

    lax.fori_loop(0, N_PAD // 16, zero_hist, None)

    pltpu.sync_copy(dst_hbm.at[pl.ds(wid * EPT, EPT)], dbuf)

    def outer(r, _):
        idx = dbuf[pl.ds(r * 16, 16)]
        plsc.addupdate_scatter(hist, [idx], ones16)
        return _

    lax.fori_loop(0, EPT // 16, outer, None)

    pltpu.sync_copy(hist, histall.at[s])
    plsc.subcore_barrier()
    pltpu.sync_copy(histall.at[:, pl.ds(s * RPT, RPT)], hbuf)

    def red(i, _):
        acc = hbuf[0, pl.ds(i * 16, 16)]
        for k in range(1, NS):
            acc = acc + hbuf[k, pl.ds(i * 16, 16)]
        obuf[pl.ds(i * 16, 16)] = acc
        return _

    lax.fori_loop(0, RPT // 16, red, None)
    pltpu.sync_copy(obuf, deg_out.at[c, pl.ds(s * RPT, RPT)])


_deg_call = pl.kernel(
    _deg_body,
    out_type=jax.ShapeDtypeStruct((NC, N_PAD), jnp.float32),
    mesh=_mesh,
    compiler_params=pltpu.CompilerParams(needs_layout_passes=False),
    scratch_types=[
        pltpu.VMEM((N_PAD,), jnp.float32),
        pltpu.VMEM((EPT,), jnp.int32),
        pltpu.VMEM((NS, RPT), jnp.float32),
        pltpu.VMEM((RPT,), jnp.float32),
        pltpu.VMEM_SHARED((NS, N_PAD), jnp.float32),
    ],
)


def _agg_body(hs_hbm, src_hbm, dst_hbm, part_out,
              sidx, didx, rows, agg, gsem, ssem):
    c = lax.axis_index("c")
    s = lax.axis_index("s")
    wid = c * NS + s

    zeros16 = jnp.zeros((16,), jnp.float32)

    def zero_row(i, _):
        for t in range(NBUF):
            for k in range(D // 16):
                rows[t, i, pl.ds(k * 16, 16)] = zeros16
        return _

    lax.fori_loop(0, CHUNK, zero_row, None)
    for k in range(RPT // CHUNK):
        pltpu.sync_copy(rows.at[0], agg.at[pl.ds(s * RPT + k * CHUNK, CHUNK)])
    plsc.subcore_barrier()

    def gstart(k, t):
        pltpu.async_copy(hs_hbm.at[sidx.at[k]], rows.at[t], gsem)

    def gwait(k, t):
        pltpu.make_async_copy(hs_hbm.at[sidx.at[k]], rows.at[t], gsem).wait()

    def sstart(k, t):
        return pltpu.async_copy(rows.at[t], agg.at[didx.at[k]], ssem,
                                add=True)

    for h in range(NCH // STG):
        row0 = wid * NCH + h * STG
        pltpu.sync_copy(src_hbm.at[pl.ds(row0, STG)], sidx)
        pltpu.sync_copy(dst_hbm.at[pl.ds(row0, STG)], didx)

        for t in range(NBUF):
            gstart(t, t)

        def group(i, _):
            k0 = i * NBUF
            sdescs = []
            for t in range(NBUF):
                gwait(k0 + t, t)
                sdescs.append(sstart(k0 + t, t))
            for t in range(NBUF):
                sdescs[t].wait()

                @pl.when(k0 + NBUF + t < STG)
                def _():
                    gstart(k0 + NBUF + t, t)

            return _

        lax.fori_loop(0, STG // NBUF, group, None)

    plsc.subcore_barrier()

    for k in range(RPT // CHUNK):
        r0 = s * RPT + k * CHUNK
        pltpu.sync_copy(agg.at[pl.ds(r0, CHUNK)], part_out.at[c, pl.ds(r0, CHUNK)])


_agg_call = pl.kernel(
    _agg_body,
    out_type=jax.ShapeDtypeStruct((NC, N_PAD, D), jnp.float32),
    mesh=_mesh,
    scratch_types=[
        pltpu.VMEM((STG, CHUNK), jnp.int32),
        pltpu.VMEM((STG, CHUNK), jnp.int32),
        pltpu.VMEM((NBUF, CHUNK, D), jnp.float32),
        pltpu.VMEM_SHARED((N_PAD, D), jnp.float32),
        pltpu.SemaphoreType.DMA,
        pltpu.SemaphoreType.DMA,
    ],
)

_TC_R = 1024


def _matmul(x_ref, w_ref, h_ref):
    h_ref[...] = jnp.dot(x_ref[...], w_ref[...],
                         preferred_element_type=jnp.float32)


def _phase_a(h_ref, degp_ref, hs_ref, dinv_ref):
    deg = degp_ref[0] + degp_ref[1] + 1.0
    dinv = lax.rsqrt(deg)
    hs_ref[...] = h_ref[...] * dinv[:, None]
    dinv_ref[...] = dinv[:, None]


def _phase_b(agg_ref, hs_ref, dinv_ref, b_ref, w_ref, hs2_ref):
    a = agg_ref[0] + agg_ref[1]
    dinv = dinv_ref[...]
    h1 = jnp.maximum((a + hs_ref[...]) * dinv + b_ref[...], 0.0)
    h2 = jnp.dot(h1, w_ref[...], preferred_element_type=jnp.float32)
    hs2_ref[...] = h2 * dinv


def _phase_c(agg_ref, hs_ref, dinv_ref, b_ref, out_ref):
    a = agg_ref[0] + agg_ref[1]
    out_ref[...] = (a + hs_ref[...]) * dinv_ref[...] + b_ref[...]


_GRID = N_PAD // _TC_R

_matmul_call = pl.pallas_call(
    _matmul,
    grid=(_GRID,),
    in_specs=[
        pl.BlockSpec((_TC_R, D), lambda i: (i, 0)),
        pl.BlockSpec((D, D), lambda i: (0, 0)),
    ],
    out_specs=pl.BlockSpec((_TC_R, D), lambda i: (i, 0)),
    out_shape=jax.ShapeDtypeStruct((N_PAD, D), jnp.float32),
)

_phase_a_call = pl.pallas_call(
    _phase_a,
    grid=(_GRID,),
    in_specs=[
        pl.BlockSpec((_TC_R, D), lambda i: (i, 0)),
        pl.BlockSpec((NC, _TC_R), lambda i: (0, i)),
    ],
    out_specs=[
        pl.BlockSpec((_TC_R, D), lambda i: (i, 0)),
        pl.BlockSpec((_TC_R, 1), lambda i: (i, 0)),
    ],
    out_shape=[
        jax.ShapeDtypeStruct((N_PAD, D), jnp.float32),
        jax.ShapeDtypeStruct((N_PAD, 1), jnp.float32),
    ],
)

_phase_b_call = pl.pallas_call(
    _phase_b,
    grid=(_GRID,),
    in_specs=[
        pl.BlockSpec((NC, _TC_R, D), lambda i: (0, i, 0)),
        pl.BlockSpec((_TC_R, D), lambda i: (i, 0)),
        pl.BlockSpec((_TC_R, 1), lambda i: (i, 0)),
        pl.BlockSpec((D,), lambda i: (0,)),
        pl.BlockSpec((D, D), lambda i: (0, 0)),
    ],
    out_specs=pl.BlockSpec((_TC_R, D), lambda i: (i, 0)),
    out_shape=jax.ShapeDtypeStruct((N_PAD, D), jnp.float32),
)

_TC_RC = 2000

_phase_c_call = pl.pallas_call(
    _phase_c,
    grid=(N // _TC_RC,),
    in_specs=[
        pl.BlockSpec((NC, _TC_RC, D), lambda i: (0, i, 0)),
        pl.BlockSpec((_TC_RC, D), lambda i: (i, 0)),
        pl.BlockSpec((_TC_RC, 1), lambda i: (i, 0)),
        pl.BlockSpec((D,), lambda i: (0,)),
    ],
    out_specs=pl.BlockSpec((_TC_RC, D), lambda i: (i, 0)),
    out_shape=jax.ShapeDtypeStruct((N, D), jnp.float32),
)


@jax.jit
def kernel(x, edge_index, W1, b1, W2, b2):
    src = edge_index[0]
    dst = edge_index[1]
    src_p = jnp.concatenate([src, _PAD_SRC]).reshape(TOT_CH, CHUNK)
    dst_p = jnp.concatenate([dst, _PAD_DST]).reshape(TOT_CH, CHUNK)
    x_p = jnp.pad(x, ((0, N_PAD - N), (0, 0)))

    h1 = _matmul_call(x_p, W1)
    degp = _deg_call(dst)
    hs1, dinv = _phase_a_call(h1, degp)
    agg1 = _agg_call(hs1, src_p, dst_p)
    hs2 = _phase_b_call(agg1, hs1, dinv, b1, W2)
    agg2 = _agg_call(hs2, src_p, dst_p)
    return _phase_c_call(agg2, hs2, dinv, b2)

# --- scband reference (transcript-rebuilt; emitter-appended) ---
"""Pipeline reference for scband-gcn-58076547776807 (READ-ONLY COPY).

The authoritative reference and input builder live on the scoring server;
editing this copy changes nothing except your own understanding.
"""

import jax, jax.numpy as jnp
import numpy as np

N = 10000
E = 320000
D_IN = 128
D_H = 128
D_OUT = 128


def setup_inputs(seed: int = 0) -> dict:
    key = jax.random.key(seed)
    k1, k2, k3, k4, k5, k6 = jax.random.split(key, 6)
    x = jax.random.normal(k1, (N, D_IN), dtype=jnp.float32)
    edge_index = jax.random.randint(k2, (2, E), 0, N, dtype=jnp.int32)
    W1 = jax.random.normal(k3, (D_IN, D_H), dtype=jnp.float32) * (1.0 / np.sqrt(D_IN))
    b1 = jnp.zeros((D_H,), dtype=jnp.float32)
    W2 = jax.random.normal(k4, (D_H, D_OUT), dtype=jnp.float32) * (1.0 / np.sqrt(D_H))
    b2 = jnp.zeros((D_OUT,), dtype=jnp.float32)
    return {"x": x, "edge_index": edge_index, "W1": W1, "b1": b1, "W2": W2, "b2": b2}


def gcn_conv(x, edge_index, W, b):
    # GCNConv (Kipf & Welling): add self-loops, symmetric degree normalization,
    # linear transform, gather-scatter aggregation, bias.
    src = edge_index[0]
    dst = edge_index[1]
    loop = jnp.arange(N, dtype=src.dtype)
    src2 = jnp.concatenate([src, loop])
    dst2 = jnp.concatenate([dst, loop])
    ew = jnp.ones((src2.shape[0],), dtype=x.dtype)  # edge_weight=None -> ones
    deg = jax.ops.segment_sum(ew, dst2, num_segments=N)
    dinv = jnp.where(deg > 0, jax.lax.rsqrt(jnp.maximum(deg, 1e-12)), 0.0)
    norm = dinv[src2] * ew * dinv[dst2]
    h = x @ W
    msg = h[src2] * norm[:, None]
    out = jax.ops.segment_sum(msg, dst2, num_segments=N)
    return out + b


def reference(x, edge_index, W1, b1, W2, b2):
    h = gcn_conv(x, edge_index, W1, b1)
    h = jax.nn.relu(h)
    # dropout is identity in eval mode (training=False)
    out = gcn_conv(h, edge_index, W2, b2)
    return out

if __name__ == "__main__":
    import jax
    _d = setup_inputs()
    print(jax.jit(kernel)(*tuple(_d.values())))

</pallas_src>

<mosaic_0001>
#map = affine_map<(d0, d1) -> (0, 0)>
#map1 = affine_map<(d0, d1) -> (0, 0, 0)>
module attributes {stable_mosaic.version = 14 : i64} {
  func.func @_agg_body(%arg0: i32, %arg1: i32, %arg2: memref<10240x128xf32, #tpu.memory_space<hbm>>, %arg3: memref<2560x128xi32, #tpu.memory_space<hbm>>, %arg4: memref<2560x128xi32, #tpu.memory_space<hbm>>, %arg5: memref<2x10240x128xf32, #tpu.memory_space<hbm>>, %arg6: memref<40x128xi32, #tpu.memory_space<vmem>>, %arg7: memref<40x128xi32, #tpu.memory_space<vmem>>, %arg8: memref<2x128x128xf32, #tpu.memory_space<vmem>>, %arg9: memref<10240x128xf32, #tpu.memory_space<vmem_shared>>, %arg10: memref<!tpu.dma_semaphore, #tpu.memory_space<semaphore_mem>>, %arg11: memref<!tpu.dma_semaphore, #tpu.memory_space<semaphore_mem>>) attributes {dimension_semantics = [#tpu.dimension_semantics<core_parallel>, #tpu.dimension_semantics<subcore_parallel>], iteration_bounds = array<i64: 2, 16>, scalar_prefetch = 0 : i64, scratch_operands = 6 : i64, tpu.core_type = #tpu.core_type<sc_vector_subcore>, window_params = [{transform_indices = #map}, {transform_indices = #map}, {transform_indices = #map}, {transform_indices = #map1}]} {
    %mul3A = arith.constant 16 : i32
    %mul3A_0 = arith.muli %arg0, %mul3A : i32
    %add3A = arith.addi %mul3A_0, %arg1 : i32
    %broadcast_in_dim3A = arith.constant 0.000000e+00 : f32
    %broadcast_in_dim3A_1 = vector.broadcast %broadcast_in_dim3A : f32 to vector<16xf32>
    %scan3A = arith.constant 0 : i32
    %scan3A_2 = arith.constant 128 : i32
    %scan3A_3 = arith.addi %scan3A, %scan3A_2 : i32
    %scan3A_4 = arith.constant 1 : i32
    scf.for %scan3A_116 = %scan3A to %scan3A_3 step %scan3A_4  : i32 {
      %swap3A = arith.constant 0 : i32
      %swap3A_117 = arith.index_cast %swap3A : i32 to index
      %swap3A_118 = arith.index_cast %scan3A_116 : i32 to index
      %swap3A_119 = arith.constant 0 : index
      %swap3A_120 = tpu.vector_load %arg8[%swap3A_117, %swap3A_118, %swap3A_119] {strides = array<i32>} : memref<2x128x128xf32, #tpu.memory_space<vmem>>, vector<1x1x16xf32>,
      %swap3A_121 = vector.shape_cast %swap3A_120 : vector<1x1x16xf32> to vector<16xf32>
      %swap3A_122 = vector.shape_cast %broadcast_in_dim3A_1 : vector<16xf32> to vector<1x1x16xf32>
      tpu.vector_store %arg8[%swap3A_117, %swap3A_118, %swap3A_119], %swap3A_122 {strides = array<i32>} : memref<2x128x128xf32, #tpu.memory_space<vmem>>, vector<1x1x16xf32>,
      %swap3A_123 = arith.constant 0 : i32
      %swap3A_124 = arith.index_cast %swap3A_123 : i32 to index
      %swap3A_125 = arith.index_cast %scan3A_116 : i32 to index
      %swap3A_126 = arith.constant 16 : index
      %swap3A_127 = tpu.vector_load %arg8[%swap3A_124, %swap3A_125, %swap3A_126] {strides = array<i32>} : memref<2x128x128xf32, #tpu.memory_space<vmem>>, vector<1x1x16xf32>,
      %swap3A_128 = vector.shape_cast %swap3A_127 : vector<1x1x16xf32> to vector<16xf32>
      %swap3A_129 = vector.shape_cast %broadcast_in_dim3A_1 : vector<16xf32> to vector<1x1x16xf32>
      tpu.vector_store %arg8[%swap3A_124, %swap3A_125, %swap3A_126], %swap3A_129 {strides = array<i32>} : memref<2x128x128xf32, #tpu.memory_space<vmem>>, vector<1x1x16xf32>,
      %swap3A_130 = arith.constant 0 : i32
      %swap3A_131 = arith.index_cast %swap3A_130 : i32 to index
      %swap3A_132 = arith.index_cast %scan3A_116 : i32 to index
      %swap3A_133 = arith.constant 32 : index
      %swap3A_134 = tpu.vector_load %arg8[%swap3A_131, %swap3A_132, %swap3A_133] {strides = array<i32>} : memref<2x128x128xf32, #tpu.memory_space<vmem>>, vector<1x1x16xf32>,
      %swap3A_135 = vector.shape_cast %swap3A_134 : vector<1x1x16xf32> to vector<16xf32>
      %swap3A_136 = vector.shape_cast %broadcast_in_dim3A_1 : vector<16xf32> to vector<1x1x16xf32>
      tpu.vector_store %arg8[%swap3A_131, %swap3A_132, %swap3A_133], %swap3A_136 {strides = array<i32>} : memref<2x128x128xf32, #tpu.memory_space<vmem>>, vector<1x1x16xf32>,
      %swap3A_137 = arith.constant 0 : i32
      %swap3A_138 = arith.index_cast %swap3A_137 : i32 to index
      %swap3A_139 = arith.index_cast %scan3A_116 : i32 to index
      %swap3A_140 = arith.constant 48 : index
      %swap3A_141 = tpu.vector_load %arg8[%swap3A_138, %swap3A_139, %swap3A_140] {strides = array<i32>} : memref<2x128x128xf32, #tpu.memory_space<vmem>>, vector<1x1x16xf32>,
      %swap3A_142 = vector.shape_cast %swap3A_141 : vector<1x1x16xf32> to vector<16xf32>
      %swap3A_143 = vector.shape_cast %broadcast_in_dim3A_1 : vector<16xf32> to vector<1x1x16xf32>
      tpu.vector_store %arg8[%swap3A_138, %swap3A_139, %swap3A_140], %swap3A_143 {strides = array<i32>} : memref<2x128x128xf32, #tpu.memory_space<vmem>>, vector<1x1x16xf32>,
      %swap3A_144 = arith.constant 0 : i32
      %swap3A_145 = arith.index_cast %swap3A_144 : i32 to index
      %swap3A_146 = arith.index_cast %scan3A_116 : i32 to index
      %swap3A_147 = arith.constant 64 : index
      %swap3A_148 = tpu.vector_load %arg8[%swap3A_145, %swap3A_146, %swap3A_147] {strides = array<i32>} : memref<2x128x128xf32, #tpu.memory_space<vmem>>, vector<1x1x16xf32>,
      %swap3A_149 = vector.shape_cast %swap3A_148 : vector<1x1x16xf32> to vector<16xf32>
      %swap3A_150 = vector.shape_cast %broadcast_in_dim3A_1 : vector<16xf32> to vector<1x1x16xf32>
      tpu.vector_store %arg8[%swap3A_145, %swap3A_146, %swap3A_147], %swap3A_150 {strides = array<i32>} : memref<2x128x128xf32, #tpu.memory_space<vmem>>, vector<1x1x16xf32>,
      %swap3A_151 = arith.constant 0 : i32
      %swap3A_152 = arith.index_cast %swap3A_151 : i32 to index
      %swap3A_153 = arith.index_cast %scan3A_116 : i32 to index
      %swap3A_154 = arith.constant 80 : index
      %swap3A_155 = tpu.vector_load %arg8[%swap3A_152, %swap3A_153, %swap3A_154] {strides = array<i32>} : memref<2x128x128xf32, #tpu.memory_space<vmem>>, vector<1x1x16xf32>,
      %swap3A_156 = vector.shape_cast %swap3A_155 : vector<1x1x16xf32> to vector<16xf32>
      %swap3A_157 = vector.shape_cast %broadcast_in_dim3A_1 : vector<16xf32> to vector<1x1x16xf32>
      tpu.vector_store %arg8[%swap3A_152, %swap3A_153, %swap3A_154], %swap3A_157 {strides = array<i32>} : memref<2x128x128xf32, #tpu.memory_space<vmem>>, vector<1x1x16xf32>,
      %swap3A_158 = arith.constant 0 : i32
      %swap3A_159 = arith.index_cast %swap3A_158 : i32 to index
      %swap3A_160 = arith.index_cast %scan3A_116 : i32 to index
      %swap3A_161 = arith.constant 96 : index
      %swap3A_162 = tpu.vector_load %arg8[%swap3A_159, %swap3A_160, %swap3A_161] {strides = array<i32>} : memref<2x128x128xf32, #tpu.memory_space<vmem>>, vector<1x1x16xf32>,
      %swap3A_163 = vector.shape_cast %swap3A_162 : vector<1x1x16xf32> to vector<16xf32>
      %swap3A_164 = vector.shape_cast %broadcast_in_dim3A_1 : vector<16xf32> to vector<1x1x16xf32>
      tpu.vector_store %arg8[%swap3A_159, %swap3A_160, %swap3A_161], %swap3A_164 {strides = array<i32>} : memref<2x128x128xf32, #tpu.memory_space<vmem>>, vector<1x1x16xf32>,
      %swap3A_165 = arith.constant 0 : i32
      %swap3A_166 = arith.index_cast %swap3A_165 : i32 to index
      %swap3A_167 = arith.index_cast %scan3A_116 : i32 to index
      %swap3A_168 = arith.constant 112 : index
      %swap3A_169 = tpu.vector_load %arg8[%swap3A_166, %swap3A_167, %swap3A_168] {strides = array<i32>} : memref<2x128x128xf32, #tpu.memory_space<vmem>>, vector<1x1x16xf32>,
      %swap3A_170 = vector.shape_cast %swap3A_169 : vector<1x1x16xf32> to vector<16xf32>
      %swap3A_171 = vector.shape_cast %broadcast_in_dim3A_1 : vector<16xf32> to vector<1x1x16xf32>
      tpu.vector_store %arg8[%swap3A_166, %swap3A_167, %swap3A_168], %swap3A_171 {strides = array<i32>} : memref<2x128x128xf32, #tpu.memory_space<vmem>>, vector<1x1x16xf32>,
      %swap3A_172 = arith.constant 1 : i32
      %swap3A_173 = arith.index_cast %swap3A_172 : i32 to index
      %swap3A_174 = arith.index_cast %scan3A_116 : i32 to index
      %swap3A_175 = arith.constant 0 : index
      %swap3A_176 = tpu.vector_load %arg8[%swap3A_173, %swap3A_174, %swap3A_175] {strides = array<i32>} : memref<2x128x128xf32, #tpu.memory_space<vmem>>, vector<1x1x16xf32>,
      %swap3A_177 = vector.shape_cast %swap3A_176 : vector<1x1x16xf32> to vector<16xf32>
      %swap3A_178 = vector.shape_cast %broadcast_in_dim3A_1 : vector<16xf32> to vector<1x1x16xf32>
      tpu.vector_store %arg8[%swap3A_173, %swap3A_174, %swap3A_175], %swap3A_178 {strides = array<i32>} : memref<2x128x128xf32, #tpu.memory_space<vmem>>, vector<1x1x16xf32>,
      %swap3A_179 = arith.constant 1 : i32
      %swap3A_180 = arith.index_cast %swap3A_179 : i32 to index
      %swap3A_181 = arith.index_cast %scan3A_116 : i32 to index
      %swap3A_182 = arith.constant 16 : index
      %swap3A_183 = tpu.vector_load %arg8[%swap3A_180, %swap3A_181, %swap3A_182] {strides = array<i32>} : memref<2x128x128xf32, #tpu.memory_space<vmem>>, vector<1x1x16xf32>,
      %swap3A_184 = vector.shape_cast %swap3A_183 : vector<1x1x16xf32> to vector<16xf32>
      %swap3A_185 = vector.shape_cast %broadcast_in_dim3A_1 : vector<16xf32> to vector<1x1x16xf32>
      tpu.vector_store %arg8[%swap3A_180, %swap3A_181, %swap3A_182], %swap3A_185 {strides = array<i32>} : memref<2x128x128xf32, #tpu.memory_space<vmem>>, vector<1x1x16xf32>,
      %swap3A_186 = arith.constant 1 : i32
      %swap3A_187 = arith.index_cast %swap3A_186 : i32 to index
      %swap3A_188 = arith.index_cast %scan3A_116 : i32 to index
      %swap3A_189 = arith.constant 32 : index
      %swap3A_190 = tpu.vector_load %arg8[%swap3A_187, %swap3A_188, %swap3A_189] {strides = array<i32>} : memref<2x128x128xf32, #tpu.memory_space<vmem>>, vector<1x1x16xf32>,
      %swap3A_191 = vector.shape_cast %swap3A_190 : vector<1x1x16xf32> to vector<16xf32>
      %swap3A_192 = vector.shape_cast %broadcast_in_dim3A_1 : vector<16xf32> to vector<1x1x16xf32>
      tpu.vector_store %arg8[%swap3A_187, %swap3A_188, %swap3A_189], %swap3A_192 {strides = array<i32>} : memref<2x128x128xf32, #tpu.memory_space<vmem>>, vector<1x1x16xf32>,
      %swap3A_193 = arith.constant 1 : i32
      %swap3A_194 = arith.index_cast %swap3A_193 : i32 to index
      %swap3A_195 = arith.index_cast %scan3A_116 : i32 to index
      %swap3A_196 = arith.constant 48 : index
      %swap3A_197 = tpu.vector_load %arg8[%swap3A_194, %swap3A_195, %swap3A_196] {strides = array<i32>} : memref<2x128x128xf32, #tpu.memory_space<vmem>>, vector<1x1x16xf32>,
      %swap3A_198 = vector.shape_cast %swap3A_197 : vector<1x1x16xf32> to vector<16xf32>
      %swap3A_199 = vector.shape_cast %broadcast_in_dim3A_1 : vector<16xf32> to vector<1x1x16xf32>
      tpu.vector_store %arg8[%swap3A_194, %swap3A_195, %swap3A_196], %swap3A_199 {strides = array<i32>} : memref<2x128x128xf32, #tpu.memory_space<vmem>>, vector<1x1x16xf32>,
      %swap3A_200 = arith.constant 1 : i32
      %swap3A_201 = arith.index_cast %swap3A_200 : i32 to index
      %swap3A_202 = arith.index_cast %scan3A_116 : i32 to index
      %swap3A_203 = arith.constant 64 : index
      %swap3A_204 = tpu.vector_load %arg8[%swap3A_201, %swap3A_202, %swap3A_203] {strides = array<i32>} : memref<2x128x128xf32, #tpu.memory_space<vmem>>, vector<1x1x16xf32>,
      %swap3A_205 = vector.shape_cast %swap3A_204 : vector<1x1x16xf32> to vector<16xf32>
      %swap3A_206 = vector.shape_cast %broadcast_in_dim3A_1 : vector<16xf32> to vector<1x1x16xf32>
      tpu.vector_store %arg8[%swap3A_201, %swap3A_202, %swap3A_203], %swap3A_206 {strides = array<i32>} : memref<2x128x128xf32, #tpu.memory_space<vmem>>, vector<1x1x16xf32>,
      %swap3A_207 = arith.constant 1 : i32
      %swap3A_208 = arith.index_cast %swap3A_207 : i32 to index
      %swap3A_209 = arith.index_cast %scan3A_116 : i32 to index
      %swap3A_210 = arith.constant 80 : index
      %swap3A_211 = tpu.vector_load %arg8[%swap3A_208, %swap3A_209, %swap3A_210] {strides = array<i32>} : memref<2x128x128xf32, #tpu.memory_space<vmem>>, vector<1x1x16xf32>,
      %swap3A_212 = vector.shape_cast %swap3A_211 : vector<1x1x16xf32> to vector<16xf32>
      %swap3A_213 = vector.shape_cast %broadcast_in_dim3A_1 : vector<16xf32> to vector<1x1x16xf32>
      tpu.vector_store %arg8[%swap3A_208, %swap3A_209, %swap3A_210], %swap3A_213 {strides = array<i32>} : memref<2x128x128xf32, #tpu.memory_space<vmem>>, vector<1x1x16xf32>,
      %swap3A_214 = arith.constant 1 : i32
      %swap3A_215 = arith.index_cast %swap3A_214 : i32 to index
      %swap3A_216 = arith.index_cast %scan3A_116 : i32 to index
      %swap3A_217 = arith.constant 96 : index
      %swap3A_218 = tpu.vector_load %arg8[%swap3A_215, %swap3A_216, %swap3A_217] {strides = array<i32>} : memref<2x128x128xf32, #tpu.memory_space<vmem>>, vector<1x1x16xf32>,
      %swap3A_219 = vector.shape_cast %swap3A_218 : vector<1x1x16xf32> to vector<16xf32>
      %swap3A_220 = vector.shape_cast %broadcast_in_dim3A_1 : vector<16xf32> to vector<1x1x16xf32>
      tpu.vector_store %arg8[%swap3A_215, %swap3A_216, %swap3A_217], %swap3A_220 {strides = array<i32>} : memref<2x128x128xf32, #tpu.memory_space<vmem>>, vector<1x1x16xf32>,
      %swap3A_221 = arith.constant 1 : i32
      %swap3A_222 = arith.index_cast %swap3A_221 : i32 to index
      %swap3A_223 = arith.index_cast %scan3A_116 : i32 to index
      %swap3A_224 = arith.constant 112 : index
      %swap3A_225 = tpu.vector_load %arg8[%swap3A_222, %swap3A_223, %swap3A_224] {strides = array<i32>} : memref<2x128x128xf32, #tpu.memory_space<vmem>>, vector<1x1x16xf32>,
      %swap3A_226 = vector.shape_cast %swap3A_225 : vector<1x1x16xf32> to vector<16xf32>
      %swap3A_227 = vector.shape_cast %broadcast_in_dim3A_1 : vector<16xf32> to vector<1x1x16xf32>
      tpu.vector_store %arg8[%swap3A_222, %swap3A_223, %swap3A_224], %swap3A_227 {strides = array<i32>} : memref<2x128x128xf32, #tpu.memory_space<vmem>>, vector<1x1x16xf32>,
    }
    %scan3A_5 = arith.constant 128 : i32
    %mul3A_6 = arith.constant 640 : i32
    %mul3A_7 = arith.muli %arg1, %mul3A_6 : i32
    %add3A_8 = arith.constant 0 : i32
    %add3A_9 = arith.addi %mul3A_7, %add3A_8 : i32
    %run_scoped3A = arith.constant 0 : i32
    "tpu.region"() ({
      %run_scoped3A_116 = tpu.sem_alloc : memref<!tpu.dma_semaphore, #tpu.memory_space<semaphore_mem>>
      %dma_start3A_117 = arith.constant 0 : i32
      %dma_start3A_118 = arith.constant 0 : i32
      %dma_start3A_119 = tpu.memref_slice %arg8[%run_scoped3A, %dma_start3A_117, %dma_start3A_118] : memref<2x128x128xf32, #tpu.memory_space<vmem>> -> memref<1x128x128xf32, #tpu.memory_space<vmem>>
      %dma_start3A_120 = tpu.memref_squeeze %dma_start3A_119 : memref<1x128x128xf32, #tpu.memory_space<vmem>> -> memref<128x128xf32, #tpu.memory_space<vmem>>
      %dma_start3A_121 = arith.constant 0 : i32
      %dma_start3A_122 = tpu.memref_slice %arg9[%add3A_9, %dma_start3A_121] : memref<10240x128xf32, #tpu.memory_space<vmem_shared>> -> memref<128x128xf32, #tpu.memory_space<vmem_shared>>
      %dma_start3A_123 = arith.constant 0 : i32
      %dma_start3A_124 = tpu.memref_slice %arg9[%add3A_9, %dma_start3A_123] : memref<10240x128xf32, #tpu.memory_space<vmem_shared>> -> memref<128x128xf32, #tpu.memory_space<vmem_shared>>
      %dma_start3A_125 = arith.constant 0 : i32
      %dma_start3A_126 = arith.constant 0 : i32
      %dma_start3A_127 = tpu.memref_slice %arg8[%run_scoped3A, %dma_start3A_125, %dma_start3A_126] : memref<2x128x128xf32, #tpu.memory_space<vmem>> -> memref<1x128x128xf32, #tpu.memory_space<vmem>>
      %dma_start3A_128 = tpu.memref_squeeze %dma_start3A_127 : memref<1x128x128xf32, #tpu.memory_space<vmem>> -> memref<128x128xf32, #tpu.memory_space<vmem>>
      tpu.enqueue_dma source(%dma_start3A_128 : memref<128x128xf32, #tpu.memory_space<vmem>>) target(%dma_start3A_124 : memref<128x128xf32, #tpu.memory_space<vmem_shared>>) target_semaphore(%run_scoped3A_116 : memref<!tpu.dma_semaphore, #tpu.memory_space<semaphore_mem>>)
      %dma_wait3A = arith.constant 0 : i32
      %dma_wait3A_129 = arith.constant 0 : i32
      %dma_wait3A_130 = tpu.memref_slice %arg8[%run_scoped3A, %dma_wait3A, %dma_wait3A_129] : memref<2x128x128xf32, #tpu.memory_space<vmem>> -> memref<1x128x128xf32, #tpu.memory_space<vmem>>
      %dma_wait3A_131 = tpu.memref_squeeze %dma_wait3A_130 : memref<1x128x128xf32, #tpu.memory_space<vmem>> -> memref<128x128xf32, #tpu.memory_space<vmem>>
      %dma_wait3A_132 = arith.constant 0 : i32
      %dma_wait3A_133 = tpu.memref_slice %arg9[%add3A_9, %dma_wait3A_132] : memref<10240x128xf32, #tpu.memory_space<vmem_shared>> -> memref<128x128xf32, #tpu.memory_space<vmem_shared>>
      %dma_wait3A_134 = arith.constant 0 : i32
      %dma_wait3A_135 = tpu.memref_slice %arg9[%add3A_9, %dma_wait3A_134] : memref<10240x128xf32, #tpu.memory_space<vmem_shared>> -> memref<128x128xf32, #tpu.memory_space<vmem_shared>>
      %dma_wait3A_136 = arith.constant 0 : i32
      %dma_wait3A_137 = arith.constant 0 : i32
      %dma_wait3A_138 = tpu.memref_slice %arg8[%run_scoped3A, %dma_wait3A_136, %dma_wait3A_137] : memref<2x128x128xf32, #tpu.memory_space<vmem>> -> memref<1x128x128xf32, #tpu.memory_space<vmem>>
      %dma_wait3A_139 = tpu.memref_squeeze %dma_wait3A_138 : memref<1x128x128xf32, #tpu.memory_space<vmem>> -> memref<128x128xf32, #tpu.memory_space<vmem>>
      tpu.wait_dma2 semaphore(%run_scoped3A_116 : memref<!tpu.dma_semaphore, #tpu.memory_space<semaphore_mem>>) src(%dma_wait3A_139 : memref<128x128xf32, #tpu.memory_space<vmem>>) dst(%dma_wait3A_135 : memref<128x128xf32, #tpu.memory_space<vmem_shared>>)
      tpu.yield
    }) : () -> ()
    %mul3A_10 = arith.constant 640 : i32
    %mul3A_11 = arith.muli %arg1, %mul3A_10 : i32
    %add3A_12 = arith.constant 128 : i32
    %add3A_13 = arith.addi %mul3A_11, %add3A_12 : i32
    %run_scoped3A_14 = arith.constant 0 : i32
    "tpu.region"() ({
      %run_scoped3A_116 = tpu.sem_alloc : memref<!tpu.dma_semaphore, #tpu.memory_space<semaphore_mem>>
      %dma_start3A_117 = arith.constant 0 : i32
      %dma_start3A_118 = arith.constant 0 : i32
      %dma_start3A_119 = tpu.memref_slice %arg8[%run_scoped3A_14, %dma_start3A_117, %dma_start3A_118] : memref<2x128x128xf32, #tpu.memory_space<vmem>> -> memref<1x128x128xf32, #tpu.memory_space<vmem>>
      %dma_start3A_120 = tpu.memref_squeeze %dma_start3A_119 : memref<1x128x128xf32, #tpu.memory_space<vmem>> -> memref<128x128xf32, #tpu.memory_space<vmem>>
      %dma_start3A_121 = arith.constant 0 : i32
      %dma_start3A_122 = tpu.memref_slice %arg9[%add3A_13, %dma_start3A_121] : memref<10240x128xf32, #tpu.memory_space<vmem_shared>> -> memref<128x128xf32, #tpu.memory_space<vmem_shared>>
      %dma_start3A_123 = arith.constant 0 : i32
      %dma_start3A_124 = tpu.memref_slice %arg9[%add3A_13, %dma_start3A_123] : memref<10240x128xf32, #tpu.memory_space<vmem_shared>> -> memref<128x128xf32, #tpu.memory_space<vmem_shared>>
      %dma_start3A_125 = arith.constant 0 : i32
      %dma_start3A_126 = arith.constant 0 : i32
      %dma_start3A_127 = tpu.memref_slice %arg8[%run_scoped3A_14, %dma_start3A_125, %dma_start3A_126] : memref<2x128x128xf32, #tpu.memory_space<vmem>> -> memref<1x128x128xf32, #tpu.memory_space<vmem>>
      %dma_start3A_128 = tpu.memref_squeeze %dma_start3A_127 : memref<1x128x128xf32, #tpu.memory_space<vmem>> -> memref<128x128xf32, #tpu.memory_space<vmem>>
      tpu.enqueue_dma source(%dma_start3A_128 : memref<128x128xf32, #tpu.memory_space<vmem>>) target(%dma_start3A_124 : memref<128x128xf32, #tpu.memory_space<vmem_shared>>) target_semaphore(%run_scoped3A_116 : memref<!tpu.dma_semaphore, #tpu.memory_space<semaphore_mem>>)
      %dma_wait3A = arith.constant 0 : i32
      %dma_wait3A_129 = arith.constant 0 : i32
      %dma_wait3A_130 = tpu.memref_slice %arg8[%run_scoped3A_14, %dma_wait3A, %dma_wait3A_129] : memref<2x128x128xf32, #tpu.memory_space<vmem>> -> memref<1x128x128xf32, #tpu.memory_space<vmem>>
      %dma_wait3A_131 = tpu.memref_squeeze %dma_wait3A_130 : memref<1x128x128xf32, #tpu.memory_space<vmem>> -> memref<128x128xf32, #tpu.memory_space<vmem>>
      %dma_wait3A_132 = arith.constant 0 : i32
      %dma_wait3A_133 = tpu.memref_slice %arg9[%add3A_13, %dma_wait3A_132] : memref<10240x128xf32, #tpu.memory_space<vmem_shared>> -> memref<128x128xf32, #tpu.memory_space<vmem_shared>>
      %dma_wait3A_134 = arith.constant 0 : i32
      %dma_wait3A_135 = tpu.memref_slice %arg9[%add3A_13, %dma_wait3A_134] : memref<10240x128xf32, #tpu.memory_space<vmem_shared>> -> memref<128x128xf32, #tpu.memory_space<vmem_shared>>
      %dma_wait3A_136 = arith.constant 0 : i32
      %dma_wait3A_137 = arith.constant 0 : i32
      %dma_wait3A_138 = tpu.memref_slice %arg8[%run_scoped3A_14, %dma_wait3A_136, %dma_wait3A_137] : memref<2x128x128xf32, #tpu.memory_space<vmem>> -> memref<1x128x128xf32, #tpu.memory_space<vmem>>
      %dma_wait3A_139 = tpu.memref_squeeze %dma_wait3A_138 : memref<1x128x128xf32, #tpu.memory_space<vmem>> -> memref<128x128xf32, #tpu.memory_space<vmem>>
      tpu.wait_dma2 semaphore(%run_scoped3A_116 : memref<!tpu.dma_semaphore, #tpu.memory_space<semaphore_mem>>) src(%dma_wait3A_139 : memref<128x128xf32, #tpu.memory_space<vmem>>) dst(%dma_wait3A_135 : memref<128x128xf32, #tpu.memory_space<vmem_shared>>)
      tpu.yield
    }) : () -> ()
    %mul3A_15 = arith.constant 640 : i32
    %mul3A_16 = arith.muli %arg1, %mul3A_15 : i32
    %add3A_17 = arith.constant 256 : i32
    %add3A_18 = arith.addi %mul3A_16, %add3A_17 : i32
    %run_scoped3A_19 = arith.constant 0 : i32
    "tpu.region"() ({
      %run_scoped3A_116 = tpu.sem_alloc : memref<!tpu.dma_semaphore, #tpu.memory_space<semaphore_mem>>
      %dma_start3A_117 = arith.constant 0 : i32
      %dma_start3A_118 = arith.constant 0 : i32
      %dma_start3A_119 = tpu.memref_slice %arg8[%run_scoped3A_19, %dma_start3A_117, %dma_start3A_118] : memref<2x128x128xf32, #tpu.memory_space<vmem>> -> memref<1x128x128xf32, #tpu.memory_space<vmem>>
      %dma_start3A_120 = tpu.memref_squeeze %dma_start3A_119 : memref<1x128x128xf32, #tpu.memory_space<vmem>> -> memref<128x128xf32, #tpu.memory_space<vmem>>
      %dma_start3A_121 = arith.constant 0 : i32
      %dma_start3A_122 = tpu.memref_slice %arg9[%add3A_18, %dma_start3A_121] : memref<10240x128xf32, #tpu.memory_space<vmem_shared>> -> memref<128x128xf32, #tpu.memory_space<vmem_shared>>
      %dma_start3A_123 = arith.constant 0 : i32
      %dma_start3A_124 = tpu.memref_slice %arg9[%add3A_18, %dma_start3A_123] : memref<10240x128xf32, #tpu.memory_space<vmem_shared>> -> memref<128x128xf32, #tpu.memory_space<vmem_shared>>
      %dma_start3A_125 = arith.constant 0 : i32
      %dma_start3A_126 = arith.constant 0 : i32
      %dma_start3A_127 = tpu.memref_slice %arg8[%run_scoped3A_19, %dma_start3A_125, %dma_start3A_126] : memref<2x128x128xf32, #tpu.memory_space<vmem>> -> memref<1x128x128xf32, #tpu.memory_space<vmem>>
      %dma_start3A_128 = tpu.memref_squeeze %dma_start3A_127 : memref<1x128x128xf32, #tpu.memory_space<vmem>> -> memref<128x128xf32, #tpu.memory_space<vmem>>
      tpu.enqueue_dma source(%dma_start3A_128 : memref<128x128xf32, #tpu.memory_space<vmem>>) target(%dma_start3A_124 : memref<128x128xf32, #tpu.memory_space<vmem_shared>>) target_semaphore(%run_scoped3A_116 : memref<!tpu.dma_semaphore, #tpu.memory_space<semaphore_mem>>)
      %dma_wait3A = arith.constant 0 : i32
      %dma_wait3A_129 = arith.constant 0 : i32
      %dma_wait3A_130 = tpu.memref_slice %arg8[%run_scoped3A_19, %dma_wait3A, %dma_wait3A_129] : memref<2x128x128xf32, #tpu.memory_space<vmem>> -> memref<1x128x128xf32, #tpu.memory_space<vmem>>
      %dma_wait3A_131 = tpu.memref_squeeze %dma_wait3A_130 : memref<1x128x128xf32, #tpu.memory_space<vmem>> -> memref<128x128xf32, #tpu.memory_space<vmem>>
      %dma_wait3A_132 = arith.constant 0 : i32
      %dma_wait3A_133 = tpu.memref_slice %arg9[%add3A_18, %dma_wait3A_132] : memref<10240x128xf32, #tpu.memory_space<vmem_shared>> -> memref<128x128xf32, #tpu.memory_space<vmem_shared>>
      %dma_wait3A_134 = arith.constant 0 : i32
      %dma_wait3A_135 = tpu.memref_slice %arg9[%add3A_18, %dma_wait3A_134] : memref<10240x128xf32, #tpu.memory_space<vmem_shared>> -> memref<128x128xf32, #tpu.memory_space<vmem_shared>>
      %dma_wait3A_136 = arith.constant 0 : i32
      %dma_wait3A_137 = arith.constant 0 : i32
      %dma_wait3A_138 = tpu.memref_slice %arg8[%run_scoped3A_19, %dma_wait3A_136, %dma_wait3A_137] : memref<2x128x128xf32, #tpu.memory_space<vmem>> -> memref<1x128x128xf32, #tpu.memory_space<vmem>>
      %dma_wait3A_139 = tpu.memref_squeeze %dma_wait3A_138 : memref<1x128x128xf32, #tpu.memory_space<vmem>> -> memref<128x128xf32, #tpu.memory_space<vmem>>
      tpu.wait_dma2 semaphore(%run_scoped3A_116 : memref<!tpu.dma_semaphore, #tpu.memory_space<semaphore_mem>>) src(%dma_wait3A_139 : memref<128x128xf32, #tpu.memory_space<vmem>>) dst(%dma_wait3A_135 : memref<128x128xf32, #tpu.memory_space<vmem_shared>>)
      tpu.yield
    }) : () -> ()
    %mul3A_20 = arith.constant 640 : i32
    %mul3A_21 = arith.muli %arg1, %mul3A_20 : i32
    %add3A_22 = arith.constant 384 : i32
    %add3A_23 = arith.addi %mul3A_21, %add3A_22 : i32
    %run_scoped3A_24 = arith.constant 0 : i32
    "tpu.region"() ({
      %run_scoped3A_116 = tpu.sem_alloc : memref<!tpu.dma_semaphore, #tpu.memory_space<semaphore_mem>>
      %dma_start3A_117 = arith.constant 0 : i32
      %dma_start3A_118 = arith.constant 0 : i32
      %dma_start3A_119 = tpu.memref_slice %arg8[%run_scoped3A_24, %dma_start3A_117, %dma_start3A_118] : memref<2x128x128xf32, #tpu.memory_space<vmem>> -> memref<1x128x128xf32, #tpu.memory_space<vmem>>
      %dma_start3A_120 = tpu.memref_squeeze %dma_start3A_119 : memref<1x128x128xf32, #tpu.memory_space<vmem>> -> memref<128x128xf32, #tpu.memory_space<vmem>>
      %dma_start3A_121 = arith.constant 0 : i32
      %dma_start3A_122 = tpu.memref_slice %arg9[%add3A_23, %dma_start3A_121] : memref<10240x128xf32, #tpu.memory_space<vmem_shared>> -> memref<128x128xf32, #tpu.memory_space<vmem_shared>>
      %dma_start3A_123 = arith.constant 0 : i32
      %dma_start3A_124 = tpu.memref_slice %arg9[%add3A_23, %dma_start3A_123] : memref<10240x128xf32, #tpu.memory_space<vmem_shared>> -> memref<128x128xf32, #tpu.memory_space<vmem_shared>>
      %dma_start3A_125 = arith.constant 0 : i32
      %dma_start3A_126 = arith.constant 0 : i32
      %dma_start3A_127 = tpu.memref_slice %arg8[%run_scoped3A_24, %dma_start3A_125, %dma_start3A_126] : memref<2x128x128xf32, #tpu.memory_space<vmem>> -> memref<1x128x128xf32, #tpu.memory_space<vmem>>
      %dma_start3A_128 = tpu.memref_squeeze %dma_start3A_127 : memref<1x128x128xf32, #tpu.memory_space<vmem>> -> memref<128x128xf32, #tpu.memory_space<vmem>>
      tpu.enqueue_dma source(%dma_start3A_128 : memref<128x128xf32, #tpu.memory_space<vmem>>) target(%dma_start3A_124 : memref<128x128xf32, #tpu.memory_space<vmem_shared>>) target_semaphore(%run_scoped3A_116 : memref<!tpu.dma_semaphore, #tpu.memory_space<semaphore_mem>>)
      %dma_wait3A = arith.constant 0 : i32
      %dma_wait3A_129 = arith.constant 0 : i32
      %dma_wait3A_130 = tpu.memref_slice %arg8[%run_scoped3A_24, %dma_wait3A, %dma_wait3A_129] : memref<2x128x128xf32, #tpu.memory_space<vmem>> -> memref<1x128x128xf32, #tpu.memory_space<vmem>>
      %dma_wait3A_131 = tpu.memref_squeeze %dma_wait3A_130 : memref<1x128x128xf32, #tpu.memory_space<vmem>> -> memref<128x128xf32, #tpu.memory_space<vmem>>
      %dma_wait3A_132 = arith.constant 0 : i32
      %dma_wait3A_133 = tpu.memref_slice %arg9[%add3A_23, %dma_wait3A_132] : memref<10240x128xf32, #tpu.memory_space<vmem_shared>> -> memref<128x128xf32, #tpu.memory_space<vmem_shared>>
      %dma_wait3A_134 = arith.constant 0 : i32
      %dma_wait3A_135 = tpu.memref_slice %arg9[%add3A_23, %dma_wait3A_134] : memref<10240x128xf32, #tpu.memory_space<vmem_shared>> -> memref<128x128xf32, #tpu.memory_space<vmem_shared>>
      %dma_wait3A_136 = arith.constant 0 : i32
      %dma_wait3A_137 = arith.constant 0 : i32
      %dma_wait3A_138 = tpu.memref_slice %arg8[%run_scoped3A_24, %dma_wait3A_136, %dma_wait3A_137] : memref<2x128x128xf32, #tpu.memory_space<vmem>> -> memref<1x128x128xf32, #tpu.memory_space<vmem>>
      %dma_wait3A_139 = tpu.memref_squeeze %dma_wait3A_138 : memref<1x128x128xf32, #tpu.memory_space<vmem>> -> memref<128x128xf32, #tpu.memory_space<vmem>>
      tpu.wait_dma2 semaphore(%run_scoped3A_116 : memref<!tpu.dma_semaphore, #tpu.memory_space<semaphore_mem>>) src(%dma_wait3A_139 : memref<128x128xf32, #tpu.memory_space<vmem>>) dst(%dma_wait3A_135 : memref<128x128xf32, #tpu.memory_space<vmem_shared>>)
      tpu.yield
    }) : () -> ()
    %mul3A_25 = arith.constant 640 : i32
    %mul3A_26 = arith.muli %arg1, %mul3A_25 : i32
    %add3A_27 = arith.constant 512 : i32
    %add3A_28 = arith.addi %mul3A_26, %add3A_27 : i32
    %run_scoped3A_29 = arith.constant 0 : i32
    "tpu.region"() ({
      %run_scoped3A_116 = tpu.sem_alloc : memref<!tpu.dma_semaphore, #tpu.memory_space<semaphore_mem>>
      %dma_start3A_117 = arith.constant 0 : i32
      %dma_start3A_118 = arith.constant 0 : i32
      %dma_start3A_119 = tpu.memref_slice %arg8[%run_scoped3A_29, %dma_start3A_117, %dma_start3A_118] : memref<2x128x128xf32, #tpu.memory_space<vmem>> -> memref<1x128x128xf32, #tpu.memory_space<vmem>>
      %dma_start3A_120 = tpu.memref_squeeze %dma_start3A_119 : memref<1x128x128xf32, #tpu.memory_space<vmem>> -> memref<128x128xf32, #tpu.memory_space<vmem>>
      %dma_start3A_121 = arith.constant 0 : i32
      %dma_start3A_122 = tpu.memref_slice %arg9[%add3A_28, %dma_start3A_121] : memref<10240x128xf32, #tpu.memory_space<vmem_shared>> -> memref<128x128xf32, #tpu.memory_space<vmem_shared>>
      %dma_start3A_123 = arith.constant 0 : i32
      %dma_start3A_124 = tpu.memref_slice %arg9[%add3A_28, %dma_start3A_123] : memref<10240x128xf32, #tpu.memory_space<vmem_shared>> -> memref<128x128xf32, #tpu.memory_space<vmem_shared>>
      %dma_start3A_125 = arith.constant 0 : i32
      %dma_start3A_126 = arith.constant 0 : i32
      %dma_start3A_127 = tpu.memref_slice %arg8[%run_scoped3A_29, %dma_start3A_125, %dma_start3A_126] : memref<2x128x128xf32, #tpu.memory_space<vmem>> -> memref<1x128x128xf32, #tpu.memory_space<vmem>>
      %dma_start3A_128 = tpu.memref_squeeze %dma_start3A_127 : memref<1x128x128xf32, #tpu.memory_space<vmem>> -> memref<128x128xf32, #tpu.memory_space<vmem>>
      tpu.enqueue_dma source(%dma_start3A_128 : memref<128x128xf32, #tpu.memory_space<vmem>>) target(%dma_start3A_124 : memref<128x128xf32, #tpu.memory_space<vmem_shared>>) target_semaphore(%run_scoped3A_116 : memref<!tpu.dma_semaphore, #tpu.memory_space<semaphore_mem>>)
      %dma_wait3A = arith.constant 0 : i32
      %dma_wait3A_129 = arith.constant 0 : i32
      %dma_wait3A_130 = tpu.memref_slice %arg8[%run_scoped3A_29, %dma_wait3A, %dma_wait3A_129] : memref<2x128x128xf32, #tpu.memory_space<vmem>> -> memref<1x128x128xf32, #tpu.memory_space<vmem>>
      %dma_wait3A_131 = tpu.memref_squeeze %dma_wait3A_130 : memref<1x128x128xf32, #tpu.memory_space<vmem>> -> memref<128x128xf32, #tpu.memory_space<vmem>>
      %dma_wait3A_132 = arith.constant 0 : i32
      %dma_wait3A_133 = tpu.memref_slice %arg9[%add3A_28, %dma_wait3A_132] : memref<10240x128xf32, #tpu.memory_space<vmem_shared>> -> memref<128x128xf32, #tpu.memory_space<vmem_shared>>
      %dma_wait3A_134 = arith.constant 0 : i32
      %dma_wait3A_135 = tpu.memref_slice %arg9[%add3A_28, %dma_wait3A_134] : memref<10240x128xf32, #tpu.memory_space<vmem_shared>> -> memref<128x128xf32, #tpu.memory_space<vmem_shared>>
      %dma_wait3A_136 = arith.constant 0 : i32
      %dma_wait3A_137 = arith.constant 0 : i32
      %dma_wait3A_138 = tpu.memref_slice %arg8[%run_scoped3A_29, %dma_wait3A_136, %dma_wait3A_137] : memref<2x128x128xf32, #tpu.memory_space<vmem>> -> memref<1x128x128xf32, #tpu.memory_space<vmem>>
      %dma_wait3A_139 = tpu.memref_squeeze %dma_wait3A_138 : memref<1x128x128xf32, #tpu.memory_space<vmem>> -> memref<128x128xf32, #tpu.memory_space<vmem>>
      tpu.wait_dma2 semaphore(%run_scoped3A_116 : memref<!tpu.dma_semaphore, #tpu.memory_space<semaphore_mem>>) src(%dma_wait3A_139 : memref<128x128xf32, #tpu.memory_space<vmem>>) dst(%dma_wait3A_135 : memref<128x128xf32, #tpu.memory_space<vmem_shared>>)
      tpu.yield
    }) : () -> ()
    %barrier3A = arith.constant 0 : index
    tpu.barrier barrier_id(%barrier3A)
    %mul3A_30 = arith.constant 80 : i32
    %mul3A_31 = arith.muli %add3A, %mul3A_30 : i32
    %add3A_32 = arith.constant 0 : i32
    %add3A_33 = arith.addi %mul3A_31, %add3A_32 : i32
    "tpu.region"() ({
      %run_scoped3A_116 = tpu.sem_alloc : memref<!tpu.dma_semaphore, #tpu.memory_space<semaphore_mem>>
      %dma_start3A_117 = arith.constant 0 : i32
      %dma_start3A_118 = tpu.memref_slice %arg3[%add3A_33, %dma_start3A_117] : memref<2560x128xi32, #tpu.memory_space<hbm>> -> memref<40x128xi32, #tpu.memory_space<hbm>>
      %dma_start3A_119 = arith.constant 0 : i32
      %dma_start3A_120 = tpu.memref_slice %arg3[%add3A_33, %dma_start3A_119] : memref<2560x128xi32, #tpu.memory_space<hbm>> -> memref<40x128xi32, #tpu.memory_space<hbm>>
      tpu.enqueue_dma source(%dma_start3A_120 : memref<40x128xi32, #tpu.memory_space<hbm>>) target(%arg6 : memref<40x128xi32, #tpu.memory_space<vmem>>) target_semaphore(%run_scoped3A_116 : memref<!tpu.dma_semaphore, #tpu.memory_space<semaphore_mem>>)
      %dma_wait3A = arith.constant 0 : i32
      %dma_wait3A_121 = tpu.memref_slice %arg3[%add3A_33, %dma_wait3A] : memref<2560x128xi32, #tpu.memory_space<hbm>> -> memref<40x128xi32, #tpu.memory_space<hbm>>
      %dma_wait3A_122 = arith.constant 0 : i32
      %dma_wait3A_123 = tpu.memref_slice %arg3[%add3A_33, %dma_wait3A_122] : memref<2560x128xi32, #tpu.memory_space<hbm>> -> memref<40x128xi32, #tpu.memory_space<hbm>>
      tpu.wait_dma2 semaphore(%run_scoped3A_116 : memref<!tpu.dma_semaphore, #tpu.memory_space<semaphore_mem>>) src(%dma_wait3A_123 : memref<40x128xi32, #tpu.memory_space<hbm>>) dst(%arg6 : memref<40x128xi32, #tpu.memory_space<vmem>>)
      tpu.yield
    }) : () -> ()
    "tpu.region"() ({
      %run_scoped3A_116 = tpu.sem_alloc : memref<!tpu.dma_semaphore, #tpu.memory_space<semaphore_mem>>
      %dma_start3A_117 = arith.constant 0 : i32
      %dma_start3A_118 = tpu.memref_slice %arg4[%add3A_33, %dma_start3A_117] : memref<2560x128xi32, #tpu.memory_space<hbm>> -> memref<40x128xi32, #tpu.memory_space<hbm>>
      %dma_start3A_119 = arith.constant 0 : i32
      %dma_start3A_120 = tpu.memref_slice %arg4[%add3A_33, %dma_start3A_119] : memref<2560x128xi32, #tpu.memory_space<hbm>> -> memref<40x128xi32, #tpu.memory_space<hbm>>
      tpu.enqueue_dma source(%dma_start3A_120 : memref<40x128xi32, #tpu.memory_space<hbm>>) target(%arg7 : memref<40x128xi32, #tpu.memory_space<vmem>>) target_semaphore(%run_scoped3A_116 : memref<!tpu.dma_semaphore, #tpu.memory_space<semaphore_mem>>)
      %dma_wait3A = arith.constant 0 : i32
      %dma_wait3A_121 = tpu.memref_slice %arg4[%add3A_33, %dma_wait3A] : memref<2560x128xi32, #tpu.memory_space<hbm>> -> memref<40x128xi32, #tpu.memory_space<hbm>>
      %dma_wait3A_122 = arith.constant 0 : i32
      %dma_wait3A_123 = tpu.memref_slice %arg4[%add3A_33, %dma_wait3A_122] : memref<2560x128xi32, #tpu.memory_space<hbm>> -> memref<40x128xi32, #tpu.memory_space<hbm>>
      tpu.wait_dma2 semaphore(%run_scoped3A_116 : memref<!tpu.dma_semaphore, #tpu.memory_space<semaphore_mem>>) src(%dma_wait3A_123 : memref<40x128xi32, #tpu.memory_space<hbm>>) dst(%arg7 : memref<40x128xi32, #tpu.memory_space<vmem>>)
      tpu.yield
    }) : () -> ()
    %dma_start3A = arith.constant 0 : i32
    %dma_start3A_34 = arith.constant 0 : i32
    %dma_start3A_35 = arith.constant 0 : i32
    %dma_start3A_36 = arith.constant 0 : i32
    %dma_start3A_37 = tpu.memref_slice %arg8[%dma_start3A_34, %dma_start3A_35, %dma_start3A_36] : memref<2x128x128xf32, #tpu.memory_space<vmem>> -> memref<1x128x128xf32, #tpu.memory_space<vmem>>
    %dma_start3A_38 = tpu.memref_squeeze %dma_start3A_37 : memref<1x128x128xf32, #tpu.memory_space<vmem>> -> memref<128x128xf32, #tpu.memory_space<vmem>>
    %dma_start3A_39 = arith.constant 0 : i32
    %dma_start3A_40 = tpu.memref_slice %arg6[%dma_start3A, %dma_start3A_39] : memref<40x128xi32, #tpu.memory_space<vmem>> -> memref<1x128xi32, #tpu.memory_space<vmem>>
    %dma_start3A_41 = tpu.memref_squeeze %dma_start3A_40 : memref<1x128xi32, #tpu.memory_space<vmem>> -> memref<128xi32, #tpu.memory_space<vmem>>
    %dma_start3A_42 = arith.constant 0 : i32
    %dma_start3A_43 = arith.constant 0 : i32
    %dma_start3A_44 = tpu.memref_slice %arg2[%dma_start3A_42, %dma_start3A_43] : memref<10240x128xf32, #tpu.memory_space<hbm>> -> memref<10240x128xf32, #tpu.memory_space<hbm>>
    tpu.enqueue_indirect_dma source(%dma_start3A_44 : memref<10240x128xf32, #tpu.memory_space<hbm>>) target(%dma_start3A_38 : memref<128x128xf32, #tpu.memory_space<vmem>>) offsets(%dma_start3A_41 : memref<128xi32, #tpu.memory_space<vmem>>) semaphore(%arg10 : memref<!tpu.dma_semaphore, #tpu.memory_space<semaphore_mem>>)
    %dma_start3A_45 = arith.constant 1 : i32
    %dma_start3A_46 = arith.constant 1 : i32
    %dma_start3A_47 = arith.constant 0 : i32
    %dma_start3A_48 = arith.constant 0 : i32
    %dma_start3A_49 = tpu.memref_slice %arg8[%dma_start3A_46, %dma_start3A_47, %dma_start3A_48] : memref<2x128x128xf32, #tpu.memory_space<vmem>> -> memref<1x128x128xf32, #tpu.memory_space<vmem>>
    %dma_start3A_50 = tpu.memref_squeeze %dma_start3A_49 : memref<1x128x128xf32, #tpu.memory_space<vmem>> -> memref<128x128xf32, #tpu.memory_space<vmem>>
    %dma_start3A_51 = arith.constant 0 : i32
    %dma_start3A_52 = tpu.memref_slice %arg6[%dma_start3A_45, %dma_start3A_51] : memref<40x128xi32, #tpu.memory_space<vmem>> -> memref<1x128xi32, #tpu.memory_space<vmem>>
    %dma_start3A_53 = tpu.memref_squeeze %dma_start3A_52 : memref<1x128xi32, #tpu.memory_space<vmem>> -> memref<128xi32, #tpu.memory_space<vmem>>
    %dma_start3A_54 = arith.constant 0 : i32
    %dma_start3A_55 = arith.constant 0 : i32
    %dma_start3A_56 = tpu.memref_slice %arg2[%dma_start3A_54, %dma_start3A_55] : memref<10240x128xf32, #tpu.memory_space<hbm>> -> memref<10240x128xf32, #tpu.memory_space<hbm>>
    tpu.enqueue_indirect_dma source(%dma_start3A_56 : memref<10240x128xf32, #tpu.memory_space<hbm>>) target(%dma_start3A_50 : memref<128x128xf32, #tpu.memory_space<vmem>>) offsets(%dma_start3A_53 : memref<128xi32, #tpu.memory_space<vmem>>) semaphore(%arg10 : memref<!tpu.dma_semaphore, #tpu.memory_space<semaphore_mem>>)
    %scan3A_57 = arith.constant 0 : i32
    %scan3A_58 = arith.constant 20 : i32
    %scan3A_59 = arith.addi %scan3A_57, %scan3A_58 : i32
    %scan3A_60 = arith.constant 1 : i32
    scf.for %scan3A_116 = %scan3A_57 to %scan3A_59 step %scan3A_60  : i32 {
      %mul3A_117 = arith.constant 2 : i32
      %mul3A_118 = arith.muli %scan3A_116, %mul3A_117 : i32
      %add3A_119 = arith.constant 0 : i32
      %add3A_120 = arith.addi %mul3A_118, %add3A_119 : i32
      %dma_wait3A = arith.constant 0 : i32
      %dma_wait3A_121 = arith.constant 0 : i32
      %dma_wait3A_122 = arith.constant 0 : i32
      %dma_wait3A_123 = tpu.memref_slice %arg8[%dma_wait3A, %dma_wait3A_121, %dma_wait3A_122] : memref<2x128x128xf32, #tpu.memory_space<vmem>> -> memref<1x128x128xf32, #tpu.memory_space<vmem>>
      %dma_wait3A_124 = tpu.memref_squeeze %dma_wait3A_123 : memref<1x128x128xf32, #tpu.memory_space<vmem>> -> memref<128x128xf32, #tpu.memory_space<vmem>>
      %dma_wait3A_125 = arith.constant 0 : i32
      %dma_wait3A_126 = tpu.memref_slice %arg6[%add3A_120, %dma_wait3A_125] : memref<40x128xi32, #tpu.memory_space<vmem>> -> memref<1x128xi32, #tpu.memory_space<vmem>>
      %dma_wait3A_127 = tpu.memref_squeeze %dma_wait3A_126 : memref<1x128xi32, #tpu.memory_space<vmem>> -> memref<128xi32, #tpu.memory_space<vmem>>
      %dma_wait3A_128 = arith.constant 0 : i32
      %dma_wait3A_129 = arith.constant 0 : i32
      %dma_wait3A_130 = tpu.memref_slice %arg2[%dma_wait3A_128, %dma_wait3A_129] : memref<10240x128xf32, #tpu.memory_space<hbm>> -> memref<10240x128xf32, #tpu.memory_space<hbm>>
      tpu.wait_indirect_dma semaphore(%arg10 : memref<!tpu.dma_semaphore, #tpu.memory_space<semaphore_mem>>) src(%dma_wait3A_130 : memref<10240x128xf32, #tpu.memory_space<hbm>>) dst(%dma_wait3A_124 : memref<128x128xf32, #tpu.memory_space<vmem>>)
      %add3A_131 = arith.constant 0 : i32
      %add3A_132 = arith.addi %mul3A_118, %add3A_131 : i32
      %dma_start3A_133 = arith.constant 0 : i32
      %dma_start3A_134 = arith.constant 0 : i32
      %dma_start3A_135 = arith.constant 0 : i32
      %dma_start3A_136 = tpu.memref_slice %arg8[%dma_start3A_133, %dma_start3A_134, %dma_start3A_135] : memref<2x128x128xf32, #tpu.memory_space<vmem>> -> memref<1x128x128xf32, #tpu.memory_space<vmem>>
      %dma_start3A_137 = tpu.memref_squeeze %dma_start3A_136 : memref<1x128x128xf32, #tpu.memory_space<vmem>> -> memref<128x128xf32, #tpu.memory_space<vmem>>
      %dma_start3A_138 = arith.constant 0 : i32
      %dma_start3A_139 = tpu.memref_slice %arg7[%add3A_132, %dma_start3A_138] : memref<40x128xi32, #tpu.memory_space<vmem>> -> memref<1x128xi32, #tpu.memory_space<vmem>>
      %dma_start3A_140 = tpu.memref_squeeze %dma_start3A_139 : memref<1x128xi32, #tpu.memory_space<vmem>> -> memref<128xi32, #tpu.memory_space<vmem>>
      %dma_start3A_141 = arith.constant 0 : i32
      %dma_start3A_142 = arith.constant 0 : i32
      %dma_start3A_143 = tpu.memref_slice %arg9[%dma_start3A_141, %dma_start3A_142] : memref<10240x128xf32, #tpu.memory_space<vmem_shared>> -> memref<10240x128xf32, #tpu.memory_space<vmem_shared>>
      tpu.enqueue_indirect_dma source(%dma_start3A_137 : memref<128x128xf32, #tpu.memory_space<vmem>>) target(%dma_start3A_143 : memref<10240x128xf32, #tpu.memory_space<vmem_shared>>) offsets(%dma_start3A_140 : memref<128xi32, #tpu.memory_space<vmem>>) semaphore(%arg11 : memref<!tpu.dma_semaphore, #tpu.memory_space<semaphore_mem>>) {add = true}
      %add3A_144 = arith.constant 1 : i32
      %add3A_145 = arith.addi %mul3A_118, %add3A_144 : i32
      %dma_wait3A_146 = arith.constant 1 : i32
      %dma_wait3A_147 = arith.constant 0 : i32
      %dma_wait3A_148 = arith.constant 0 : i32
      %dma_wait3A_149 = tpu.memref_slice %arg8[%dma_wait3A_146, %dma_wait3A_147, %dma_wait3A_148] : memref<2x128x128xf32, #tpu.memory_space<vmem>> -> memref<1x128x128xf32, #tpu.memory_space<vmem>>
      %dma_wait3A_150 = tpu.memref_squeeze %dma_wait3A_149 : memref<1x128x128xf32, #tpu.memory_space<vmem>> -> memref<128x128xf32, #tpu.memory_space<vmem>>
      %dma_wait3A_151 = arith.constant 0 : i32
      %dma_wait3A_152 = tpu.memref_slice %arg6[%add3A_145, %dma_wait3A_151] : memref<40x128xi32, #tpu.memory_space<vmem>> -> memref<1x128xi32, #tpu.memory_space<vmem>>
      %dma_wait3A_153 = tpu.memref_squeeze %dma_wait3A_152 : memref<1x128xi32, #tpu.memory_space<vmem>> -> memref<128xi32, #tpu.memory_space<vmem>>
      %dma_wait3A_154 = arith.constant 0 : i32
      %dma_wait3A_155 = arith.constant 0 : i32
      %dma_wait3A_156 = tpu.memref_slice %arg2[%dma_wait3A_154, %dma_wait3A_155] : memref<10240x128xf32, #tpu.memory_space<hbm>> -> memref<10240x128xf32, #tpu.memory_space<hbm>>
      tpu.wait_indirect_dma semaphore(%arg10 : memref<!tpu.dma_semaphore, #tpu.memory_space<semaphore_mem>>) src(%dma_wait3A_156 : memref<10240x128xf32, #tpu.memory_space<hbm>>) dst(%dma_wait3A_150 : memref<128x128xf32, #tpu.memory_space<vmem>>)
      %add3A_157 = arith.constant 1 : i32
      %add3A_158 = arith.addi %mul3A_118, %add3A_157 : i32
      %dma_start3A_159 = arith.constant 1 : i32
      %dma_start3A_160 = arith.constant 0 : i32
      %dma_start3A_161 = arith.constant 0 : i32
      %dma_start3A_162 = tpu.memref_slice %arg8[%dma_start3A_159, %dma_start3A_160, %dma_start3A_161] : memref<2x128x128xf32, #tpu.memory_space<vmem>> -> memref<1x128x128xf32, #tpu.memory_space<vmem>>
      %dma_start3A_163 = tpu.memref_squeeze %dma_start3A_162 : memref<1x128x128xf32, #tpu.memory_space<vmem>> -> memref<128x128xf32, #tpu.memory_space<vmem>>
      %dma_start3A_164 = arith.constant 0 : i32
      %dma_start3A_165 = tpu.memref_slice %arg7[%add3A_158, %dma_start3A_164] : memref<40x128xi32, #tpu.memory_space<vmem>> -> memref<1x128xi32, #tpu.memory_space<vmem>>
      %dma_start3A_166 = tpu.memref_squeeze %dma_start3A_165 : memref<1x128xi32, #tpu.memory_space<vmem>> -> memref<128xi32, #tpu.memory_space<vmem>>
      %dma_start3A_167 = arith.constant 0 : i32
      %dma_start3A_168 = arith.constant 0 : i32
      %dma_start3A_169 = tpu.memref_slice %arg9[%dma_start3A_167, %dma_start3A_168] : memref<10240x128xf32, #tpu.memory_space<vmem_shared>> -> memref<10240x128xf32, #tpu.memory_space<vmem_shared>>
      tpu.enqueue_indirect_dma source(%dma_start3A_163 : memref<128x128xf32, #tpu.memory_space<vmem>>) target(%dma_start3A_169 : memref<10240x128xf32, #tpu.memory_space<vmem_shared>>) offsets(%dma_start3A_166 : memref<128xi32, #tpu.memory_space<vmem>>) semaphore(%arg11 : memref<!tpu.dma_semaphore, #tpu.memory_space<semaphore_mem>>) {add = true}
      %dma_wait3A_170 = arith.constant 0 : i32
      %dma_wait3A_171 = arith.constant 0 : i32
      %dma_wait3A_172 = arith.constant 0 : i32
      %dma_wait3A_173 = tpu.memref_slice %arg8[%dma_wait3A_170, %dma_wait3A_171, %dma_wait3A_172] : memref<2x128x128xf32, #tpu.memory_space<vmem>> -> memref<1x128x128xf32, #tpu.memory_space<vmem>>
      %dma_wait3A_174 = tpu.memref_squeeze %dma_wait3A_173 : memref<1x128x128xf32, #tpu.memory_space<vmem>> -> memref<128x128xf32, #tpu.memory_space<vmem>>
      %dma_wait3A_175 = arith.constant 0 : i32
      %dma_wait3A_176 = tpu.memref_slice %arg7[%add3A_132, %dma_wait3A_175] : memref<40x128xi32, #tpu.memory_space<vmem>> -> memref<1x128xi32, #tpu.memory_space<vmem>>
      %dma_wait3A_177 = tpu.memref_squeeze %dma_wait3A_176 : memref<1x128xi32, #tpu.memory_space<vmem>> -> memref<128xi32, #tpu.memory_space<vmem>>
      %dma_wait3A_178 = arith.constant 0 : i32
      %dma_wait3A_179 = arith.constant 0 : i32
      %dma_wait3A_180 = tpu.memref_slice %arg9[%dma_wait3A_178, %dma_wait3A_179] : memref<10240x128xf32, #tpu.memory_space<vmem_shared>> -> memref<10240x128xf32, #tpu.memory_space<vmem_shared>>
      tpu.wait_indirect_dma semaphore(%arg11 : memref<!tpu.dma_semaphore, #tpu.memory_space<semaphore_mem>>) src(%dma_wait3A_174 : memref<128x128xf32, #tpu.memory_space<vmem>>) dst(%dma_wait3A_180 : memref<10240x128xf32, #tpu.memory_space<vmem_shared>>)
      %add3A_181 = arith.constant 2 : i32
      %add3A_182 = arith.addi %mul3A_118, %add3A_181 : i32
      %add3A_183 = arith.constant 0 : i32
      %add3A_184 = arith.addi %add3A_182, %add3A_183 : i32
      %lt3A = arith.constant 40 : i32
      %lt3A_185 = arith.cmpi slt, %add3A_184, %lt3A : i32
      %convert_element_type3A = arith.extui %lt3A_185 : i1 to i32
      %cond3A = arith.constant 0 : i32
      %cond3A_186 = arith.cmpi ne, %convert_element_type3A, %cond3A : i32
      scf.if %cond3A_186 {
        %add3A_207 = arith.constant 2 : i32
        %add3A_208 = arith.addi %mul3A_118, %add3A_207 : i32
        %add3A_209 = arith.constant 0 : i32
        %add3A_210 = arith.addi %add3A_208, %add3A_209 : i32
        %dma_start3A_211 = arith.constant 0 : i32
        %dma_start3A_212 = arith.constant 0 : i32
        %dma_start3A_213 = arith.constant 0 : i32
        %dma_start3A_214 = tpu.memref_slice %arg8[%dma_start3A_211, %dma_start3A_212, %dma_start3A_213] : memref<2x128x128xf32, #tpu.memory_space<vmem>> -> memref<1x128x128xf32, #tpu.memory_space<vmem>>
        %dma_start3A_215 = tpu.memref_squeeze %dma_start3A_214 : memref<1x128x128xf32, #tpu.memory_space<vmem>> -> memref<128x128xf32, #tpu.memory_space<vmem>>
        %dma_start3A_216 = arith.constant 0 : i32
        %dma_start3A_217 = tpu.memref_slice %arg6[%add3A_210, %dma_start3A_216] : memref<40x128xi32, #tpu.memory_space<vmem>> -> memref<1x128xi32, #tpu.memory_space<vmem>>
        %dma_start3A_218 = tpu.memref_squeeze %dma_start3A_217 : memref<1x128xi32, #tpu.memory_space<vmem>> -> memref<128xi32, #tpu.memory_space<vmem>>
        %dma_start3A_219 = arith.constant 0 : i32
        %dma_start3A_220 = arith.constant 0 : i32
        %dma_start3A_221 = tpu.memref_slice %arg2[%dma_start3A_219, %dma_start3A_220] : memref<10240x128xf32, #tpu.memory_space<hbm>> -> memref<10240x128xf32, #tpu.memory_space<hbm>>
        tpu.enqueue_indirect_dma source(%dma_start3A_221 : memref<10240x128xf32, #tpu.memory_space<hbm>>) target(%dma_start3A_215 : memref<128x128xf32, #tpu.memory_space<vmem>>) offsets(%dma_start3A_218 : memref<128xi32, #tpu.memory_space<vmem>>) semaphore(%arg10 : memref<!tpu.dma_semaphore, #tpu.memory_space<semaphore_mem>>)
      } else {
      }
      %dma_wait3A_187 = arith.constant 1 : i32
      %dma_wait3A_188 = arith.constant 0 : i32
      %dma_wait3A_189 = arith.constant 0 : i32
      %dma_wait3A_190 = tpu.memref_slice %arg8[%dma_wait3A_187, %dma_wait3A_188, %dma_wait3A_189] : memref<2x128x128xf32, #tpu.memory_space<vmem>> -> memref<1x128x128xf32, #tpu.memory_space<vmem>>
      %dma_wait3A_191 = tpu.memref_squeeze %dma_wait3A_190 : memref<1x128x128xf32, #tpu.memory_space<vmem>> -> memref<128x128xf32, #tpu.memory_space<vmem>>
      %dma_wait3A_192 = arith.constant 0 : i32
      %dma_wait3A_193 = tpu.memref_slice %arg7[%add3A_158, %dma_wait3A_192] : memref<40x128xi32, #tpu.memory_space<vmem>> -> memref<1x128xi32, #tpu.memory_space<vmem>>
      %dma_wait3A_194 = tpu.memref_squeeze %dma_wait3A_193 : memref<1x128xi32, #tpu.memory_space<vmem>> -> memref<128xi32, #tpu.memory_space<vmem>>
      %dma_wait3A_195 = arith.constant 0 : i32
      %dma_wait3A_196 = arith.constant 0 : i32
      %dma_wait3A_197 = tpu.memref_slice %arg9[%dma_wait3A_195, %dma_wait3A_196] : memref<10240x128xf32, #tpu.memory_space<vmem_shared>> -> memref<10240x128xf32, #tpu.memory_space<vmem_shared>>
      tpu.wait_indirect_dma semaphore(%arg11 : memref<!tpu.dma_semaphore, #tpu.memory_space<semaphore_mem>>) src(%dma_wait3A_191 : memref<128x128xf32, #tpu.memory_space<vmem>>) dst(%dma_wait3A_197 : memref<10240x128xf32, #tpu.memory_space<vmem_shared>>)
      %add3A_198 = arith.constant 2 : i32
      %add3A_199 = arith.addi %mul3A_118, %add3A_198 : i32
      %add3A_200 = arith.constant 1 : i32
      %add3A_201 = arith.addi %add3A_199, %add3A_200 : i32
      %lt3A_202 = arith.constant 40 : i32
      %lt3A_203 = arith.cmpi slt, %add3A_201, %lt3A_202 : i32
      %convert_element_type3A_204 = arith.extui %lt3A_203 : i1 to i32
      %cond3A_205 = arith.constant 0 : i32
      %cond3A_206 = arith.cmpi ne, %convert_element_type3A_204, %cond3A_205 : i32
      scf.if %cond3A_206 {
        %add3A_207 = arith.constant 2 : i32
        %add3A_208 = arith.addi %mul3A_118, %add3A_207 : i32
        %add3A_209 = arith.constant 1 : i32
        %add3A_210 = arith.addi %add3A_208, %add3A_209 : i32
        %dma_start3A_211 = arith.constant 1 : i32
        %dma_start3A_212 = arith.constant 0 : i32
        %dma_start3A_213 = arith.constant 0 : i32
        %dma_start3A_214 = tpu.memref_slice %arg8[%dma_start3A_211, %dma_start3A_212, %dma_start3A_213] : memref<2x128x128xf32, #tpu.memory_space<vmem>> -> memref<1x128x128xf32, #tpu.memory_space<vmem>>
        %dma_start3A_215 = tpu.memref_squeeze %dma_start3A_214 : memref<1x128x128xf32, #tpu.memory_space<vmem>> -> memref<128x128xf32, #tpu.memory_space<vmem>>
        %dma_start3A_216 = arith.constant 0 : i32
        %dma_start3A_217 = tpu.memref_slice %arg6[%add3A_210, %dma_start3A_216] : memref<40x128xi32, #tpu.memory_space<vmem>> -> memref<1x128xi32, #tpu.memory_space<vmem>>
        %dma_start3A_218 = tpu.memref_squeeze %dma_start3A_217 : memref<1x128xi32, #tpu.memory_space<vmem>> -> memref<128xi32, #tpu.memory_space<vmem>>
        %dma_start3A_219 = arith.constant 0 : i32
        %dma_start3A_220 = arith.constant 0 : i32
        %dma_start3A_221 = tpu.memref_slice %arg2[%dma_start3A_219, %dma_start3A_220] : memref<10240x128xf32, #tpu.memory_space<hbm>> -> memref<10240x128xf32, #tpu.memory_space<hbm>>
        tpu.enqueue_indirect_dma source(%dma_start3A_221 : memref<10240x128xf32, #tpu.memory_space<hbm>>) target(%dma_start3A_215 : memref<128x128xf32, #tpu.memory_space<vmem>>) offsets(%dma_start3A_218 : memref<128xi32, #tpu.memory_space<vmem>>) semaphore(%arg10 : memref<!tpu.dma_semaphore, #tpu.memory_space<semaphore_mem>>)
      } else {
      }
    }
    %scan3A_61 = arith.constant 20 : i32
    %mul3A_62 = arith.constant 80 : i32
    %mul3A_63 = arith.muli %add3A, %mul3A_62 : i32
    %add3A_64 = arith.constant 40 : i32
    %add3A_65 = arith.addi %mul3A_63, %add3A_64 : i32
    "tpu.region"() ({
      %run_scoped3A_116 = tpu.sem_alloc : memref<!tpu.dma_semaphore, #tpu.memory_space<semaphore_mem>>
      %dma_start3A_117 = arith.constant 0 : i32
      %dma_start3A_118 = tpu.memref_slice %arg3[%add3A_65, %dma_start3A_117] : memref<2560x128xi32, #tpu.memory_space<hbm>> -> memref<40x128xi32, #tpu.memory_space<hbm>>
      %dma_start3A_119 = arith.constant 0 : i32
      %dma_start3A_120 = tpu.memref_slice %arg3[%add3A_65, %dma_start3A_119] : memref<2560x128xi32, #tpu.memory_space<hbm>> -> memref<40x128xi32, #tpu.memory_space<hbm>>
      tpu.enqueue_dma source(%dma_start3A_120 : memref<40x128xi32, #tpu.memory_space<hbm>>) target(%arg6 : memref<40x128xi32, #tpu.memory_space<vmem>>) target_semaphore(%run_scoped3A_116 : memref<!tpu.dma_semaphore, #tpu.memory_space<semaphore_mem>>)
      %dma_wait3A = arith.constant 0 : i32
      %dma_wait3A_121 = tpu.memref_slice %arg3[%add3A_65, %dma_wait3A] : memref<2560x128xi32, #tpu.memory_space<hbm>> -> memref<40x128xi32, #tpu.memory_space<hbm>>
      %dma_wait3A_122 = arith.constant 0 : i32
      %dma_wait3A_123 = tpu.memref_slice %arg3[%add3A_65, %dma_wait3A_122] : memref<2560x128xi32, #tpu.memory_space<hbm>> -> memref<40x128xi32, #tpu.memory_space<hbm>>
      tpu.wait_dma2 semaphore(%run_scoped3A_116 : memref<!tpu.dma_semaphore, #tpu.memory_space<semaphore_mem>>) src(%dma_wait3A_123 : memref<40x128xi32, #tpu.memory_space<hbm>>) dst(%arg6 : memref<40x128xi32, #tpu.memory_space<vmem>>)
      tpu.yield
    }) : () -> ()
    "tpu.region"() ({
      %run_scoped3A_116 = tpu.sem_alloc : memref<!tpu.dma_semaphore, #tpu.memory_space<semaphore_mem>>
      %dma_start3A_117 = arith.constant 0 : i32
      %dma_start3A_118 = tpu.memref_slice %arg4[%add3A_65, %dma_start3A_117] : memref<2560x128xi32, #tpu.memory_space<hbm>> -> memref<40x128xi32, #tpu.memory_space<hbm>>
      %dma_start3A_119 = arith.constant 0 : i32
      %dma_start3A_120 = tpu.memref_slice %arg4[%add3A_65, %dma_start3A_119] : memref<2560x128xi32, #tpu.memory_space<hbm>> -> memref<40x128xi32, #tpu.memory_space<hbm>>
      tpu.enqueue_dma source(%dma_start3A_120 : memref<40x128xi32, #tpu.memory_space<hbm>>) target(%arg7 : memref<40x128xi32, #tpu.memory_space<vmem>>) target_semaphore(%run_scoped3A_116 : memref<!tpu.dma_semaphore, #tpu.memory_space<semaphore_mem>>)
      %dma_wait3A = arith.constant 0 : i32
      %dma_wait3A_121 = tpu.memref_slice %arg4[%add3A_65, %dma_wait3A] : memref<2560x128xi32, #tpu.memory_space<hbm>> -> memref<40x128xi32, #tpu.memory_space<hbm>>
      %dma_wait3A_122 = arith.constant 0 : i32
      %dma_wait3A_123 = tpu.memref_slice %arg4[%add3A_65, %dma_wait3A_122] : memref<2560x128xi32, #tpu.memory_space<hbm>> -> memref<40x128xi32, #tpu.memory_space<hbm>>
      tpu.wait_dma2 semaphore(%run_scoped3A_116 : memref<!tpu.dma_semaphore, #tpu.memory_space<semaphore_mem>>) src(%dma_wait3A_123 : memref<40x128xi32, #tpu.memory_space<hbm>>) dst(%arg7 : memref<40x128xi32, #tpu.memory_space<vmem>>)
      tpu.yield
    }) : () -> ()
    %dma_start3A_66 = arith.constant 0 : i32
    %dma_start3A_67 = arith.constant 0 : i32
    %dma_start3A_68 = arith.constant 0 : i32
    %dma_start3A_69 = arith.constant 0 : i32
    %dma_start3A_70 = tpu.memref_slice %arg8[%dma_start3A_67, %dma_start3A_68, %dma_start3A_69] : memref<2x128x128xf32, #tpu.memory_space<vmem>> -> memref<1x128x128xf32, #tpu.memory_space<vmem>>
    %dma_start3A_71 = tpu.memref_squeeze %dma_start3A_70 : memref<1x128x128xf32, #tpu.memory_space<vmem>> -> memref<128x128xf32, #tpu.memory_space<vmem>>
    %dma_start3A_72 = arith.constant 0 : i32
    %dma_start3A_73 = tpu.memref_slice %arg6[%dma_start3A_66, %dma_start3A_72] : memref<40x128xi32, #tpu.memory_space<vmem>> -> memref<1x128xi32, #tpu.memory_space<vmem>>
    %dma_start3A_74 = tpu.memref_squeeze %dma_start3A_73 : memref<1x128xi32, #tpu.memory_space<vmem>> -> memref<128xi32, #tpu.memory_space<vmem>>
    %dma_start3A_75 = arith.constant 0 : i32
    %dma_start3A_76 = arith.constant 0 : i32
    %dma_start3A_77 = tpu.memref_slice %arg2[%dma_start3A_75, %dma_start3A_76] : memref<10240x128xf32, #tpu.memory_space<hbm>> -> memref<10240x128xf32, #tpu.memory_space<hbm>>
    tpu.enqueue_indirect_dma source(%dma_start3A_77 : memref<10240x128xf32, #tpu.memory_space<hbm>>) target(%dma_start3A_71 : memref<128x128xf32, #tpu.memory_space<vmem>>) offsets(%dma_start3A_74 : memref<128xi32, #tpu.memory_space<vmem>>) semaphore(%arg10 : memref<!tpu.dma_semaphore, #tpu.memory_space<semaphore_mem>>)
    %dma_start3A_78 = arith.constant 1 : i32
    %dma_start3A_79 = arith.constant 1 : i32
    %dma_start3A_80 = arith.constant 0 : i32
    %dma_start3A_81 = arith.constant 0 : i32
    %dma_start3A_82 = tpu.memref_slice %arg8[%dma_start3A_79, %dma_start3A_80, %dma_start3A_81] : memref<2x128x128xf32, #tpu.memory_space<vmem>> -> memref<1x128x128xf32, #tpu.memory_space<vmem>>
    %dma_start3A_83 = tpu.memref_squeeze %dma_start3A_82 : memref<1x128x128xf32, #tpu.memory_space<vmem>> -> memref<128x128xf32, #tpu.memory_space<vmem>>
    %dma_start3A_84 = arith.constant 0 : i32
    %dma_start3A_85 = tpu.memref_slice %arg6[%dma_start3A_78, %dma_start3A_84] : memref<40x128xi32, #tpu.memory_space<vmem>> -> memref<1x128xi32, #tpu.memory_space<vmem>>
    %dma_start3A_86 = tpu.memref_squeeze %dma_start3A_85 : memref<1x128xi32, #tpu.memory_space<vmem>> -> memref<128xi32, #tpu.memory_space<vmem>>
    %dma_start3A_87 = arith.constant 0 : i32
    %dma_start3A_88 = arith.constant 0 : i32
    %dma_start3A_89 = tpu.memref_slice %arg2[%dma_start3A_87, %dma_start3A_88] : memref<10240x128xf32, #tpu.memory_space<hbm>> -> memref<10240x128xf32, #tpu.memory_space<hbm>>
    tpu.enqueue_indirect_dma source(%dma_start3A_89 : memref<10240x128xf32, #tpu.memory_space<hbm>>) target(%dma_start3A_83 : memref<128x128xf32, #tpu.memory_space<vmem>>) offsets(%dma_start3A_86 : memref<128xi32, #tpu.memory_space<vmem>>) semaphore(%arg10 : memref<!tpu.dma_semaphore, #tpu.memory_space<semaphore_mem>>)
    %scan3A_90 = arith.constant 0 : i32
    %scan3A_91 = arith.constant 20 : i32
    %scan3A_92 = arith.addi %scan3A_90, %scan3A_91 : i32
    %scan3A_93 = arith.constant 1 : i32
    scf.for %scan3A_116 = %scan3A_90 to %scan3A_92 step %scan3A_93  : i32 {
      %mul3A_117 = arith.constant 2 : i32
      %mul3A_118 = arith.muli %scan3A_116, %mul3A_117 : i32
      %add3A_119 = arith.constant 0 : i32
      %add3A_120 = arith.addi %mul3A_118, %add3A_119 : i32
      %dma_wait3A = arith.constant 0 : i32
      %dma_wait3A_121 = arith.constant 0 : i32
      %dma_wait3A_122 = arith.constant 0 : i32
      %dma_wait3A_123 = tpu.memref_slice %arg8[%dma_wait3A, %dma_wait3A_121, %dma_wait3A_122] : memref<2x128x128xf32, #tpu.memory_space<vmem>> -> memref<1x128x128xf32, #tpu.memory_space<vmem>>
      %dma_wait3A_124 = tpu.memref_squeeze %dma_wait3A_123 : memref<1x128x128xf32, #tpu.memory_space<vmem>> -> memref<128x128xf32, #tpu.memory_space<vmem>>
      %dma_wait3A_125 = arith.constant 0 : i32
      %dma_wait3A_126 = tpu.memref_slice %arg6[%add3A_120, %dma_wait3A_125] : memref<40x128xi32, #tpu.memory_space<vmem>> -> memref<1x128xi32, #tpu.memory_space<vmem>>
      %dma_wait3A_127 = tpu.memref_squeeze %dma_wait3A_126 : memref<1x128xi32, #tpu.memory_space<vmem>> -> memref<128xi32, #tpu.memory_space<vmem>>
      %dma_wait3A_128 = arith.constant 0 : i32
      %dma_wait3A_129 = arith.constant 0 : i32
      %dma_wait3A_130 = tpu.memref_slice %arg2[%dma_wait3A_128, %dma_wait3A_129] : memref<10240x128xf32, #tpu.memory_space<hbm>> -> memref<10240x128xf32, #tpu.memory_space<hbm>>
      tpu.wait_indirect_dma semaphore(%arg10 : memref<!tpu.dma_semaphore, #tpu.memory_space<semaphore_mem>>) src(%dma_wait3A_130 : memref<10240x128xf32, #tpu.memory_space<hbm>>) dst(%dma_wait3A_124 : memref<128x128xf32, #tpu.memory_space<vmem>>)
      %add3A_131 = arith.constant 0 : i32
      %add3A_132 = arith.addi %mul3A_118, %add3A_131 : i32
      %dma_start3A_133 = arith.constant 0 : i32
      %dma_start3A_134 = arith.constant 0 : i32
      %dma_start3A_135 = arith.constant 0 : i32
      %dma_start3A_136 = tpu.memref_slice %arg8[%dma_start3A_133, %dma_start3A_134, %dma_start3A_135] : memref<2x128x128xf32, #tpu.memory_space<vmem>> -> memref<1x128x128xf32, #tpu.memory_space<vmem>>
      %dma_start3A_137 = tpu.memref_squeeze %dma_start3A_136 : memref<1x128x128xf32, #tpu.memory_space<vmem>> -> memref<128x128xf32, #tpu.memory_space<vmem>>
      %dma_start3A_138 = arith.constant 0 : i32
      %dma_start3A_139 = tpu.memref_slice %arg7[%add3A_132, %dma_start3A_138] : memref<40x128xi32, #tpu.memory_space<vmem>> -> memref<1x128xi32, #tpu.memory_space<vmem>>
      %dma_start3A_140 = tpu.memref_squeeze %dma_start3A_139 : memref<1x128xi32, #tpu.memory_space<vmem>> -> memref<128xi32, #tpu.memory_space<vmem>>
      %dma_start3A_141 = arith.constant 0 : i32
      %dma_start3A_142 = arith.constant 0 : i32
      %dma_start3A_143 = tpu.memref_slice %arg9[%dma_start3A_141, %dma_start3A_142] : memref<10240x128xf32, #tpu.memory_space<vmem_shared>> -> memref<10240x128xf32, #tpu.memory_space<vmem_shared>>
      tpu.enqueue_indirect_dma source(%dma_start3A_137 : memref<128x128xf32, #tpu.memory_space<vmem>>) target(%dma_start3A_143 : memref<10240x128xf32, #tpu.memory_space<vmem_shared>>) offsets(%dma_start3A_140 : memref<128xi32, #tpu.memory_space<vmem>>) semaphore(%arg11 : memref<!tpu.dma_semaphore, #tpu.memory_space<semaphore_mem>>) {add = true}
      %add3A_144 = arith.constant 1 : i32
      %add3A_145 = arith.addi %mul3A_118, %add3A_144 : i32
      %dma_wait3A_146 = arith.constant 1 : i32
      %dma_wait3A_147 = arith.constant 0 : i32
      %dma_wait3A_148 = arith.constant 0 : i32
      %dma_wait3A_149 = tpu.memref_slice %arg8[%dma_wait3A_146, %dma_wait3A_147, %dma_wait3A_148] : memref<2x128x128xf32, #tpu.memory_space<vmem>> -> memref<1x128x128xf32, #tpu.memory_space<vmem>>
      %dma_wait3A_150 = tpu.memref_squeeze %dma_wait3A_149 : memref<1x128x128xf32, #tpu.memory_space<vmem>> -> memref<128x128xf32, #tpu.memory_space<vmem>>
      %dma_wait3A_151 = arith.constant 0 : i32
      %dma_wait3A_152 = tpu.memref_slice %arg6[%add3A_145, %dma_wait3A_151] : memref<40x128xi32, #tpu.memory_space<vmem>> -> memref<1x128xi32, #tpu.memory_space<vmem>>
      %dma_wait3A_153 = tpu.memref_squeeze %dma_wait3A_152 : memref<1x128xi32, #tpu.memory_space<vmem>> -> memref<128xi32, #tpu.memory_space<vmem>>
      %dma_wait3A_154 = arith.constant 0 : i32
      %dma_wait3A_155 = arith.constant 0 : i32
      %dma_wait3A_156 = tpu.memref_slice %arg2[%dma_wait3A_154, %dma_wait3A_155] : memref<10240x128xf32, #tpu.memory_space<hbm>> -> memref<10240x128xf32, #tpu.memory_space<hbm>>
      tpu.wait_indirect_dma semaphore(%arg10 : memref<!tpu.dma_semaphore, #tpu.memory_space<semaphore_mem>>) src(%dma_wait3A_156 : memref<10240x128xf32, #tpu.memory_space<hbm>>) dst(%dma_wait3A_150 : memref<128x128xf32, #tpu.memory_space<vmem>>)
      %add3A_157 = arith.constant 1 : i32
      %add3A_158 = arith.addi %mul3A_118, %add3A_157 : i32
      %dma_start3A_159 = arith.constant 1 : i32
      %dma_start3A_160 = arith.constant 0 : i32
      %dma_start3A_161 = arith.constant 0 : i32
      %dma_start3A_162 = tpu.memref_slice %arg8[%dma_start3A_159, %dma_start3A_160, %dma_start3A_161] : memref<2x128x128xf32, #tpu.memory_space<vmem>> -> memref<1x128x128xf32, #tpu.memory_space<vmem>>
      %dma_start3A_163 = tpu.memref_squeeze %dma_start3A_162 : memref<1x128x128xf32, #tpu.memory_space<vmem>> -> memref<128x128xf32, #tpu.memory_space<vmem>>
      %dma_start3A_164 = arith.constant 0 : i32
      %dma_start3A_165 = tpu.memref_slice %arg7[%add3A_158, %dma_start3A_164] : memref<40x128xi32, #tpu.memory_space<vmem>> -> memref<1x128xi32, #tpu.memory_space<vmem>>
      %dma_start3A_166 = tpu.memref_squeeze %dma_start3A_165 : memref<1x128xi32, #tpu.memory_space<vmem>> -> memref<128xi32, #tpu.memory_space<vmem>>
      %dma_start3A_167 = arith.constant 0 : i32
      %dma_start3A_168 = arith.constant 0 : i32
      %dma_start3A_169 = tpu.memref_slice %arg9[%dma_start3A_167, %dma_start3A_168] : memref<10240x128xf32, #tpu.memory_space<vmem_shared>> -> memref<10240x128xf32, #tpu.memory_space<vmem_shared>>
      tpu.enqueue_indirect_dma source(%dma_start3A_163 : memref<128x128xf32, #tpu.memory_space<vmem>>) target(%dma_start3A_169 : memref<10240x128xf32, #tpu.memory_space<vmem_shared>>) offsets(%dma_start3A_166 : memref<128xi32, #tpu.memory_space<vmem>>) semaphore(%arg11 : memref<!tpu.dma_semaphore, #tpu.memory_space<semaphore_mem>>) {add = true}
      %dma_wait3A_170 = arith.constant 0 : i32
      %dma_wait3A_171 = arith.constant 0 : i32
      %dma_wait3A_172 = arith.constant 0 : i32
      %dma_wait3A_173 = tpu.memref_slice %arg8[%dma_wait3A_170, %dma_wait3A_171, %dma_wait3A_172] : memref<2x128x128xf32, #tpu.memory_space<vmem>> -> memref<1x128x128xf32, #tpu.memory_space<vmem>>
      %dma_wait3A_174 = tpu.memref_squeeze %dma_wait3A_173 : memref<1x128x128xf32, #tpu.memory_space<vmem>> -> memref<128x128xf32, #tpu.memory_space<vmem>>
      %dma_wait3A_175 = arith.constant 0 : i32
      %dma_wait3A_176 = tpu.memref_slice %arg7[%add3A_132, %dma_wait3A_175] : memref<40x128xi32, #tpu.memory_space<vmem>> -> memref<1x128xi32, #tpu.memory_space<vmem>>
      %dma_wait3A_177 = tpu.memref_squeeze %dma_wait3A_176 : memref<1x128xi32, #tpu.memory_space<vmem>> -> memref<128xi32, #tpu.memory_space<vmem>>
      %dma_wait3A_178 = arith.constant 0 : i32
      %dma_wait3A_179 = arith.constant 0 : i32
      %dma_wait3A_180 = tpu.memref_slice %arg9[%dma_wait3A_178, %dma_wait3A_179] : memref<10240x128xf32, #tpu.memory_space<vmem_shared>> -> memref<10240x128xf32, #tpu.memory_space<vmem_shared>>
      tpu.wait_indirect_dma semaphore(%arg11 : memref<!tpu.dma_semaphore, #tpu.memory_space<semaphore_mem>>) src(%dma_wait3A_174 : memref<128x128xf32, #tpu.memory_space<vmem>>) dst(%dma_wait3A_180 : memref<10240x128xf32, #tpu.memory_space<vmem_shared>>)
      %add3A_181 = arith.constant 2 : i32
      %add3A_182 = arith.addi %mul3A_118, %add3A_181 : i32
      %add3A_183 = arith.constant 0 : i32
      %add3A_184 = arith.addi %add3A_182, %add3A_183 : i32
      %lt3A = arith.constant 40 : i32
      %lt3A_185 = arith.cmpi slt, %add3A_184, %lt3A : i32
      %convert_element_type3A = arith.extui %lt3A_185 : i1 to i32
      %cond3A = arith.constant 0 : i32
      %cond3A_186 = arith.cmpi ne, %convert_element_type3A, %cond3A : i32
      scf.if %cond3A_186 {
        %add3A_207 = arith.constant 2 : i32
        %add3A_208 = arith.addi %mul3A_118, %add3A_207 : i32
        %add3A_209 = arith.constant 0 : i32
        %add3A_210 = arith.addi %add3A_208, %add3A_209 : i32
        %dma_start3A_211 = arith.constant 0 : i32
        %dma_start3A_212 = arith.constant 0 : i32
        %dma_start3A_213 = arith.constant 0 : i32
        %dma_start3A_214 = tpu.memref_slice %arg8[%dma_start3A_211, %dma_start3A_212, %dma_start3A_213] : memref<2x128x128xf32, #tpu.memory_space<vmem>> -> memref<1x128x128xf32, #tpu.memory_space<vmem>>
        %dma_start3A_215 = tpu.memref_squeeze %dma_start3A_214 : memref<1x128x128xf32, #tpu.memory_space<vmem>> -> memref<128x128xf32, #tpu.memory_space<vmem>>
        %dma_start3A_216 = arith.constant 0 : i32
        %dma_start3A_217 = tpu.memref_slice %arg6[%add3A_210, %dma_start3A_216] : memref<40x128xi32, #tpu.memory_space<vmem>> -> memref<1x128xi32, #tpu.memory_space<vmem>>
        %dma_start3A_218 = tpu.memref_squeeze %dma_start3A_217 : memref<1x128xi32, #tpu.memory_space<vmem>> -> memref<128xi32, #tpu.memory_space<vmem>>
        %dma_start3A_219 = arith.constant 0 : i32
        %dma_start3A_220 = arith.constant 0 : i32
        %dma_start3A_221 = tpu.memref_slice %arg2[%dma_start3A_219, %dma_start3A_220] : memref<10240x128xf32, #tpu.memory_space<hbm>> -> memref<10240x128xf32, #tpu.memory_space<hbm>>
        tpu.enqueue_indirect_dma source(%dma_start3A_221 : memref<10240x128xf32, #tpu.memory_space<hbm>>) target(%dma_start3A_215 : memref<128x128xf32, #tpu.memory_space<vmem>>) offsets(%dma_start3A_218 : memref<128xi32, #tpu.memory_space<vmem>>) semaphore(%arg10 : memref<!tpu.dma_semaphore, #tpu.memory_space<semaphore_mem>>)
      } else {
      }
      %dma_wait3A_187 = arith.constant 1 : i32
      %dma_wait3A_188 = arith.constant 0 : i32
      %dma_wait3A_189 = arith.constant 0 : i32
      %dma_wait3A_190 = tpu.memref_slice %arg8[%dma_wait3A_187, %dma_wait3A_188, %dma_wait3A_189] : memref<2x128x128xf32, #tpu.memory_space<vmem>> -> memref<1x128x128xf32, #tpu.memory_space<vmem>>
      %dma_wait3A_191 = tpu.memref_squeeze %dma_wait3A_190 : memref<1x128x128xf32, #tpu.memory_space<vmem>> -> memref<128x128xf32, #tpu.memory_space<vmem>>
      %dma_wait3A_192 = arith.constant 0 : i32
      %dma_wait3A_193 = tpu.memref_slice %arg7[%add3A_158, %dma_wait3A_192] : memref<40x128xi32, #tpu.memory_space<vmem>> -> memref<1x128xi32, #tpu.memory_space<vmem>>
      %dma_wait3A_194 = tpu.memref_squeeze %dma_wait3A_193 : memref<1x128xi32, #tpu.memory_space<vmem>> -> memref<128xi32, #tpu.memory_space<vmem>>
      %dma_wait3A_195 = arith.constant 0 : i32
      %dma_wait3A_196 = arith.constant 0 : i32
      %dma_wait3A_197 = tpu.memref_slice %arg9[%dma_wait3A_195, %dma_wait3A_196] : memref<10240x128xf32, #tpu.memory_space<vmem_shared>> -> memref<10240x128xf32, #tpu.memory_space<vmem_shared>>
      tpu.wait_indirect_dma semaphore(%arg11 : memref<!tpu.dma_semaphore, #tpu.memory_space<semaphore_mem>>) src(%dma_wait3A_191 : memref<128x128xf32, #tpu.memory_space<vmem>>) dst(%dma_wait3A_197 : memref<10240x128xf32, #tpu.memory_space<vmem_shared>>)
      %add3A_198 = arith.constant 2 : i32
      %add3A_199 = arith.addi %mul3A_118, %add3A_198 : i32
      %add3A_200 = arith.constant 1 : i32
      %add3A_201 = arith.addi %add3A_199, %add3A_200 : i32
      %lt3A_202 = arith.constant 40 : i32
      %lt3A_203 = arith.cmpi slt, %add3A_201, %lt3A_202 : i32
      %convert_element_type3A_204 = arith.extui %lt3A_203 : i1 to i32
      %cond3A_205 = arith.constant 0 : i32
      %cond3A_206 = arith.cmpi ne, %convert_element_type3A_204, %cond3A_205 : i32
      scf.if %cond3A_206 {
        %add3A_207 = arith.constant 2 : i32
        %add3A_208 = arith.addi %mul3A_118, %add3A_207 : i32
        %add3A_209 = arith.constant 1 : i32
        %add3A_210 = arith.addi %add3A_208, %add3A_209 : i32
        %dma_start3A_211 = arith.constant 1 : i32
        %dma_start3A_212 = arith.constant 0 : i32
        %dma_start3A_213 = arith.constant 0 : i32
        %dma_start3A_214 = tpu.memref_slice %arg8[%dma_start3A_211, %dma_start3A_212, %dma_start3A_213] : memref<2x128x128xf32, #tpu.memory_space<vmem>> -> memref<1x128x128xf32, #tpu.memory_space<vmem>>
        %dma_start3A_215 = tpu.memref_squeeze %dma_start3A_214 : memref<1x128x128xf32, #tpu.memory_space<vmem>> -> memref<128x128xf32, #tpu.memory_space<vmem>>
        %dma_start3A_216 = arith.constant 0 : i32
        %dma_start3A_217 = tpu.memref_slice %arg6[%add3A_210, %dma_start3A_216] : memref<40x128xi32, #tpu.memory_space<vmem>> -> memref<1x128xi32, #tpu.memory_space<vmem>>
        %dma_start3A_218 = tpu.memref_squeeze %dma_start3A_217 : memref<1x128xi32, #tpu.memory_space<vmem>> -> memref<128xi32, #tpu.memory_space<vmem>>
        %dma_start3A_219 = arith.constant 0 : i32
        %dma_start3A_220 = arith.constant 0 : i32
        %dma_start3A_221 = tpu.memref_slice %arg2[%dma_start3A_219, %dma_start3A_220] : memref<10240x128xf32, #tpu.memory_space<hbm>> -> memref<10240x128xf32, #tpu.memory_space<hbm>>
        tpu.enqueue_indirect_dma source(%dma_start3A_221 : memref<10240x128xf32, #tpu.memory_space<hbm>>) target(%dma_start3A_215 : memref<128x128xf32, #tpu.memory_space<vmem>>) offsets(%dma_start3A_218 : memref<128xi32, #tpu.memory_space<vmem>>) semaphore(%arg10 : memref<!tpu.dma_semaphore, #tpu.memory_space<semaphore_mem>>)
      } else {
      }
    }
    %scan3A_94 = arith.constant 20 : i32
    %barrier3A_95 = arith.constant 0 : index
    tpu.barrier barrier_id(%barrier3A_95)
    %mul3A_96 = arith.constant 640 : i32
    %mul3A_97 = arith.muli %arg1, %mul3A_96 : i32
    %add3A_98 = arith.constant 0 : i32
    %add3A_99 = arith.addi %mul3A_97, %add3A_98 : i32
    "tpu.region"() ({
      %run_scoped3A_116 = tpu.sem_alloc : memref<!tpu.dma_semaphore, #tpu.memory_space<semaphore_mem>>
      %dma_start3A_117 = arith.constant 0 : i32
      %dma_start3A_118 = tpu.memref_slice %arg5[%arg0, %add3A_99, %dma_start3A_117] : memref<2x10240x128xf32, #tpu.memory_space<hbm>> -> memref<1x128x128xf32, #tpu.memory_space<hbm>>
      %dma_start3A_119 = tpu.memref_squeeze %dma_start3A_118 : memref<1x128x128xf32, #tpu.memory_space<hbm>> -> memref<128x128xf32, #tpu.memory_space<hbm>>
      %dma_start3A_120 = arith.constant 0 : i32
      %dma_start3A_121 = tpu.memref_slice %arg9[%add3A_99, %dma_start3A_120] : memref<10240x128xf32, #tpu.memory_space<vmem_shared>> -> memref<128x128xf32, #tpu.memory_space<vmem_shared>>
      tpu.enqueue_dma source(%dma_start3A_121 : memref<128x128xf32, #tpu.memory_space<vmem_shared>>) target(%dma_start3A_119 : memref<128x128xf32, #tpu.memory_space<hbm>>) target_semaphore(%run_scoped3A_116 : memref<!tpu.dma_semaphore, #tpu.memory_space<semaphore_mem>>)
      %dma_wait3A = arith.constant 0 : i32
      %dma_wait3A_122 = tpu.memref_slice %arg5[%arg0, %add3A_99, %dma_wait3A] : memref<2x10240x128xf32, #tpu.memory_space<hbm>> -> memref<1x128x128xf32, #tpu.memory_space<hbm>>
      %dma_wait3A_123 = tpu.memref_squeeze %dma_wait3A_122 : memref<1x128x128xf32, #tpu.memory_space<hbm>> -> memref<128x128xf32, #tpu.memory_space<hbm>>
      %dma_wait3A_124 = arith.constant 0 : i32
      %dma_wait3A_125 = tpu.memref_slice %arg9[%add3A_99, %dma_wait3A_124] : memref<10240x128xf32, #tpu.memory_space<vmem_shared>> -> memref<128x128xf32, #tpu.memory_space<vmem_shared>>
      tpu.wait_dma2 semaphore(%run_scoped3A_116 : memref<!tpu.dma_semaphore, #tpu.memory_space<semaphore_mem>>) src(%dma_wait3A_125 : memref<128x128xf32, #tpu.memory_space<vmem_shared>>) dst(%dma_wait3A_123 : memref<128x128xf32, #tpu.memory_space<hbm>>)
      tpu.yield
    }) : () -> ()
    %mul3A_100 = arith.constant 640 : i32
    %mul3A_101 = arith.muli %arg1, %mul3A_100 : i32
    %add3A_102 = arith.constant 128 : i32
    %add3A_103 = arith.addi %mul3A_101, %add3A_102 : i32
    "tpu.region"() ({
      %run_scoped3A_116 = tpu.sem_alloc : memref<!tpu.dma_semaphore, #tpu.memory_space<semaphore_mem>>
      %dma_start3A_117 = arith.constant 0 : i32
      %dma_start3A_118 = tpu.memref_slice %arg5[%arg0, %add3A_103, %dma_start3A_117] : memref<2x10240x128xf32, #tpu.memory_space<hbm>> -> memref<1x128x128xf32, #tpu.memory_space<hbm>>
      %dma_start3A_119 = tpu.memref_squeeze %dma_start3A_118 : memref<1x128x128xf32, #tpu.memory_space<hbm>> -> memref<128x128xf32, #tpu.memory_space<hbm>>
      %dma_start3A_120 = arith.constant 0 : i32
      %dma_start3A_121 = tpu.memref_slice %arg9[%add3A_103, %dma_start3A_120] : memref<10240x128xf32, #tpu.memory_space<vmem_shared>> -> memref<128x128xf32, #tpu.memory_space<vmem_shared>>
      tpu.enqueue_dma source(%dma_start3A_121 : memref<128x128xf32, #tpu.memory_space<vmem_shared>>) target(%dma_start3A_119 : memref<128x128xf32, #tpu.memory_space<hbm>>) target_semaphore(%run_scoped3A_116 : memref<!tpu.dma_semaphore, #tpu.memory_space<semaphore_mem>>)
      %dma_wait3A = arith.constant 0 : i32
      %dma_wait3A_122 = tpu.memref_slice %arg5[%arg0, %add3A_103, %dma_wait3A] : memref<2x10240x128xf32, #tpu.memory_space<hbm>> -> memref<1x128x128xf32, #tpu.memory_space<hbm>>
      %dma_wait3A_123 = tpu.memref_squeeze %dma_wait3A_122 : memref<1x128x128xf32, #tpu.memory_space<hbm>> -> memref<128x128xf32, #tpu.memory_space<hbm>>
      %dma_wait3A_124 = arith.constant 0 : i32
      %dma_wait3A_125 = tpu.memref_slice %arg9[%add3A_103, %dma_wait3A_124] : memref<10240x128xf32, #tpu.memory_space<vmem_shared>> -> memref<128x128xf32, #tpu.memory_space<vmem_shared>>
      tpu.wait_dma2 semaphore(%run_scoped3A_116 : memref<!tpu.dma_semaphore, #tpu.memory_space<semaphore_mem>>) src(%dma_wait3A_125 : memref<128x128xf32, #tpu.memory_space<vmem_shared>>) dst(%dma_wait3A_123 : memref<128x128xf32, #tpu.memory_space<hbm>>)
      tpu.yield
    }) : () -> ()
    %mul3A_104 = arith.constant 640 : i32
    %mul3A_105 = arith.muli %arg1, %mul3A_104 : i32
    %add3A_106 = arith.constant 256 : i32
    %add3A_107 = arith.addi %mul3A_105, %add3A_106 : i32
    "tpu.region"() ({
      %run_scoped3A_116 = tpu.sem_alloc : memref<!tpu.dma_semaphore, #tpu.memory_space<semaphore_mem>>
      %dma_start3A_117 = arith.constant 0 : i32
      %dma_start3A_118 = tpu.memref_slice %arg5[%arg0, %add3A_107, %dma_start3A_117] : memref<2x10240x128xf32, #tpu.memory_space<hbm>> -> memref<1x128x128xf32, #tpu.memory_space<hbm>>
      %dma_start3A_119 = tpu.memref_squeeze %dma_start3A_118 : memref<1x128x128xf32, #tpu.memory_space<hbm>> -> memref<128x128xf32, #tpu.memory_space<hbm>>
      %dma_start3A_120 = arith.constant 0 : i32
      %dma_start3A_121 = tpu.memref_slice %arg9[%add3A_107, %dma_start3A_120] : memref<10240x128xf32, #tpu.memory_space<vmem_shared>> -> memref<128x128xf32, #tpu.memory_space<vmem_shared>>
      tpu.enqueue_dma source(%dma_start3A_121 : memref<128x128xf32, #tpu.memory_space<vmem_shared>>) target(%dma_start3A_119 : memref<128x128xf32, #tpu.memory_space<hbm>>) target_semaphore(%run_scoped3A_116 : memref<!tpu.dma_semaphore, #tpu.memory_space<semaphore_mem>>)
      %dma_wait3A = arith.constant 0 : i32
      %dma_wait3A_122 = tpu.memref_slice %arg5[%arg0, %add3A_107, %dma_wait3A] : memref<2x10240x128xf32, #tpu.memory_space<hbm>> -> memref<1x128x128xf32, #tpu.memory_space<hbm>>
      %dma_wait3A_123 = tpu.memref_squeeze %dma_wait3A_122 : memref<1x128x128xf32, #tpu.memory_space<hbm>> -> memref<128x128xf32, #tpu.memory_space<hbm>>
      %dma_wait3A_124 = arith.constant 0 : i32
      %dma_wait3A_125 = tpu.memref_slice %arg9[%add3A_107, %dma_wait3A_124] : memref<10240x128xf32, #tpu.memory_space<vmem_shared>> -> memref<128x128xf32, #tpu.memory_space<vmem_shared>>
      tpu.wait_dma2 semaphore(%run_scoped3A_116 : memref<!tpu.dma_semaphore, #tpu.memory_space<semaphore_mem>>) src(%dma_wait3A_125 : memref<128x128xf32, #tpu.memory_space<vmem_shared>>) dst(%dma_wait3A_123 : memref<128x128xf32, #tpu.memory_space<hbm>>)
      tpu.yield
    }) : () -> ()
    %mul3A_108 = arith.constant 640 : i32
    %mul3A_109 = arith.muli %arg1, %mul3A_108 : i32
    %add3A_110 = arith.constant 384 : i32
    %add3A_111 = arith.addi %mul3A_109, %add3A_110 : i32
    "tpu.region"() ({
      %run_scoped3A_116 = tpu.sem_alloc : memref<!tpu.dma_semaphore, #tpu.memory_space<semaphore_mem>>
      %dma_start3A_117 = arith.constant 0 : i32
      %dma_start3A_118 = tpu.memref_slice %arg5[%arg0, %add3A_111, %dma_start3A_117] : memref<2x10240x128xf32, #tpu.memory_space<hbm>> -> memref<1x128x128xf32, #tpu.memory_space<hbm>>
      %dma_start3A_119 = tpu.memref_squeeze %dma_start3A_118 : memref<1x128x128xf32, #tpu.memory_space<hbm>> -> memref<128x128xf32, #tpu.memory_space<hbm>>
      %dma_start3A_120 = arith.constant 0 : i32
      %dma_start3A_121 = tpu.memref_slice %arg9[%add3A_111, %dma_start3A_120] : memref<10240x128xf32, #tpu.memory_space<vmem_shared>> -> memref<128x128xf32, #tpu.memory_space<vmem_shared>>
      tpu.enqueue_dma source(%dma_start3A_121 : memref<128x128xf32, #tpu.memory_space<vmem_shared>>) target(%dma_start3A_119 : memref<128x128xf32, #tpu.memory_space<hbm>>) target_semaphore(%run_scoped3A_116 : memref<!tpu.dma_semaphore, #tpu.memory_space<semaphore_mem>>)
      %dma_wait3A = arith.constant 0 : i32
      %dma_wait3A_122 = tpu.memref_slice %arg5[%arg0, %add3A_111, %dma_wait3A] : memref<2x10240x128xf32, #tpu.memory_space<hbm>> -> memref<1x128x128xf32, #tpu.memory_space<hbm>>
      %dma_wait3A_123 = tpu.memref_squeeze %dma_wait3A_122 : memref<1x128x128xf32, #tpu.memory_space<hbm>> -> memref<128x128xf32, #tpu.memory_space<hbm>>
      %dma_wait3A_124 = arith.constant 0 : i32
      %dma_wait3A_125 = tpu.memref_slice %arg9[%add3A_111, %dma_wait3A_124] : memref<10240x128xf32, #tpu.memory_space<vmem_shared>> -> memref<128x128xf32, #tpu.memory_space<vmem_shared>>
      tpu.wait_dma2 semaphore(%run_scoped3A_116 : memref<!tpu.dma_semaphore, #tpu.memory_space<semaphore_mem>>) src(%dma_wait3A_125 : memref<128x128xf32, #tpu.memory_space<vmem_shared>>) dst(%dma_wait3A_123 : memref<128x128xf32, #tpu.memory_space<hbm>>)
      tpu.yield
    }) : () -> ()
    %mul3A_112 = arith.constant 640 : i32
    %mul3A_113 = arith.muli %arg1, %mul3A_112 : i32
    %add3A_114 = arith.constant 512 : i32
    %add3A_115 = arith.addi %mul3A_113, %add3A_114 : i32
    "tpu.region"() ({
      %run_scoped3A_116 = tpu.sem_alloc : memref<!tpu.dma_semaphore, #tpu.memory_space<semaphore_mem>>
      %dma_start3A_117 = arith.constant 0 : i32
      %dma_start3A_118 = tpu.memref_slice %arg5[%arg0, %add3A_115, %dma_start3A_117] : memref<2x10240x128xf32, #tpu.memory_space<hbm>> -> memref<1x128x128xf32, #tpu.memory_space<hbm>>
      %dma_start3A_119 = tpu.memref_squeeze %dma_start3A_118 : memref<1x128x128xf32, #tpu.memory_space<hbm>> -> memref<128x128xf32, #tpu.memory_space<hbm>>
      %dma_start3A_120 = arith.constant 0 : i32
      %dma_start3A_121 = tpu.memref_slice %arg9[%add3A_115, %dma_start3A_120] : memref<10240x128xf32, #tpu.memory_space<vmem_shared>> -> memref<128x128xf32, #tpu.memory_space<vmem_shared>>
      tpu.enqueue_dma source(%dma_start3A_121 : memref<128x128xf32, #tpu.memory_space<vmem_shared>>) target(%dma_start3A_119 : memref<128x128xf32, #tpu.memory_space<hbm>>) target_semaphore(%run_scoped3A_116 : memref<!tpu.dma_semaphore, #tpu.memory_space<semaphore_mem>>)
      %dma_wait3A = arith.constant 0 : i32
      %dma_wait3A_122 = tpu.memref_slice %arg5[%arg0, %add3A_115, %dma_wait3A] : memref<2x10240x128xf32, #tpu.memory_space<hbm>> -> memref<1x128x128xf32, #tpu.memory_space<hbm>>
      %dma_wait3A_123 = tpu.memref_squeeze %dma_wait3A_122 : memref<1x128x128xf32, #tpu.memory_space<hbm>> -> memref<128x128xf32, #tpu.memory_space<hbm>>
      %dma_wait3A_124 = arith.constant 0 : i32
      %dma_wait3A_125 = tpu.memref_slice %arg9[%add3A_115, %dma_wait3A_124] : memref<10240x128xf32, #tpu.memory_space<vmem_shared>> -> memref<128x128xf32, #tpu.memory_space<vmem_shared>>
      tpu.wait_dma2 semaphore(%run_scoped3A_116 : memref<!tpu.dma_semaphore, #tpu.memory_space<semaphore_mem>>) src(%dma_wait3A_125 : memref<128x128xf32, #tpu.memory_space<vmem_shared>>) dst(%dma_wait3A_123 : memref<128x128xf32, #tpu.memory_space<hbm>>)
      tpu.yield
    }) : () -> ()
    return
  }
}

#map = affine_map<(d0, d1) -> (0)>
#map1 = affine_map<(d0, d1) -> (0, 0)>
module attributes {stable_mosaic.version = 14 : i64} {
  func.func @_deg_body(%arg0: i32, %arg1: i32, %arg2: memref<320000xi32, #tpu.memory_space<hbm>>, %arg3: memref<2x10240xf32, #tpu.memory_space<hbm>>, %arg4: memref<10240xf32, #tpu.memory_space<vmem>>, %arg5: memref<10000xi32, #tpu.memory_space<vmem>>, %arg6: memref<16x640xf32, #tpu.memory_space<vmem>>, %arg7: memref<640xf32, #tpu.memory_space<vmem>>, %arg8: memref<16x10240xf32, #tpu.memory_space<vmem_shared>>) attributes {dimension_semantics = [#tpu.dimension_semantics<core_parallel>, #tpu.dimension_semantics<subcore_parallel>], iteration_bounds = array<i64: 2, 16>, scalar_prefetch = 0 : i64, scratch_operands = 5 : i64, tpu.core_type = #tpu.core_type<sc_vector_subcore>, window_params = [{transform_indices = #map}, {transform_indices = #map1}]} {
    %mul3A = arith.constant 16 : i32
    %mul3A_0 = arith.muli %arg0, %mul3A : i32
    %add3A = arith.addi %mul3A_0, %arg1 : i32
    %broadcast_in_dim3A = arith.constant 0.000000e+00 : f32
    %broadcast_in_dim3A_1 = vector.broadcast %broadcast_in_dim3A : f32 to vector<16xf32>
    %broadcast_in_dim3A_2 = arith.constant 1.000000e+00 : f32
    %broadcast_in_dim3A_3 = vector.broadcast %broadcast_in_dim3A_2 : f32 to vector<16xf32>
    %scan3A = arith.constant 0 : i32
    %scan3A_4 = arith.constant 640 : i32
    %scan3A_5 = arith.addi %scan3A, %scan3A_4 : i32
    %scan3A_6 = arith.constant 1 : i32
    scf.for %scan3A_24 = %scan3A to %scan3A_5 step %scan3A_6  : i32 {
      %mul3A_25 = arith.constant 16 : i32
      %mul3A_26 = arith.muli %scan3A_24, %mul3A_25 : i32
      %swap3A = arith.index_cast %mul3A_26 : i32 to index
      %swap3A_27 = tpu.vector_load %arg4[%swap3A] {strides = array<i32>} : memref<10240xf32, #tpu.memory_space<vmem>>, vector<16xf32>,
      tpu.vector_store %arg4[%swap3A], %broadcast_in_dim3A_1 {strides = array<i32>} : memref<10240xf32, #tpu.memory_space<vmem>>, vector<16xf32>,
    }
    %scan3A_7 = arith.constant 640 : i32
    %mul3A_8 = arith.constant 10000 : i32
    %mul3A_9 = arith.muli %add3A, %mul3A_8 : i32
    "tpu.region"() ({
      %run_scoped3A = tpu.sem_alloc : memref<!tpu.dma_semaphore, #tpu.memory_space<semaphore_mem>>
      %dma_start3A = tpu.memref_slice %arg2[%mul3A_9] : memref<320000xi32, #tpu.memory_space<hbm>> -> memref<10000xi32, #tpu.memory_space<hbm>>
      %dma_start3A_24 = tpu.memref_slice %arg2[%mul3A_9] : memref<320000xi32, #tpu.memory_space<hbm>> -> memref<10000xi32, #tpu.memory_space<hbm>>
      tpu.enqueue_dma source(%dma_start3A_24 : memref<10000xi32, #tpu.memory_space<hbm>>) target(%arg5 : memref<10000xi32, #tpu.memory_space<vmem>>) target_semaphore(%run_scoped3A : memref<!tpu.dma_semaphore, #tpu.memory_space<semaphore_mem>>)
      %dma_wait3A = tpu.memref_slice %arg2[%mul3A_9] : memref<320000xi32, #tpu.memory_space<hbm>> -> memref<10000xi32, #tpu.memory_space<hbm>>
      %dma_wait3A_25 = tpu.memref_slice %arg2[%mul3A_9] : memref<320000xi32, #tpu.memory_space<hbm>> -> memref<10000xi32, #tpu.memory_space<hbm>>
      tpu.wait_dma2 semaphore(%run_scoped3A : memref<!tpu.dma_semaphore, #tpu.memory_space<semaphore_mem>>) src(%dma_wait3A_25 : memref<10000xi32, #tpu.memory_space<hbm>>) dst(%arg5 : memref<10000xi32, #tpu.memory_space<vmem>>)
      tpu.yield
    }) : () -> ()
    %scan3A_10 = arith.constant 0 : i32
    %scan3A_11 = arith.constant 625 : i32
    %scan3A_12 = arith.addi %scan3A_10, %scan3A_11 : i32
    %scan3A_13 = arith.constant 1 : i32
    scf.for %scan3A_24 = %scan3A_10 to %scan3A_12 step %scan3A_13  : i32 {
      %mul3A_25 = arith.constant 16 : i32
      %mul3A_26 = arith.muli %scan3A_24, %mul3A_25 : i32
      %get3A = arith.index_cast %mul3A_26 : i32 to index
      %get3A_27 = tpu.vector_load %arg5[%get3A] {strides = array<i32>} : memref<10000xi32, #tpu.memory_space<vmem>>, vector<16xi32>,
      tpu.vector_store_idx %arg4[%get3A_27], %broadcast_in_dim3A_3 {add = true} : memref<10240xf32, #tpu.memory_space<vmem>>[vector<16xi32>], vector<16xf32>,
    }
    %scan3A_14 = arith.constant 625 : i32
    "tpu.region"() ({
      %run_scoped3A = tpu.sem_alloc : memref<!tpu.dma_semaphore, #tpu.memory_space<semaphore_mem>>
      %dma_start3A = arith.constant 0 : i32
      %dma_start3A_24 = tpu.memref_slice %arg8[%arg1, %dma_start3A] : memref<16x10240xf32, #tpu.memory_space<vmem_shared>> -> memref<1x10240xf32, #tpu.memory_space<vmem_shared>>
      %dma_start3A_25 = tpu.memref_squeeze %dma_start3A_24 : memref<1x10240xf32, #tpu.memory_space<vmem_shared>> -> memref<10240xf32, #tpu.memory_space<vmem_shared>>
      %dma_start3A_26 = arith.constant 0 : i32
      %dma_start3A_27 = tpu.memref_slice %arg8[%arg1, %dma_start3A_26] : memref<16x10240xf32, #tpu.memory_space<vmem_shared>> -> memref<1x10240xf32, #tpu.memory_space<vmem_shared>>
      %dma_start3A_28 = tpu.memref_squeeze %dma_start3A_27 : memref<1x10240xf32, #tpu.memory_space<vmem_shared>> -> memref<10240xf32, #tpu.memory_space<vmem_shared>>
      tpu.enqueue_dma source(%arg4 : memref<10240xf32, #tpu.memory_space<vmem>>) target(%dma_start3A_28 : memref<10240xf32, #tpu.memory_space<vmem_shared>>) target_semaphore(%run_scoped3A : memref<!tpu.dma_semaphore, #tpu.memory_space<semaphore_mem>>)
      %dma_wait3A = arith.constant 0 : i32
      %dma_wait3A_29 = tpu.memref_slice %arg8[%arg1, %dma_wait3A] : memref<16x10240xf32, #tpu.memory_space<vmem_shared>> -> memref<1x10240xf32, #tpu.memory_space<vmem_shared>>
      %dma_wait3A_30 = tpu.memref_squeeze %dma_wait3A_29 : memref<1x10240xf32, #tpu.memory_space<vmem_shared>> -> memref<10240xf32, #tpu.memory_space<vmem_shared>>
      %dma_wait3A_31 = arith.constant 0 : i32
      %dma_wait3A_32 = tpu.memref_slice %arg8[%arg1, %dma_wait3A_31] : memref<16x10240xf32, #tpu.memory_space<vmem_shared>> -> memref<1x10240xf32, #tpu.memory_space<vmem_shared>>
      %dma_wait3A_33 = tpu.memref_squeeze %dma_wait3A_32 : memref<1x10240xf32, #tpu.memory_space<vmem_shared>> -> memref<10240xf32, #tpu.memory_space<vmem_shared>>
      tpu.wait_dma2 semaphore(%run_scoped3A : memref<!tpu.dma_semaphore, #tpu.memory_space<semaphore_mem>>) src(%arg4 : memref<10240xf32, #tpu.memory_space<vmem>>) dst(%dma_wait3A_33 : memref<10240xf32, #tpu.memory_space<vmem_shared>>)
      tpu.yield
    }) : () -> ()
    %barrier3A = arith.constant 0 : index
    tpu.barrier barrier_id(%barrier3A)
    %mul3A_15 = arith.constant 640 : i32
    %mul3A_16 = arith.muli %arg1, %mul3A_15 : i32
    "tpu.region"() ({
      %run_scoped3A = tpu.sem_alloc : memref<!tpu.dma_semaphore, #tpu.memory_space<semaphore_mem>>
      %dma_start3A = arith.constant 0 : i32
      %dma_start3A_24 = tpu.memref_slice %arg8[%dma_start3A, %mul3A_16] : memref<16x10240xf32, #tpu.memory_space<vmem_shared>> -> memref<16x640xf32, #tpu.memory_space<vmem_shared>>
      %dma_start3A_25 = arith.constant 0 : i32
      %dma_start3A_26 = tpu.memref_slice %arg8[%dma_start3A_25, %mul3A_16] : memref<16x10240xf32, #tpu.memory_space<vmem_shared>> -> memref<16x640xf32, #tpu.memory_space<vmem_shared>>
      tpu.enqueue_dma source(%dma_start3A_26 : memref<16x640xf32, #tpu.memory_space<vmem_shared>>) target(%arg6 : memref<16x640xf32, #tpu.memory_space<vmem>>) target_semaphore(%run_scoped3A : memref<!tpu.dma_semaphore, #tpu.memory_space<semaphore_mem>>)
      %dma_wait3A = arith.constant 0 : i32
      %dma_wait3A_27 = tpu.memref_slice %arg8[%dma_wait3A, %mul3A_16] : memref<16x10240xf32, #tpu.memory_space<vmem_shared>> -> memref<16x640xf32, #tpu.memory_space<vmem_shared>>
      %dma_wait3A_28 = arith.constant 0 : i32
      %dma_wait3A_29 = tpu.memref_slice %arg8[%dma_wait3A_28, %mul3A_16] : memref<16x10240xf32, #tpu.memory_space<vmem_shared>> -> memref<16x640xf32, #tpu.memory_space<vmem_shared>>
      tpu.wait_dma2 semaphore(%run_scoped3A : memref<!tpu.dma_semaphore, #tpu.memory_space<semaphore_mem>>) src(%dma_wait3A_29 : memref<16x640xf32, #tpu.memory_space<vmem_shared>>) dst(%arg6 : memref<16x640xf32, #tpu.memory_space<vmem>>)
      tpu.yield
    }) : () -> ()
    %scan3A_17 = arith.constant 0 : i32
    %scan3A_18 = arith.constant 40 : i32
    %scan3A_19 = arith.addi %scan3A_17, %scan3A_18 : i32
    %scan3A_20 = arith.constant 1 : i32
    scf.for %scan3A_24 = %scan3A_17 to %scan3A_19 step %scan3A_20  : i32 {
      %mul3A_25 = arith.constant 16 : i32
      %mul3A_26 = arith.muli %scan3A_24, %mul3A_25 : i32
      %get3A = arith.constant 0 : i32
      %get3A_27 = arith.index_cast %get3A : i32 to index
      %get3A_28 = arith.index_cast %mul3A_26 : i32 to index
      %get3A_29 = tpu.vector_load %arg6[%get3A_27, %get3A_28] {strides = array<i32>} : memref<16x640xf32, #tpu.memory_space<vmem>>, vector<16xf32>,
      %mul3A_30 = arith.constant 16 : i32
      %mul3A_31 = arith.muli %scan3A_24, %mul3A_30 : i32
      %get3A_32 = arith.constant 1 : i32
      %get3A_33 = arith.index_cast %get3A_32 : i32 to index
      %get3A_34 = arith.index_cast %mul3A_31 : i32 to index
      %get3A_35 = tpu.vector_load %arg6[%get3A_33, %get3A_34] {strides = array<i32>} : memref<16x640xf32, #tpu.memory_space<vmem>>, vector<16xf32>,
      %add3A_36 = arith.addf %get3A_29, %get3A_35 : vector<16xf32>
      %mul3A_37 = arith.constant 16 : i32
      %mul3A_38 = arith.muli %scan3A_24, %mul3A_37 : i32
      %get3A_39 = arith.constant 2 : i32
      %get3A_40 = arith.index_cast %get3A_39 : i32 to index
      %get3A_41 = arith.index_cast %mul3A_38 : i32 to index
      %get3A_42 = tpu.vector_load %arg6[%get3A_40, %get3A_41] {strides = array<i32>} : memref<16x640xf32, #tpu.memory_space<vmem>>, vector<16xf32>,
      %add3A_43 = arith.addf %add3A_36, %get3A_42 : vector<16xf32>
      %mul3A_44 = arith.constant 16 : i32
      %mul3A_45 = arith.muli %scan3A_24, %mul3A_44 : i32
      %get3A_46 = arith.constant 3 : i32
      %get3A_47 = arith.index_cast %get3A_46 : i32 to index
      %get3A_48 = arith.index_cast %mul3A_45 : i32 to index
      %get3A_49 = tpu.vector_load %arg6[%get3A_47, %get3A_48] {strides = array<i32>} : memref<16x640xf32, #tpu.memory_space<vmem>>, vector<16xf32>,
      %add3A_50 = arith.addf %add3A_43, %get3A_49 : vector<16xf32>
      %mul3A_51 = arith.constant 16 : i32
      %mul3A_52 = arith.muli %scan3A_24, %mul3A_51 : i32
      %get3A_53 = arith.constant 4 : i32
      %get3A_54 = arith.index_cast %get3A_53 : i32 to index
      %get3A_55 = arith.index_cast %mul3A_52 : i32 to index
      %get3A_56 = tpu.vector_load %arg6[%get3A_54, %get3A_55] {strides = array<i32>} : memref<16x640xf32, #tpu.memory_space<vmem>>, vector<16xf32>,
      %add3A_57 = arith.addf %add3A_50, %get3A_56 : vector<16xf32>
      %mul3A_58 = arith.constant 16 : i32
      %mul3A_59 = arith.muli %scan3A_24, %mul3A_58 : i32
      %get3A_60 = arith.constant 5 : i32
      %get3A_61 = arith.index_cast %get3A_60 : i32 to index
      %get3A_62 = arith.index_cast %mul3A_59 : i32 to index
      %get3A_63 = tpu.vector_load %arg6[%get3A_61, %get3A_62] {strides = array<i32>} : memref<16x640xf32, #tpu.memory_space<vmem>>, vector<16xf32>,
      %add3A_64 = arith.addf %add3A_57, %get3A_63 : vector<16xf32>
      %mul3A_65 = arith.constant 16 : i32
      %mul3A_66 = arith.muli %scan3A_24, %mul3A_65 : i32
      %get3A_67 = arith.constant 6 : i32
      %get3A_68 = arith.index_cast %get3A_67 : i32 to index
      %get3A_69 = arith.index_cast %mul3A_66 : i32 to index
      %get3A_70 = tpu.vector_load %arg6[%get3A_68, %get3A_69] {strides = array<i32>} : memref<16x640xf32, #tpu.memory_space<vmem>>, vector<16xf32>,
      %add3A_71 = arith.addf %add3A_64, %get3A_70 : vector<16xf32>
      %mul3A_72 = arith.constant 16 : i32
      %mul3A_73 = arith.muli %scan3A_24, %mul3A_72 : i32
      %get3A_74 = arith.constant 7 : i32
      %get3A_75 = arith.index_cast %get3A_74 : i32 to index
      %get3A_76 = arith.index_cast %mul3A_73 : i32 to index
      %get3A_77 = tpu.vector_load %arg6[%get3A_75, %get3A_76] {strides = array<i32>} : memref<16x640xf32, #tpu.memory_space<vmem>>, vector<16xf32>,
      %add3A_78 = arith.addf %add3A_71, %get3A_77 : vector<16xf32>
      %mul3A_79 = arith.constant 16 : i32
      %mul3A_80 = arith.muli %scan3A_24, %mul3A_79 : i32
      %get3A_81 = arith.constant 8 : i32
      %get3A_82 = arith.index_cast %get3A_81 : i32 to index
      %get3A_83 = arith.index_cast %mul3A_80 : i32 to index
      %get3A_84 = tpu.vector_load %arg6[%get3A_82, %get3A_83] {strides = array<i32>} : memref<16x640xf32, #tpu.memory_space<vmem>>, vector<16xf32>,
      %add3A_85 = arith.addf %add3A_78, %get3A_84 : vector<16xf32>
      %mul3A_86 = arith.constant 16 : i32
      %mul3A_87 = arith.muli %scan3A_24, %mul3A_86 : i32
      %get3A_88 = arith.constant 9 : i32
      %get3A_89 = arith.index_cast %get3A_88 : i32 to index
      %get3A_90 = arith.index_cast %mul3A_87 : i32 to index
      %get3A_91 = tpu.vector_load %arg6[%get3A_89, %get3A_90] {strides = array<i32>} : memref<16x640xf32, #tpu.memory_space<vmem>>, vector<16xf32>,
      %add3A_92 = arith.addf %add3A_85, %get3A_91 : vector<16xf32>
      %mul3A_93 = arith.constant 16 : i32
      %mul3A_94 = arith.muli %scan3A_24, %mul3A_93 : i32
      %get3A_95 = arith.constant 10 : i32
      %get3A_96 = arith.index_cast %get3A_95 : i32 to index
      %get3A_97 = arith.index_cast %mul3A_94 : i32 to index
      %get3A_98 = tpu.vector_load %arg6[%get3A_96, %get3A_97] {strides = array<i32>} : memref<16x640xf32, #tpu.memory_space<vmem>>, vector<16xf32>,
      %add3A_99 = arith.addf %add3A_92, %get3A_98 : vector<16xf32>
      %mul3A_100 = arith.constant 16 : i32
      %mul3A_101 = arith.muli %scan3A_24, %mul3A_100 : i32
      %get3A_102 = arith.constant 11 : i32
      %get3A_103 = arith.index_cast %get3A_102 : i32 to index
      %get3A_104 = arith.index_cast %mul3A_101 : i32 to index
      %get3A_105 = tpu.vector_load %arg6[%get3A_103, %get3A_104] {strides = array<i32>} : memref<16x640xf32, #tpu.memory_space<vmem>>, vector<16xf32>,
      %add3A_106 = arith.addf %add3A_99, %get3A_105 : vector<16xf32>
      %mul3A_107 = arith.constant 16 : i32
      %mul3A_108 = arith.muli %scan3A_24, %mul3A_107 : i32
      %get3A_109 = arith.constant 12 : i32
      %get3A_110 = arith.index_cast %get3A_109 : i32 to index
      %get3A_111 = arith.index_cast %mul3A_108 : i32 to index
      %get3A_112 = tpu.vector_load %arg6[%get3A_110, %get3A_111] {strides = array<i32>} : memref<16x640xf32, #tpu.memory_space<vmem>>, vector<16xf32>,
      %add3A_113 = arith.addf %add3A_106, %get3A_112 : vector<16xf32>
      %mul3A_114 = arith.constant 16 : i32
      %mul3A_115 = arith.muli %scan3A_24, %mul3A_114 : i32
      %get3A_116 = arith.constant 13 : i32
      %get3A_117 = arith.index_cast %get3A_116 : i32 to index
      %get3A_118 = arith.index_cast %mul3A_115 : i32 to index
      %get3A_119 = tpu.vector_load %arg6[%get3A_117, %get3A_118] {strides = array<i32>} : memref<16x640xf32, #tpu.memory_space<vmem>>, vector<16xf32>,
      %add3A_120 = arith.addf %add3A_113, %get3A_119 : vector<16xf32>
      %mul3A_121 = arith.constant 16 : i32
      %mul3A_122 = arith.muli %scan3A_24, %mul3A_121 : i32
      %get3A_123 = arith.constant 14 : i32
      %get3A_124 = arith.index_cast %get3A_123 : i32 to index
      %get3A_125 = arith.index_cast %mul3A_122 : i32 to index
      %get3A_126 = tpu.vector_load %arg6[%get3A_124, %get3A_125] {strides = array<i32>} : memref<16x640xf32, #tpu.memory_space<vmem>>, vector<16xf32>,
      %add3A_127 = arith.addf %add3A_120, %get3A_126 : vector<16xf32>
      %mul3A_128 = arith.constant 16 : i32
      %mul3A_129 = arith.muli %scan3A_24, %mul3A_128 : i32
      %get3A_130 = arith.constant 15 : i32
      %get3A_131 = arith.index_cast %get3A_130 : i32 to index
      %get3A_132 = arith.index_cast %mul3A_129 : i32 to index
      %get3A_133 = tpu.vector_load %arg6[%get3A_131, %get3A_132] {strides = array<i32>} : memref<16x640xf32, #tpu.memory_space<vmem>>, vector<16xf32>,
      %add3A_134 = arith.addf %add3A_127, %get3A_133 : vector<16xf32>
      %mul3A_135 = arith.constant 16 : i32
      %mul3A_136 = arith.muli %scan3A_24, %mul3A_135 : i32
      %swap3A = arith.index_cast %mul3A_136 : i32 to index
      %swap3A_137 = tpu.vector_load %arg7[%swap3A] {strides = array<i32>} : memref<640xf32, #tpu.memory_space<vmem>>, vector<16xf32>,
      tpu.vector_store %arg7[%swap3A], %add3A_134 {strides = array<i32>} : memref<640xf32, #tpu.memory_space<vmem>>, vector<16xf32>,
    }
    %scan3A_21 = arith.constant 40 : i32
    %mul3A_22 = arith.constant 640 : i32
    %mul3A_23 = arith.muli %arg1, %mul3A_22 : i32
    "tpu.region"() ({
      %run_scoped3A = tpu.sem_alloc : memref<!tpu.dma_semaphore, #tpu.memory_space<semaphore_mem>>
      %dma_start3A = tpu.memref_slice %arg3[%arg0, %mul3A_23] : memref<2x10240xf32, #tpu.memory_space<hbm>> -> memref<1x640xf32, #tpu.memory_space<hbm>>
      %dma_start3A_24 = tpu.memref_squeeze %dma_start3A : memref<1x640xf32, #tpu.memory_space<hbm>> -> memref<640xf32, #tpu.memory_space<hbm>>
      %dma_start3A_25 = tpu.memref_slice %arg3[%arg0, %mul3A_23] : memref<2x10240xf32, #tpu.memory_space<hbm>> -> memref<1x640xf32, #tpu.memory_space<hbm>>
      %dma_start3A_26 = tpu.memref_squeeze %dma_start3A_25 : memref<1x640xf32, #tpu.memory_space<hbm>> -> memref<640xf32, #tpu.memory_space<hbm>>
      tpu.enqueue_dma source(%arg7 : memref<640xf32, #tpu.memory_space<vmem>>) target(%dma_start3A_26 : memref<640xf32, #tpu.memory_space<hbm>>) target_semaphore(%run_scoped3A : memref<!tpu.dma_semaphore, #tpu.memory_space<semaphore_mem>>)
      %dma_wait3A = tpu.memref_slice %arg3[%arg0, %mul3A_23] : memref<2x10240xf32, #tpu.memory_space<hbm>> -> memref<1x640xf32, #tpu.memory_space<hbm>>
      %dma_wait3A_27 = tpu.memref_squeeze %dma_wait3A : memref<1x640xf32, #tpu.memory_space<hbm>> -> memref<640xf32, #tpu.memory_space<hbm>>
      %dma_wait3A_28 = tpu.memref_slice %arg3[%arg0, %mul3A_23] : memref<2x10240xf32, #tpu.memory_space<hbm>> -> memref<1x640xf32, #tpu.memory_space<hbm>>
      %dma_wait3A_29 = tpu.memref_squeeze %dma_wait3A_28 : memref<1x640xf32, #tpu.memory_space<hbm>> -> memref<640xf32, #tpu.memory_space<hbm>>
      tpu.wait_dma2 semaphore(%run_scoped3A : memref<!tpu.dma_semaphore, #tpu.memory_space<semaphore_mem>>) src(%arg7 : memref<640xf32, #tpu.memory_space<vmem>>) dst(%dma_wait3A_29 : memref<640xf32, #tpu.memory_space<hbm>>)
      tpu.yield
    }) : () -> ()
    return
  }
}

#map = affine_map<(d0, d1) -> (0, 0)>
#map1 = affine_map<(d0, d1) -> (0, 0, 0)>
module attributes {stable_mosaic.version = 14 : i64} {
  func.func @_agg_body(%arg0: i32, %arg1: i32, %arg2: memref<10240x128xf32, #tpu.memory_space<hbm>>, %arg3: memref<2560x128xi32, #tpu.memory_space<hbm>>, %arg4: memref<2560x128xi32, #tpu.memory_space<hbm>>, %arg5: memref<2x10240x128xf32, #tpu.memory_space<hbm>>, %arg6: memref<40x128xi32, #tpu.memory_space<vmem>>, %arg7: memref<40x128xi32, #tpu.memory_space<vmem>>, %arg8: memref<2x128x128xf32, #tpu.memory_space<vmem>>, %arg9: memref<10240x128xf32, #tpu.memory_space<vmem_shared>>, %arg10: memref<!tpu.dma_semaphore, #tpu.memory_space<semaphore_mem>>, %arg11: memref<!tpu.dma_semaphore, #tpu.memory_space<semaphore_mem>>) attributes {dimension_semantics = [#tpu.dimension_semantics<core_parallel>, #tpu.dimension_semantics<subcore_parallel>], iteration_bounds = array<i64: 2, 16>, scalar_prefetch = 0 : i64, scratch_operands = 6 : i64, tpu.core_type = #tpu.core_type<sc_vector_subcore>, window_params = [{transform_indices = #map}, {transform_indices = #map}, {transform_indices = #map}, {transform_indices = #map1}]} {
    %mul3A = arith.constant 16 : i32
    %mul3A_0 = arith.muli %arg0, %mul3A : i32
    %add3A = arith.addi %mul3A_0, %arg1 : i32
    %broadcast_in_dim3A = arith.constant 0.000000e+00 : f32
    %broadcast_in_dim3A_1 = vector.broadcast %broadcast_in_dim3A : f32 to vector<16xf32>
    %scan3A = arith.constant 0 : i32
    %scan3A_2 = arith.constant 128 : i32
    %scan3A_3 = arith.addi %scan3A, %scan3A_2 : i32
    %scan3A_4 = arith.constant 1 : i32
    scf.for %scan3A_116 = %scan3A to %scan3A_3 step %scan3A_4  : i32 {
      %swap3A = arith.constant 0 : i32
      %swap3A_117 = arith.index_cast %swap3A : i32 to index
      %swap3A_118 = arith.index_cast %scan3A_116 : i32 to index
      %swap3A_119 = arith.constant 0 : index
      %swap3A_120 = tpu.vector_load %arg8[%swap3A_117, %swap3A_118, %swap3A_119] {strides = array<i32>} : memref<2x128x128xf32, #tpu.memory_space<vmem>>, vector<1x1x16xf32>,
      %swap3A_121 = vector.shape_cast %swap3A_120 : vector<1x1x16xf32> to vector<16xf32>
      %swap3A_122 = vector.shape_cast %broadcast_in_dim3A_1 : vector<16xf32> to vector<1x1x16xf32>
      tpu.vector_store %arg8[%swap3A_117, %swap3A_118, %swap3A_119], %swap3A_122 {strides = array<i32>} : memref<2x128x128xf32, #tpu.memory_space<vmem>>, vector<1x1x16xf32>,
      %swap3A_123 = arith.constant 0 : i32
      %swap3A_124 = arith.index_cast %swap3A_123 : i32 to index
      %swap3A_125 = arith.index_cast %scan3A_116 : i32 to index
      %swap3A_126 = arith.constant 16 : index
      %swap3A_127 = tpu.vector_load %arg8[%swap3A_124, %swap3A_125, %swap3A_126] {strides = array<i32>} : memref<2x128x128xf32, #tpu.memory_space<vmem>>, vector<1x1x16xf32>,
      %swap3A_128 = vector.shape_cast %swap3A_127 : vector<1x1x16xf32> to vector<16xf32>
      %swap3A_129 = vector.shape_cast %broadcast_in_dim3A_1 : vector<16xf32> to vector<1x1x16xf32>
      tpu.vector_store %arg8[%swap3A_124, %swap3A_125, %swap3A_126], %swap3A_129 {strides = array<i32>} : memref<2x128x128xf32, #tpu.memory_space<vmem>>, vector<1x1x16xf32>,
      %swap3A_130 = arith.constant 0 : i32
      %swap3A_131 = arith.index_cast %swap3A_130 : i32 to index
      %swap3A_132 = arith.index_cast %scan3A_116 : i32 to index
      %swap3A_133 = arith.constant 32 : index
      %swap3A_134 = tpu.vector_load %arg8[%swap3A_131, %swap3A_132, %swap3A_133] {strides = array<i32>} : memref<2x128x128xf32, #tpu.memory_space<vmem>>, vector<1x1x16xf32>,
      %swap3A_135 = vector.shape_cast %swap3A_134 : vector<1x1x16xf32> to vector<16xf32>
      %swap3A_136 = vector.shape_cast %broadcast_in_dim3A_1 : vector<16xf32> to vector<1x1x16xf32>
      tpu.vector_store %arg8[%swap3A_131, %swap3A_132, %swap3A_133], %swap3A_136 {strides = array<i32>} : memref<2x128x128xf32, #tpu.memory_space<vmem>>, vector<1x1x16xf32>,
      %swap3A_137 = arith.constant 0 : i32
      %swap3A_138 = arith.index_cast %swap3A_137 : i32 to index
      %swap3A_139 = arith.index_cast %scan3A_116 : i32 to index
      %swap3A_140 = arith.constant 48 : index
      %swap3A_141 = tpu.vector_load %arg8[%swap3A_138, %swap3A_139, %swap3A_140] {strides = array<i32>} : memref<2x128x128xf32, #tpu.memory_space<vmem>>, vector<1x1x16xf32>,
      %swap3A_142 = vector.shape_cast %swap3A_141 : vector<1x1x16xf32> to vector<16xf32>
      %swap3A_143 = vector.shape_cast %broadcast_in_dim3A_1 : vector<16xf32> to vector<1x1x16xf32>
      tpu.vector_store %arg8[%swap3A_138, %swap3A_139, %swap3A_140], %swap3A_143 {strides = array<i32>} : memref<2x128x128xf32, #tpu.memory_space<vmem>>, vector<1x1x16xf32>,
      %swap3A_144 = arith.constant 0 : i32
      %swap3A_145 = arith.index_cast %swap3A_144 : i32 to index
      %swap3A_146 = arith.index_cast %scan3A_116 : i32 to index
      %swap3A_147 = arith.constant 64 : index
      %swap3A_148 = tpu.vector_load %arg8[%swap3A_145, %swap3A_146, %swap3A_147] {strides = array<i32>} : memref<2x128x128xf32, #tpu.memory_space<vmem>>, vector<1x1x16xf32>,
      %swap3A_149 = vector.shape_cast %swap3A_148 : vector<1x1x16xf32> to vector<16xf32>
      %swap3A_150 = vector.shape_cast %broadcast_in_dim3A_1 : vector<16xf32> to vector<1x1x16xf32>
      tpu.vector_store %arg8[%swap3A_145, %swap3A_146, %swap3A_147], %swap3A_150 {strides = array<i32>} : memref<2x128x128xf32, #tpu.memory_space<vmem>>, vector<1x1x16xf32>,
      %swap3A_151 = arith.constant 0 : i32
      %swap3A_152 = arith.index_cast %swap3A_151 : i32 to index
      %swap3A_153 = arith.index_cast %scan3A_116 : i32 to index
      %swap3A_154 = arith.constant 80 : index
      %swap3A_155 = tpu.vector_load %arg8[%swap3A_152, %swap3A_153, %swap3A_154] {strides = array<i32>} : memref<2x128x128xf32, #tpu.memory_space<vmem>>, vector<1x1x16xf32>,
      %swap3A_156 = vector.shape_cast %swap3A_155 : vector<1x1x16xf32> to vector<16xf32>
      %swap3A_157 = vector.shape_cast %broadcast_in_dim3A_1 : vector<16xf32> to vector<1x1x16xf32>
      tpu.vector_store %arg8[%swap3A_152, %swap3A_153, %swap3A_154], %swap3A_157 {strides = array<i32>} : memref<2x128x128xf32, #tpu.memory_space<vmem>>, vector<1x1x16xf32>,
      %swap3A_158 = arith.constant 0 : i32
      %swap3A_159 = arith.index_cast %swap3A_158 : i32 to index
      %swap3A_160 = arith.index_cast %scan3A_116 : i32 to index
      %swap3A_161 = arith.constant 96 : index
      %swap3A_162 = tpu.vector_load %arg8[%swap3A_159, %swap3A_160, %swap3A_161] {strides = array<i32>} : memref<2x128x128xf32, #tpu.memory_space<vmem>>, vector<1x1x16xf32>,
      %swap3A_163 = vector.shape_cast %swap3A_162 : vector<1x1x16xf32> to vector<16xf32>
      %swap3A_164 = vector.shape_cast %broadcast_in_dim3A_1 : vector<16xf32> to vector<1x1x16xf32>
      tpu.vector_store %arg8[%swap3A_159, %swap3A_160, %swap3A_161], %swap3A_164 {strides = array<i32>} : memref<2x128x128xf32, #tpu.memory_space<vmem>>, vector<1x1x16xf32>,
      %swap3A_165 = arith.constant 0 : i32
      %swap3A_166 = arith.index_cast %swap3A_165 : i32 to index
      %swap3A_167 = arith.index_cast %scan3A_116 : i32 to index
      %swap3A_168 = arith.constant 112 : index
      %swap3A_169 = tpu.vector_load %arg8[%swap3A_166, %swap3A_167, %swap3A_168] {strides = array<i32>} : memref<2x128x128xf32, #tpu.memory_space<vmem>>, vector<1x1x16xf32>,
      %swap3A_170 = vector.shape_cast %swap3A_169 : vector<1x1x16xf32> to vector<16xf32>
      %swap3A_171 = vector.shape_cast %broadcast_in_dim3A_1 : vector<16xf32> to vector<1x1x16xf32>
      tpu.vector_store %arg8[%swap3A_166, %swap3A_167, %swap3A_168], %swap3A_171 {strides = array<i32>} : memref<2x128x128xf32, #tpu.memory_space<vmem>>, vector<1x1x16xf32>,
      %swap3A_172 = arith.constant 1 : i32
      %swap3A_173 = arith.index_cast %swap3A_172 : i32 to index
      %swap3A_174 = arith.index_cast %scan3A_116 : i32 to index
      %swap3A_175 = arith.constant 0 : index
      %swap3A_176 = tpu.vector_load %arg8[%swap3A_173, %swap3A_174, %swap3A_175] {strides = array<i32>} : memref<2x128x128xf32, #tpu.memory_space<vmem>>, vector<1x1x16xf32>,
      %swap3A_177 = vector.shape_cast %swap3A_176 : vector<1x1x16xf32> to vector<16xf32>
      %swap3A_178 = vector.shape_cast %broadcast_in_dim3A_1 : vector<16xf32> to vector<1x1x16xf32>
      tpu.vector_store %arg8[%swap3A_173, %swap3A_174, %swap3A_175], %swap3A_178 {strides = array<i32>} : memref<2x128x128xf32, #tpu.memory_space<vmem>>, vector<1x1x16xf32>,
      %swap3A_179 = arith.constant 1 : i32
      %swap3A_180 = arith.index_cast %swap3A_179 : i32 to index
      %swap3A_181 = arith.index_cast %scan3A_116 : i32 to index
      %swap3A_182 = arith.constant 16 : index
      %swap3A_183 = tpu.vector_load %arg8[%swap3A_180, %swap3A_181, %swap3A_182] {strides = array<i32>} : memref<2x128x128xf32, #tpu.memory_space<vmem>>, vector<1x1x16xf32>,
      %swap3A_184 = vector.shape_cast %swap3A_183 : vector<1x1x16xf32> to vector<16xf32>
      %swap3A_185 = vector.shape_cast %broadcast_in_dim3A_1 : vector<16xf32> to vector<1x1x16xf32>
      tpu.vector_store %arg8[%swap3A_180, %swap3A_181, %swap3A_182], %swap3A_185 {strides = array<i32>} : memref<2x128x128xf32, #tpu.memory_space<vmem>>, vector<1x1x16xf32>,
      %swap3A_186 = arith.constant 1 : i32
      %swap3A_187 = arith.index_cast %swap3A_186 : i32 to index
      %swap3A_188 = arith.index_cast %scan3A_116 : i32 to index
      %swap3A_189 = arith.constant 32 : index
      %swap3A_190 = tpu.vector_load %arg8[%swap3A_187, %swap3A_188, %swap3A_189] {strides = array<i32>} : memref<2x128x128xf32, #tpu.memory_space<vmem>>, vector<1x1x16xf32>,
      %swap3A_191 = vector.shape_cast %swap3A_190 : vector<1x1x16xf32> to vector<16xf32>
      %swap3A_192 = vector.shape_cast %broadcast_in_dim3A_1 : vector<16xf32> to vector<1x1x16xf32>
      tpu.vector_store %arg8[%swap3A_187, %swap3A_188, %swap3A_189], %swap3A_192 {strides = array<i32>} : memref<2x128x128xf32, #tpu.memory_space<vmem>>, vector<1x1x16xf32>,
      %swap3A_193 = arith.constant 1 : i32
      %swap3A_194 = arith.index_cast %swap3A_193 : i32 to index
      %swap3A_195 = arith.index_cast %scan3A_116 : i32 to index
      %swap3A_196 = arith.constant 48 : index
      %swap3A_197 = tpu.vector_load %arg8[%swap3A_194, %swap3A_195, %swap3A_196] {strides = array<i32>} : memref<2x128x128xf32, #tpu.memory_space<vmem>>, vector<1x1x16xf32>,
      %swap3A_198 = vector.shape_cast %swap3A_197 : vector<1x1x16xf32> to vector<16xf32>
      %swap3A_199 = vector.shape_cast %broadcast_in_dim3A_1 : vector<16xf32> to vector<1x1x16xf32>
      tpu.vector_store %arg8[%swap3A_194, %swap3A_195, %swap3A_196], %swap3A_199 {strides = array<i32>} : memref<2x128x128xf32, #tpu.memory_space<vmem>>, vector<1x1x16xf32>,
      %swap3A_200 = arith.constant 1 : i32
      %swap3A_201 = arith.index_cast %swap3A_200 : i32 to index
      %swap3A_202 = arith.index_cast %scan3A_116 : i32 to index
      %swap3A_203 = arith.constant 64 : index
      %swap3A_204 = tpu.vector_load %arg8[%swap3A_201, %swap3A_202, %swap3A_203] {strides = array<i32>} : memref<2x128x128xf32, #tpu.memory_space<vmem>>, vector<1x1x16xf32>,
      %swap3A_205 = vector.shape_cast %swap3A_204 : vector<1x1x16xf32> to vector<16xf32>
      %swap3A_206 = vector.shape_cast %broadcast_in_dim3A_1 : vector<16xf32> to vector<1x1x16xf32>
      tpu.vector_store %arg8[%swap3A_201, %swap3A_202, %swap3A_203], %swap3A_206 {strides = array<i32>} : memref<2x128x128xf32, #tpu.memory_space<vmem>>, vector<1x1x16xf32>,
      %swap3A_207 = arith.constant 1 : i32
      %swap3A_208 = arith.index_cast %swap3A_207 : i32 to index
      %swap3A_209 = arith.index_cast %scan3A_116 : i32 to index
      %swap3A_210 = arith.constant 80 : index
      %swap3A_211 = tpu.vector_load %arg8[%swap3A_208, %swap3A_209, %swap3A_210] {strides = array<i32>} : memref<2x128x128xf32, #tpu.memory_space<vmem>>, vector<1x1x16xf32>,
      %swap3A_212 = vector.shape_cast %swap3A_211 : vector<1x1x16xf32> to vector<16xf32>
      %swap3A_213 = vector.shape_cast %broadcast_in_dim3A_1 : vector<16xf32> to vector<1x1x16xf32>
      tpu.vector_store %arg8[%swap3A_208, %swap3A_209, %swap3A_210], %swap3A_213 {strides = array<i32>} : memref<2x128x128xf32, #tpu.memory_space<vmem>>, vector<1x1x16xf32>,
      %swap3A_214 = arith.constant 1 : i32
      %swap3A_215 = arith.index_cast %swap3A_214 : i32 to index
      %swap3A_216 = arith.index_cast %scan3A_116 : i32 to index
      %swap3A_217 = arith.constant 96 : index
      %swap3A_218 = tpu.vector_load %arg8[%swap3A_215, %swap3A_216, %swap3A_217] {strides = array<i32>} : memref<2x128x128xf32, #tpu.memory_space<vmem>>, vector<1x1x16xf32>,
      %swap3A_219 = vector.shape_cast %swap3A_218 : vector<1x1x16xf32> to vector<16xf32>
      %swap3A_220 = vector.shape_cast %broadcast_in_dim3A_1 : vector<16xf32> to vector<1x1x16xf32>
      tpu.vector_store %arg8[%swap3A_215, %swap3A_216, %swap3A_217], %swap3A_220 {strides = array<i32>} : memref<2x128x128xf32, #tpu.memory_space<vmem>>, vector<1x1x16xf32>,
      %swap3A_221 = arith.constant 1 : i32
      %swap3A_222 = arith.index_cast %swap3A_221 : i32 to index
      %swap3A_223 = arith.index_cast %scan3A_116 : i32 to index
      %swap3A_224 = arith.constant 112 : index
      %swap3A_225 = tpu.vector_load %arg8[%swap3A_222, %swap3A_223, %swap3A_224] {strides = array<i32>} : memref<2x128x128xf32, #tpu.memory_space<vmem>>, vector<1x1x16xf32>,
      %swap3A_226 = vector.shape_cast %swap3A_225 : vector<1x1x16xf32> to vector<16xf32>
      %swap3A_227 = vector.shape_cast %broadcast_in_dim3A_1 : vector<16xf32> to vector<1x1x16xf32>
      tpu.vector_store %arg8[%swap3A_222, %swap3A_223, %swap3A_224], %swap3A_227 {strides = array<i32>} : memref<2x128x128xf32, #tpu.memory_space<vmem>>, vector<1x1x16xf32>,
    }
    %scan3A_5 = arith.constant 128 : i32
    %mul3A_6 = arith.constant 640 : i32
    %mul3A_7 = arith.muli %arg1, %mul3A_6 : i32
    %add3A_8 = arith.constant 0 : i32
    %add3A_9 = arith.addi %mul3A_7, %add3A_8 : i32
    %run_scoped3A = arith.constant 0 : i32
    "tpu.region"() ({
      %run_scoped3A_116 = tpu.sem_alloc : memref<!tpu.dma_semaphore, #tpu.memory_space<semaphore_mem>>
      %dma_start3A_117 = arith.constant 0 : i32
      %dma_start3A_118 = arith.constant 0 : i32
      %dma_start3A_119 = tpu.memref_slice %arg8[%run_scoped3A, %dma_start3A_117, %dma_start3A_118] : memref<2x128x128xf32, #tpu.memory_space<vmem>> -> memref<1x128x128xf32, #tpu.memory_space<vmem>>
      %dma_start3A_120 = tpu.memref_squeeze %dma_start3A_119 : memref<1x128x128xf32, #tpu.memory_space<vmem>> -> memref<128x128xf32, #tpu.memory_space<vmem>>
      %dma_start3A_121 = arith.constant 0 : i32
      %dma_start3A_122 = tpu.memref_slice %arg9[%add3A_9, %dma_start3A_121] : memref<10240x128xf32, #tpu.memory_space<vmem_shared>> -> memref<128x128xf32, #tpu.memory_space<vmem_shared>>
      %dma_start3A_123 = arith.constant 0 : i32
      %dma_start3A_124 = tpu.memref_slice %arg9[%add3A_9, %dma_start3A_123] : memref<10240x128xf32, #tpu.memory_space<vmem_shared>> -> memref<128x128xf32, #tpu.memory_space<vmem_shared>>
      %dma_start3A_125 = arith.constant 0 : i32
      %dma_start3A_126 = arith.constant 0 : i32
      %dma_start3A_127 = tpu.memref_slice %arg8[%run_scoped3A, %dma_start3A_125, %dma_start3A_126] : memref<2x128x128xf32, #tpu.memory_space<vmem>> -> memref<1x128x128xf32, #tpu.memory_space<vmem>>
      %dma_start3A_128 = tpu.memref_squeeze %dma_start3A_127 : memref<1x128x128xf32, #tpu.memory_space<vmem>> -> memref<128x128xf32, #tpu.memory_space<vmem>>
      tpu.enqueue_dma source(%dma_start3A_128 : memref<128x128xf32, #tpu.memory_space<vmem>>) target(%dma_start3A_124 : memref<128x128xf32, #tpu.memory_space<vmem_shared>>) target_semaphore(%run_scoped3A_116 : memref<!tpu.dma_semaphore, #tpu.memory_space<semaphore_mem>>)
      %dma_wait3A = arith.constant 0 : i32
      %dma_wait3A_129 = arith.constant 0 : i32
      %dma_wait3A_130 = tpu.memref_slice %arg8[%run_scoped3A, %dma_wait3A, %dma_wait3A_129] : memref<2x128x128xf32, #tpu.memory_space<vmem>> -> memref<1x128x128xf32, #tpu.memory_space<vmem>>
      %dma_wait3A_131 = tpu.memref_squeeze %dma_wait3A_130 : memref<1x128x128xf32, #tpu.memory_space<vmem>> -> memref<128x128xf32, #tpu.memory_space<vmem>>
      %dma_wait3A_132 = arith.constant 0 : i32
      %dma_wait3A_133 = tpu.memref_slice %arg9[%add3A_9, %dma_wait3A_132] : memref<10240x128xf32, #tpu.memory_space<vmem_shared>> -> memref<128x128xf32, #tpu.memory_space<vmem_shared>>
      %dma_wait3A_134 = arith.constant 0 : i32
      %dma_wait3A_135 = tpu.memref_slice %arg9[%add3A_9, %dma_wait3A_134] : memref<10240x128xf32, #tpu.memory_space<vmem_shared>> -> memref<128x128xf32, #tpu.memory_space<vmem_shared>>
      %dma_wait3A_136 = arith.constant 0 : i32
      %dma_wait3A_137 = arith.constant 0 : i32
      %dma_wait3A_138 = tpu.memref_slice %arg8[%run_scoped3A, %dma_wait3A_136, %dma_wait3A_137] : memref<2x128x128xf32, #tpu.memory_space<vmem>> -> memref<1x128x128xf32, #tpu.memory_space<vmem>>
      %dma_wait3A_139 = tpu.memref_squeeze %dma_wait3A_138 : memref<1x128x128xf32, #tpu.memory_space<vmem>> -> memref<128x128xf32, #tpu.memory_space<vmem>>
      tpu.wait_dma2 semaphore(%run_scoped3A_116 : memref<!tpu.dma_semaphore, #tpu.memory_space<semaphore_mem>>) src(%dma_wait3A_139 : memref<128x128xf32, #tpu.memory_space<vmem>>) dst(%dma_wait3A_135 : memref<128x128xf32, #tpu.memory_space<vmem_shared>>)
      tpu.yield
    }) : () -> ()
    %mul3A_10 = arith.constant 640 : i32
    %mul3A_11 = arith.muli %arg1, %mul3A_10 : i32
    %add3A_12 = arith.constant 128 : i32
    %add3A_13 = arith.addi %mul3A_11, %add3A_12 : i32
    %run_scoped3A_14 = arith.constant 0 : i32
    "tpu.region"() ({
      %run_scoped3A_116 = tpu.sem_alloc : memref<!tpu.dma_semaphore, #tpu.memory_space<semaphore_mem>>
      %dma_start3A_117 = arith.constant 0 : i32
      %dma_start3A_118 = arith.constant 0 : i32
      %dma_start3A_119 = tpu.memref_slice %arg8[%run_scoped3A_14, %dma_start3A_117, %dma_start3A_118] : memref<2x128x128xf32, #tpu.memory_space<vmem>> -> memref<1x128x128xf32, #tpu.memory_space<vmem>>
      %dma_start3A_120 = tpu.memref_squeeze %dma_start3A_119 : memref<1x128x128xf32, #tpu.memory_space<vmem>> -> memref<128x128xf32, #tpu.memory_space<vmem>>
      %dma_start3A_121 = arith.constant 0 : i32
      %dma_start3A_122 = tpu.memref_slice %arg9[%add3A_13, %dma_start3A_121] : memref<10240x128xf32, #tpu.memory_space<vmem_shared>> -> memref<128x128xf32, #tpu.memory_space<vmem_shared>>
      %dma_start3A_123 = arith.constant 0 : i32
      %dma_start3A_124 = tpu.memref_slice %arg9[%add3A_13, %dma_start3A_123] : memref<10240x128xf32, #tpu.memory_space<vmem_shared>> -> memref<128x128xf32, #tpu.memory_space<vmem_shared>>
      %dma_start3A_125 = arith.constant 0 : i32
      %dma_start3A_126 = arith.constant 0 : i32
      %dma_start3A_127 = tpu.memref_slice %arg8[%run_scoped3A_14, %dma_start3A_125, %dma_start3A_126] : memref<2x128x128xf32, #tpu.memory_space<vmem>> -> memref<1x128x128xf32, #tpu.memory_space<vmem>>
      %dma_start3A_128 = tpu.memref_squeeze %dma_start3A_127 : memref<1x128x128xf32, #tpu.memory_space<vmem>> -> memref<128x128xf32, #tpu.memory_space<vmem>>
      tpu.enqueue_dma source(%dma_start3A_128 : memref<128x128xf32, #tpu.memory_space<vmem>>) target(%dma_start3A_124 : memref<128x128xf32, #tpu.memory_space<vmem_shared>>) target_semaphore(%run_scoped3A_116 : memref<!tpu.dma_semaphore, #tpu.memory_space<semaphore_mem>>)
      %dma_wait3A = arith.constant 0 : i32
      %dma_wait3A_129 = arith.constant 0 : i32
      %dma_wait3A_130 = tpu.memref_slice %arg8[%run_scoped3A_14, %dma_wait3A, %dma_wait3A_129] : memref<2x128x128xf32, #tpu.memory_space<vmem>> -> memref<1x128x128xf32, #tpu.memory_space<vmem>>
      %dma_wait3A_131 = tpu.memref_squeeze %dma_wait3A_130 : memref<1x128x128xf32, #tpu.memory_space<vmem>> -> memref<128x128xf32, #tpu.memory_space<vmem>>
      %dma_wait3A_132 = arith.constant 0 : i32
      %dma_wait3A_133 = tpu.memref_slice %arg9[%add3A_13, %dma_wait3A_132] : memref<10240x128xf32, #tpu.memory_space<vmem_shared>> -> memref<128x128xf32, #tpu.memory_space<vmem_shared>>
      %dma_wait3A_134 = arith.constant 0 : i32
      %dma_wait3A_135 = tpu.memref_slice %arg9[%add3A_13, %dma_wait3A_134] : memref<10240x128xf32, #tpu.memory_space<vmem_shared>> -> memref<128x128xf32, #tpu.memory_space<vmem_shared>>
      %dma_wait3A_136 = arith.constant 0 : i32
      %dma_wait3A_137 = arith.constant 0 : i32
      %dma_wait3A_138 = tpu.memref_slice %arg8[%run_scoped3A_14, %dma_wait3A_136, %dma_wait3A_137] : memref<2x128x128xf32, #tpu.memory_space<vmem>> -> memref<1x128x128xf32, #tpu.memory_space<vmem>>
      %dma_wait3A_139 = tpu.memref_squeeze %dma_wait3A_138 : memref<1x128x128xf32, #tpu.memory_space<vmem>> -> memref<128x128xf32, #tpu.memory_space<vmem>>
      tpu.wait_dma2 semaphore(%run_scoped3A_116 : memref<!tpu.dma_semaphore, #tpu.memory_space<semaphore_mem>>) src(%dma_wait3A_139 : memref<128x128xf32, #tpu.memory_space<vmem>>) dst(%dma_wait3A_135 : memref<128x128xf32, #tpu.memory_space<vmem_shared>>)
      tpu.yield
    }) : () -> ()
    %mul3A_15 = arith.constant 640 : i32
    %mul3A_16 = arith.muli %arg1, %mul3A_15 : i32
    %add3A_17 = arith.constant 256 : i32
    %add3A_18 = arith.addi %mul3A_16, %add3A_17 : i32
    %run_scoped3A_19 = arith.constant 0 : i32
    "tpu.region"() ({
      %run_scoped3A_116 = tpu.sem_alloc : memref<!tpu.dma_semaphore, #tpu.memory_space<semaphore_mem>>
      %dma_start3A_117 = arith.constant 0 : i32
      %dma_start3A_118 = arith.constant 0 : i32
      %dma_start3A_119 = tpu.memref_slice %arg8[%run_scoped3A_19, %dma_start3A_117, %dma_start3A_118] : memref<2x128x128xf32, #tpu.memory_space<vmem>> -> memref<1x128x128xf32, #tpu.memory_space<vmem>>
      %dma_start3A_120 = tpu.memref_squeeze %dma_start3A_119 : memref<1x128x128xf32, #tpu.memory_space<vmem>> -> memref<128x128xf32, #tpu.memory_space<vmem>>
      %dma_start3A_121 = arith.constant 0 : i32
      %dma_start3A_122 = tpu.memref_slice %arg9[%add3A_18, %dma_start3A_121] : memref<10240x128xf32, #tpu.memory_space<vmem_shared>> -> memref<128x128xf32, #tpu.memory_space<vmem_shared>>
      %dma_start3A_123 = arith.constant 0 : i32
      %dma_start3A_124 = tpu.memref_slice %arg9[%add3A_18, %dma_start3A_123] : memref<10240x128xf32, #tpu.memory_space<vmem_shared>> -> memref<128x128xf32, #tpu.memory_space<vmem_shared>>
      %dma_start3A_125 = arith.constant 0 : i32
      %dma_start3A_126 = arith.constant 0 : i32
      %dma_start3A_127 = tpu.memref_slice %arg8[%run_scoped3A_19, %dma_start3A_125, %dma_start3A_126] : memref<2x128x128xf32, #tpu.memory_space<vmem>> -> memref<1x128x128xf32, #tpu.memory_space<vmem>>
      %dma_start3A_128 = tpu.memref_squeeze %dma_start3A_127 : memref<1x128x128xf32, #tpu.memory_space<vmem>> -> memref<128x128xf32, #tpu.memory_space<vmem>>
      tpu.enqueue_dma source(%dma_start3A_128 : memref<128x128xf32, #tpu.memory_space<vmem>>) target(%dma_start3A_124 : memref<128x128xf32, #tpu.memory_space<vmem_shared>>) target_semaphore(%run_scoped3A_116 : memref<!tpu.dma_semaphore, #tpu.memory_space<semaphore_mem>>)
      %dma_wait3A = arith.constant 0 : i32
      %dma_wait3A_129 = arith.constant 0 : i32
      %dma_wait3A_130 = tpu.memref_slice %arg8[%run_scoped3A_19, %dma_wait3A, %dma_wait3A_129] : memref<2x128x128xf32, #tpu.memory_space<vmem>> -> memref<1x128x128xf32, #tpu.memory_space<vmem>>
      %dma_wait3A_131 = tpu.memref_squeeze %dma_wait3A_130 : memref<1x128x128xf32, #tpu.memory_space<vmem>> -> memref<128x128xf32, #tpu.memory_space<vmem>>
      %dma_wait3A_132 = arith.constant 0 : i32
      %dma_wait3A_133 = tpu.memref_slice %arg9[%add3A_18, %dma_wait3A_132] : memref<10240x128xf32, #tpu.memory_space<vmem_shared>> -> memref<128x128xf32, #tpu.memory_space<vmem_shared>>
      %dma_wait3A_134 = arith.constant 0 : i32
      %dma_wait3A_135 = tpu.memref_slice %arg9[%add3A_18, %dma_wait3A_134] : memref<10240x128xf32, #tpu.memory_space<vmem_shared>> -> memref<128x128xf32, #tpu.memory_space<vmem_shared>>
      %dma_wait3A_136 = arith.constant 0 : i32
      %dma_wait3A_137 = arith.constant 0 : i32
      %dma_wait3A_138 = tpu.memref_slice %arg8[%run_scoped3A_19, %dma_wait3A_136, %dma_wait3A_137] : memref<2x128x128xf32, #tpu.memory_space<vmem>> -> memref<1x128x128xf32, #tpu.memory_space<vmem>>
      %dma_wait3A_139 = tpu.memref_squeeze %dma_wait3A_138 : memref<1x128x128xf32, #tpu.memory_space<vmem>> -> memref<128x128xf32, #tpu.memory_space<vmem>>
      tpu.wait_dma2 semaphore(%run_scoped3A_116 : memref<!tpu.dma_semaphore, #tpu.memory_space<semaphore_mem>>) src(%dma_wait3A_139 : memref<128x128xf32, #tpu.memory_space<vmem>>) dst(%dma_wait3A_135 : memref<128x128xf32, #tpu.memory_space<vmem_shared>>)
      tpu.yield
    }) : () -> ()
    %mul3A_20 = arith.constant 640 : i32
    %mul3A_21 = arith.muli %arg1, %mul3A_20 : i32
    %add3A_22 = arith.constant 384 : i32
    %add3A_23 = arith.addi %mul3A_21, %add3A_22 : i32
    %run_scoped3A_24 = arith.constant 0 : i32
    "tpu.region"() ({
      %run_scoped3A_116 = tpu.sem_alloc : memref<!tpu.dma_semaphore, #tpu.memory_space<semaphore_mem>>
      %dma_start3A_117 = arith.constant 0 : i32
      %dma_start3A_118 = arith.constant 0 : i32
      %dma_start3A_119 = tpu.memref_slice %arg8[%run_scoped3A_24, %dma_start3A_117, %dma_start3A_118] : memref<2x128x128xf32, #tpu.memory_space<vmem>> -> memref<1x128x128xf32, #tpu.memory_space<vmem>>
      %dma_start3A_120 = tpu.memref_squeeze %dma_start3A_119 : memref<1x128x128xf32, #tpu.memory_space<vmem>> -> memref<128x128xf32, #tpu.memory_space<vmem>>
      %dma_start3A_121 = arith.constant 0 : i32
      %dma_start3A_122 = tpu.memref_slice %arg9[%add3A_23, %dma_start3A_121] : memref<10240x128xf32, #tpu.memory_space<vmem_shared>> -> memref<128x128xf32, #tpu.memory_space<vmem_shared>>
      %dma_start3A_123 = arith.constant 0 : i32
      %dma_start3A_124 = tpu.memref_slice %arg9[%add3A_23, %dma_start3A_123] : memref<10240x128xf32, #tpu.memory_space<vmem_shared>> -> memref<128x128xf32, #tpu.memory_space<vmem_shared>>
      %dma_start3A_125 = arith.constant 0 : i32
      %dma_start3A_126 = arith.constant 0 : i32
      %dma_start3A_127 = tpu.memref_slice %arg8[%run_scoped3A_24, %dma_start3A_125, %dma_start3A_126] : memref<2x128x128xf32, #tpu.memory_space<vmem>> -> memref<1x128x128xf32, #tpu.memory_space<vmem>>
      %dma_start3A_128 = tpu.memref_squeeze %dma_start3A_127 : memref<1x128x128xf32, #tpu.memory_space<vmem>> -> memref<128x128xf32, #tpu.memory_space<vmem>>
      tpu.enqueue_dma source(%dma_start3A_128 : memref<128x128xf32, #tpu.memory_space<vmem>>) target(%dma_start3A_124 : memref<128x128xf32, #tpu.memory_space<vmem_shared>>) target_semaphore(%run_scoped3A_116 : memref<!tpu.dma_semaphore, #tpu.memory_space<semaphore_mem>>)
      %dma_wait3A = arith.constant 0 : i32
      %dma_wait3A_129 = arith.constant 0 : i32
      %dma_wait3A_130 = tpu.memref_slice %arg8[%run_scoped3A_24, %dma_wait3A, %dma_wait3A_129] : memref<2x128x128xf32, #tpu.memory_space<vmem>> -> memref<1x128x128xf32, #tpu.memory_space<vmem>>
      %dma_wait3A_131 = tpu.memref_squeeze %dma_wait3A_130 : memref<1x128x128xf32, #tpu.memory_space<vmem>> -> memref<128x128xf32, #tpu.memory_space<vmem>>
      %dma_wait3A_132 = arith.constant 0 : i32
      %dma_wait3A_133 = tpu.memref_slice %arg9[%add3A_23, %dma_wait3A_132] : memref<10240x128xf32, #tpu.memory_space<vmem_shared>> -> memref<128x128xf32, #tpu.memory_space<vmem_shared>>
      %dma_wait3A_134 = arith.constant 0 : i32
      %dma_wait3A_135 = tpu.memref_slice %arg9[%add3A_23, %dma_wait3A_134] : memref<10240x128xf32, #tpu.memory_space<vmem_shared>> -> memref<128x128xf32, #tpu.memory_space<vmem_shared>>
      %dma_wait3A_136 = arith.constant 0 : i32
      %dma_wait3A_137 = arith.constant 0 : i32
      %dma_wait3A_138 = tpu.memref_slice %arg8[%run_scoped3A_24, %dma_wait3A_136, %dma_wait3A_137] : memref<2x128x128xf32, #tpu.memory_space<vmem>> -> memref<1x128x128xf32, #tpu.memory_space<vmem>>
      %dma_wait3A_139 = tpu.memref_squeeze %dma_wait3A_138 : memref<1x128x128xf32, #tpu.memory_space<vmem>> -> memref<128x128xf32, #tpu.memory_space<vmem>>
      tpu.wait_dma2 semaphore(%run_scoped3A_116 : memref<!tpu.dma_semaphore, #tpu.memory_space<semaphore_mem>>) src(%dma_wait3A_139 : memref<128x128xf32, #tpu.memory_space<vmem>>) dst(%dma_wait3A_135 : memref<128x128xf32, #tpu.memory_space<vmem_shared>>)
      tpu.yield
    }) : () -> ()
    %mul3A_25 = arith.constant 640 : i32
    %mul3A_26 = arith.muli %arg1, %mul3A_25 : i32
    %add3A_27 = arith.constant 512 : i32
    %add3A_28 = arith.addi %mul3A_26, %add3A_27 : i32
    %run_scoped3A_29 = arith.constant 0 : i32
    "tpu.region"() ({
      %run_scoped3A_116 = tpu.sem_alloc : memref<!tpu.dma_semaphore, #tpu.memory_space<semaphore_mem>>
      %dma_start3A_117 = arith.constant 0 : i32
      %dma_start3A_118 = arith.constant 0 : i32
      %dma_start3A_119 = tpu.memref_slice %arg8[%run_scoped3A_29, %dma_start3A_117, %dma_start3A_118] : memref<2x128x128xf32, #tpu.memory_space<vmem>> -> memref<1x128x128xf32, #tpu.memory_space<vmem>>
      %dma_start3A_120 = tpu.memref_squeeze %dma_start3A_119 : memref<1x128x128xf32, #tpu.memory_space<vmem>> -> memref<128x128xf32, #tpu.memory_space<vmem>>
      %dma_start3A_121 = arith.constant 0 : i32
      %dma_start3A_122 = tpu.memref_slice %arg9[%add3A_28, %dma_start3A_121] : memref<10240x128xf32, #tpu.memory_space<vmem_shared>> -> memref<128x128xf32, #tpu.memory_space<vmem_shared>>
      %dma_start3A_123 = arith.constant 0 : i32
      %dma_start3A_124 = tpu.memref_slice %arg9[%add3A_28, %dma_start3A_123] : memref<10240x128xf32, #tpu.memory_space<vmem_shared>> -> memref<128x128xf32, #tpu.memory_space<vmem_shared>>
      %dma_start3A_125 = arith.constant 0 : i32
      %dma_start3A_126 = arith.constant 0 : i32
      %dma_start3A_127 = tpu.memref_slice %arg8[%run_scoped3A_29, %dma_start3A_125, %dma_start3A_126] : memref<2x128x128xf32, #tpu.memory_space<vmem>> -> memref<1x128x128xf32, #tpu.memory_space<vmem>>
      %dma_start3A_128 = tpu.memref_squeeze %dma_start3A_127 : memref<1x128x128xf32, #tpu.memory_space<vmem>> -> memref<128x128xf32, #tpu.memory_space<vmem>>
      tpu.enqueue_dma source(%dma_start3A_128 : memref<128x128xf32, #tpu.memory_space<vmem>>) target(%dma_start3A_124 : memref<128x128xf32, #tpu.memory_space<vmem_shared>>) target_semaphore(%run_scoped3A_116 : memref<!tpu.dma_semaphore, #tpu.memory_space<semaphore_mem>>)
      %dma_wait3A = arith.constant 0 : i32
      %dma_wait3A_129 = arith.constant 0 : i32
      %dma_wait3A_130 = tpu.memref_slice %arg8[%run_scoped3A_29, %dma_wait3A, %dma_wait3A_129] : memref<2x128x128xf32, #tpu.memory_space<vmem>> -> memref<1x128x128xf32, #tpu.memory_space<vmem>>
      %dma_wait3A_131 = tpu.memref_squeeze %dma_wait3A_130 : memref<1x128x128xf32, #tpu.memory_space<vmem>> -> memref<128x128xf32, #tpu.memory_space<vmem>>
      %dma_wait3A_132 = arith.constant 0 : i32
      %dma_wait3A_133 = tpu.memref_slice %arg9[%add3A_28, %dma_wait3A_132] : memref<10240x128xf32, #tpu.memory_space<vmem_shared>> -> memref<128x128xf32, #tpu.memory_space<vmem_shared>>
      %dma_wait3A_134 = arith.constant 0 : i32
      %dma_wait3A_135 = tpu.memref_slice %arg9[%add3A_28, %dma_wait3A_134] : memref<10240x128xf32, #tpu.memory_space<vmem_shared>> -> memref<128x128xf32, #tpu.memory_space<vmem_shared>>
      %dma_wait3A_136 = arith.constant 0 : i32
      %dma_wait3A_137 = arith.constant 0 : i32
      %dma_wait3A_138 = tpu.memref_slice %arg8[%run_scoped3A_29, %dma_wait3A_136, %dma_wait3A_137] : memref<2x128x128xf32, #tpu.memory_space<vmem>> -> memref<1x128x128xf32, #tpu.memory_space<vmem>>
      %dma_wait3A_139 = tpu.memref_squeeze %dma_wait3A_138 : memref<1x128x128xf32, #tpu.memory_space<vmem>> -> memref<128x128xf32, #tpu.memory_space<vmem>>
      tpu.wait_dma2 semaphore(%run_scoped3A_116 : memref<!tpu.dma_semaphore, #tpu.memory_space<semaphore_mem>>) src(%dma_wait3A_139 : memref<128x128xf32, #tpu.memory_space<vmem>>) dst(%dma_wait3A_135 : memref<128x128xf32, #tpu.memory_space<vmem_shared>>)
      tpu.yield
    }) : () -> ()
    %barrier3A = arith.constant 0 : index
    tpu.barrier barrier_id(%barrier3A)
    %mul3A_30 = arith.constant 80 : i32
    %mul3A_31 = arith.muli %add3A, %mul3A_30 : i32
    %add3A_32 = arith.constant 0 : i32
    %add3A_33 = arith.addi %mul3A_31, %add3A_32 : i32
    "tpu.region"() ({
      %run_scoped3A_116 = tpu.sem_alloc : memref<!tpu.dma_semaphore, #tpu.memory_space<semaphore_mem>>
      %dma_start3A_117 = arith.constant 0 : i32
      %dma_start3A_118 = tpu.memref_slice %arg3[%add3A_33, %dma_start3A_117] : memref<2560x128xi32, #tpu.memory_space<hbm>> -> memref<40x128xi32, #tpu.memory_space<hbm>>
      %dma_start3A_119 = arith.constant 0 : i32
      %dma_start3A_120 = tpu.memref_slice %arg3[%add3A_33, %dma_start3A_119] : memref<2560x128xi32, #tpu.memory_space<hbm>> -> memref<40x128xi32, #tpu.memory_space<hbm>>
      tpu.enqueue_dma source(%dma_start3A_120 : memref<40x128xi32, #tpu.memory_space<hbm>>) target(%arg6 : memref<40x128xi32, #tpu.memory_space<vmem>>) target_semaphore(%run_scoped3A_116 : memref<!tpu.dma_semaphore, #tpu.memory_space<semaphore_mem>>)
      %dma_wait3A = arith.constant 0 : i32
      %dma_wait3A_121 = tpu.memref_slice %arg3[%add3A_33, %dma_wait3A] : memref<2560x128xi32, #tpu.memory_space<hbm>> -> memref<40x128xi32, #tpu.memory_space<hbm>>
      %dma_wait3A_122 = arith.constant 0 : i32
      %dma_wait3A_123 = tpu.memref_slice %arg3[%add3A_33, %dma_wait3A_122] : memref<2560x128xi32, #tpu.memory_space<hbm>> -> memref<40x128xi32, #tpu.memory_space<hbm>>
      tpu.wait_dma2 semaphore(%run_scoped3A_116 : memref<!tpu.dma_semaphore, #tpu.memory_space<semaphore_mem>>) src(%dma_wait3A_123 : memref<40x128xi32, #tpu.memory_space<hbm>>) dst(%arg6 : memref<40x128xi32, #tpu.memory_space<vmem>>)
      tpu.yield
    }) : () -> ()
    "tpu.region"() ({
      %run_scoped3A_116 = tpu.sem_alloc : memref<!tpu.dma_semaphore, #tpu.memory_space<semaphore_mem>>
      %dma_start3A_117 = arith.constant 0 : i32
      %dma_start3A_118 = tpu.memref_slice %arg4[%add3A_33, %dma_start3A_117] : memref<2560x128xi32, #tpu.memory_space<hbm>> -> memref<40x128xi32, #tpu.memory_space<hbm>>
      %dma_start3A_119 = arith.constant 0 : i32
      %dma_start3A_120 = tpu.memref_slice %arg4[%add3A_33, %dma_start3A_119] : memref<2560x128xi32, #tpu.memory_space<hbm>> -> memref<40x128xi32, #tpu.memory_space<hbm>>
      tpu.enqueue_dma source(%dma_start3A_120 : memref<40x128xi32, #tpu.memory_space<hbm>>) target(%arg7 : memref<40x128xi32, #tpu.memory_space<vmem>>) target_semaphore(%run_scoped3A_116 : memref<!tpu.dma_semaphore, #tpu.memory_space<semaphore_mem>>)
      %dma_wait3A = arith.constant 0 : i32
      %dma_wait3A_121 = tpu.memref_slice %arg4[%add3A_33, %dma_wait3A] : memref<2560x128xi32, #tpu.memory_space<hbm>> -> memref<40x128xi32, #tpu.memory_space<hbm>>
      %dma_wait3A_122 = arith.constant 0 : i32
      %dma_wait3A_123 = tpu.memref_slice %arg4[%add3A_33, %dma_wait3A_122] : memref<2560x128xi32, #tpu.memory_space<hbm>> -> memref<40x128xi32, #tpu.memory_space<hbm>>
      tpu.wait_dma2 semaphore(%run_scoped3A_116 : memref<!tpu.dma_semaphore, #tpu.memory_space<semaphore_mem>>) src(%dma_wait3A_123 : memref<40x128xi32, #tpu.memory_space<hbm>>) dst(%arg7 : memref<40x128xi32, #tpu.memory_space<vmem>>)
      tpu.yield
    }) : () -> ()
    %dma_start3A = arith.constant 0 : i32
    %dma_start3A_34 = arith.constant 0 : i32
    %dma_start3A_35 = arith.constant 0 : i32
    %dma_start3A_36 = arith.constant 0 : i32
    %dma_start3A_37 = tpu.memref_slice %arg8[%dma_start3A_34, %dma_start3A_35, %dma_start3A_36] : memref<2x128x128xf32, #tpu.memory_space<vmem>> -> memref<1x128x128xf32, #tpu.memory_space<vmem>>
    %dma_start3A_38 = tpu.memref_squeeze %dma_start3A_37 : memref<1x128x128xf32, #tpu.memory_space<vmem>> -> memref<128x128xf32, #tpu.memory_space<vmem>>
    %dma_start3A_39 = arith.constant 0 : i32
    %dma_start3A_40 = tpu.memref_slice %arg6[%dma_start3A, %dma_start3A_39] : memref<40x128xi32, #tpu.memory_space<vmem>> -> memref<1x128xi32, #tpu.memory_space<vmem>>
    %dma_start3A_41 = tpu.memref_squeeze %dma_start3A_40 : memref<1x128xi32, #tpu.memory_space<vmem>> -> memref<128xi32, #tpu.memory_space<vmem>>
    %dma_start3A_42 = arith.constant 0 : i32
    %dma_start3A_43 = arith.constant 0 : i32
    %dma_start3A_44 = tpu.memref_slice %arg2[%dma_start3A_42, %dma_start3A_43] : memref<10240x128xf32, #tpu.memory_space<hbm>> -> memref<10240x128xf32, #tpu.memory_space<hbm>>
    tpu.enqueue_indirect_dma source(%dma_start3A_44 : memref<10240x128xf32, #tpu.memory_space<hbm>>) target(%dma_start3A_38 : memref<128x128xf32, #tpu.memory_space<vmem>>) offsets(%dma_start3A_41 : memref<128xi32, #tpu.memory_space<vmem>>) semaphore(%arg10 : memref<!tpu.dma_semaphore, #tpu.memory_space<semaphore_mem>>)
    %dma_start3A_45 = arith.constant 1 : i32
    %dma_start3A_46 = arith.constant 1 : i32
    %dma_start3A_47 = arith.constant 0 : i32
    %dma_start3A_48 = arith.constant 0 : i32
    %dma_start3A_49 = tpu.memref_slice %arg8[%dma_start3A_46, %dma_start3A_47, %dma_start3A_48] : memref<2x128x128xf32, #tpu.memory_space<vmem>> -> memref<1x128x128xf32, #tpu.memory_space<vmem>>
    %dma_start3A_50 = tpu.memref_squeeze %dma_start3A_49 : memref<1x128x128xf32, #tpu.memory_space<vmem>> -> memref<128x128xf32, #tpu.memory_space<vmem>>
    %dma_start3A_51 = arith.constant 0 : i32
    %dma_start3A_52 = tpu.memref_slice %arg6[%dma_start3A_45, %dma_start3A_51] : memref<40x128xi32, #tpu.memory_space<vmem>> -> memref<1x128xi32, #tpu.memory_space<vmem>>
    %dma_start3A_53 = tpu.memref_squeeze %dma_start3A_52 : memref<1x128xi32, #tpu.memory_space<vmem>> -> memref<128xi32, #tpu.memory_space<vmem>>
    %dma_start3A_54 = arith.constant 0 : i32
    %dma_start3A_55 = arith.constant 0 : i32
    %dma_start3A_56 = tpu.memref_slice %arg2[%dma_start3A_54, %dma_start3A_55] : memref<10240x128xf32, #tpu.memory_space<hbm>> -> memref<10240x128xf32, #tpu.memory_space<hbm>>
    tpu.enqueue_indirect_dma source(%dma_start3A_56 : memref<10240x128xf32, #tpu.memory_space<hbm>>) target(%dma_start3A_50 : memref<128x128xf32, #tpu.memory_space<vmem>>) offsets(%dma_start3A_53 : memref<128xi32, #tpu.memory_space<vmem>>) semaphore(%arg10 : memref<!tpu.dma_semaphore, #tpu.memory_space<semaphore_mem>>)
    %scan3A_57 = arith.constant 0 : i32
    %scan3A_58 = arith.constant 20 : i32
    %scan3A_59 = arith.addi %scan3A_57, %scan3A_58 : i32
    %scan3A_60 = arith.constant 1 : i32
    scf.for %scan3A_116 = %scan3A_57 to %scan3A_59 step %scan3A_60  : i32 {
      %mul3A_117 = arith.constant 2 : i32
      %mul3A_118 = arith.muli %scan3A_116, %mul3A_117 : i32
      %add3A_119 = arith.constant 0 : i32
      %add3A_120 = arith.addi %mul3A_118, %add3A_119 : i32
      %dma_wait3A = arith.constant 0 : i32
      %dma_wait3A_121 = arith.constant 0 : i32
      %dma_wait3A_122 = arith.constant 0 : i32
      %dma_wait3A_123 = tpu.memref_slice %arg8[%dma_wait3A, %dma_wait3A_121, %dma_wait3A_122] : memref<2x128x128xf32, #tpu.memory_space<vmem>> -> memref<1x128x128xf32, #tpu.memory_space<vmem>>
      %dma_wait3A_124 = tpu.memref_squeeze %dma_wait3A_123 : memref<1x128x128xf32, #tpu.memory_space<vmem>> -> memref<128x128xf32, #tpu.memory_space<vmem>>
      %dma_wait3A_125 = arith.constant 0 : i32
      %dma_wait3A_126 = tpu.memref_slice %arg6[%add3A_120, %dma_wait3A_125] : memref<40x128xi32, #tpu.memory_space<vmem>> -> memref<1x128xi32, #tpu.memory_space<vmem>>
      %dma_wait3A_127 = tpu.memref_squeeze %dma_wait3A_126 : memref<1x128xi32, #tpu.memory_space<vmem>> -> memref<128xi32, #tpu.memory_space<vmem>>
      %dma_wait3A_128 = arith.constant 0 : i32
      %dma_wait3A_129 = arith.constant 0 : i32
      %dma_wait3A_130 = tpu.memref_slice %arg2[%dma_wait3A_128, %dma_wait3A_129] : memref<10240x128xf32, #tpu.memory_space<hbm>> -> memref<10240x128xf32, #tpu.memory_space<hbm>>
      tpu.wait_indirect_dma semaphore(%arg10 : memref<!tpu.dma_semaphore, #tpu.memory_space<semaphore_mem>>) src(%dma_wait3A_130 : memref<10240x128xf32, #tpu.memory_space<hbm>>) dst(%dma_wait3A_124 : memref<128x128xf32, #tpu.memory_space<vmem>>)
      %add3A_131 = arith.constant 0 : i32
      %add3A_132 = arith.addi %mul3A_118, %add3A_131 : i32
      %dma_start3A_133 = arith.constant 0 : i32
      %dma_start3A_134 = arith.constant 0 : i32
      %dma_start3A_135 = arith.constant 0 : i32
      %dma_start3A_136 = tpu.memref_slice %arg8[%dma_start3A_133, %dma_start3A_134, %dma_start3A_135] : memref<2x128x128xf32, #tpu.memory_space<vmem>> -> memref<1x128x128xf32, #tpu.memory_space<vmem>>
      %dma_start3A_137 = tpu.memref_squeeze %dma_start3A_136 : memref<1x128x128xf32, #tpu.memory_space<vmem>> -> memref<128x128xf32, #tpu.memory_space<vmem>>
      %dma_start3A_138 = arith.constant 0 : i32
      %dma_start3A_139 = tpu.memref_slice %arg7[%add3A_132, %dma_start3A_138] : memref<40x128xi32, #tpu.memory_space<vmem>> -> memref<1x128xi32, #tpu.memory_space<vmem>>
      %dma_start3A_140 = tpu.memref_squeeze %dma_start3A_139 : memref<1x128xi32, #tpu.memory_space<vmem>> -> memref<128xi32, #tpu.memory_space<vmem>>
      %dma_start3A_141 = arith.constant 0 : i32
      %dma_start3A_142 = arith.constant 0 : i32
      %dma_start3A_143 = tpu.memref_slice %arg9[%dma_start3A_141, %dma_start3A_142] : memref<10240x128xf32, #tpu.memory_space<vmem_shared>> -> memref<10240x128xf32, #tpu.memory_space<vmem_shared>>
      tpu.enqueue_indirect_dma source(%dma_start3A_137 : memref<128x128xf32, #tpu.memory_space<vmem>>) target(%dma_start3A_143 : memref<10240x128xf32, #tpu.memory_space<vmem_shared>>) offsets(%dma_start3A_140 : memref<128xi32, #tpu.memory_space<vmem>>) semaphore(%arg11 : memref<!tpu.dma_semaphore, #tpu.memory_space<semaphore_mem>>) {add = true}
      %add3A_144 = arith.constant 1 : i32
      %add3A_145 = arith.addi %mul3A_118, %add3A_144 : i32
      %dma_wait3A_146 = arith.constant 1 : i32
      %dma_wait3A_147 = arith.constant 0 : i32
      %dma_wait3A_148 = arith.constant 0 : i32
      %dma_wait3A_149 = tpu.memref_slice %arg8[%dma_wait3A_146, %dma_wait3A_147, %dma_wait3A_148] : memref<2x128x128xf32, #tpu.memory_space<vmem>> -> memref<1x128x128xf32, #tpu.memory_space<vmem>>
      %dma_wait3A_150 = tpu.memref_squeeze %dma_wait3A_149 : memref<1x128x128xf32, #tpu.memory_space<vmem>> -> memref<128x128xf32, #tpu.memory_space<vmem>>
      %dma_wait3A_151 = arith.constant 0 : i32
      %dma_wait3A_152 = tpu.memref_slice %arg6[%add3A_145, %dma_wait3A_151] : memref<40x128xi32, #tpu.memory_space<vmem>> -> memref<1x128xi32, #tpu.memory_space<vmem>>
      %dma_wait3A_153 = tpu.memref_squeeze %dma_wait3A_152 : memref<1x128xi32, #tpu.memory_space<vmem>> -> memref<128xi32, #tpu.memory_space<vmem>>
      %dma_wait3A_154 = arith.constant 0 : i32
      %dma_wait3A_155 = arith.constant 0 : i32
      %dma_wait3A_156 = tpu.memref_slice %arg2[%dma_wait3A_154, %dma_wait3A_155] : memref<10240x128xf32, #tpu.memory_space<hbm>> -> memref<10240x128xf32, #tpu.memory_space<hbm>>
      tpu.wait_indirect_dma semaphore(%arg10 : memref<!tpu.dma_semaphore, #tpu.memory_space<semaphore_mem>>) src(%dma_wait3A_156 : memref<10240x128xf32, #tpu.memory_space<hbm>>) dst(%dma_wait3A_150 : memref<128x128xf32, #tpu.memory_space<vmem>>)
      %add3A_157 = arith.constant 1 : i32
      %add3A_158 = arith.addi %mul3A_118, %add3A_157 : i32
      %dma_start3A_159 = arith.constant 1 : i32
      %dma_start3A_160 = arith.constant 0 : i32
      %dma_start3A_161 = arith.constant 0 : i32
      %dma_start3A_162 = tpu.memref_slice %arg8[%dma_start3A_159, %dma_start3A_160, %dma_start3A_161] : memref<2x128x128xf32, #tpu.memory_space<vmem>> -> memref<1x128x128xf32, #tpu.memory_space<vmem>>
      %dma_start3A_163 = tpu.memref_squeeze %dma_start3A_162 : memref<1x128x128xf32, #tpu.memory_space<vmem>> -> memref<128x128xf32, #tpu.memory_space<vmem>>
      %dma_start3A_164 = arith.constant 0 : i32
      %dma_start3A_165 = tpu.memref_slice %arg7[%add3A_158, %dma_start3A_164] : memref<40x128xi32, #tpu.memory_space<vmem>> -> memref<1x128xi32, #tpu.memory_space<vmem>>
      %dma_start3A_166 = tpu.memref_squeeze %dma_start3A_165 : memref<1x128xi32, #tpu.memory_space<vmem>> -> memref<128xi32, #tpu.memory_space<vmem>>
      %dma_start3A_167 = arith.constant 0 : i32
      %dma_start3A_168 = arith.constant 0 : i32
      %dma_start3A_169 = tpu.memref_slice %arg9[%dma_start3A_167, %dma_start3A_168] : memref<10240x128xf32, #tpu.memory_space<vmem_shared>> -> memref<10240x128xf32, #tpu.memory_space<vmem_shared>>
      tpu.enqueue_indirect_dma source(%dma_start3A_163 : memref<128x128xf32, #tpu.memory_space<vmem>>) target(%dma_start3A_169 : memref<10240x128xf32, #tpu.memory_space<vmem_shared>>) offsets(%dma_start3A_166 : memref<128xi32, #tpu.memory_space<vmem>>) semaphore(%arg11 : memref<!tpu.dma_semaphore, #tpu.memory_space<semaphore_mem>>) {add = true}
      %dma_wait3A_170 = arith.constant 0 : i32
      %dma_wait3A_171 = arith.constant 0 : i32
      %dma_wait3A_172 = arith.constant 0 : i32
      %dma_wait3A_173 = tpu.memref_slice %arg8[%dma_wait3A_170, %dma_wait3A_171, %dma_wait3A_172] : memref<2x128x128xf32, #tpu.memory_space<vmem>> -> memref<1x128x128xf32, #tpu.memory_space<vmem>>
      %dma_wait3A_174 = tpu.memref_squeeze %dma_wait3A_173 : memref<1x128x128xf32, #tpu.memory_space<vmem>> -> memref<128x128xf32, #tpu.memory_space<vmem>>
      %dma_wait3A_175 = arith.constant 0 : i32
      %dma_wait3A_176 = tpu.memref_slice %arg7[%add3A_132, %dma_wait3A_175] : memref<40x128xi32, #tpu.memory_space<vmem>> -> memref<1x128xi32, #tpu.memory_space<vmem>>
      %dma_wait3A_177 = tpu.memref_squeeze %dma_wait3A_176 : memref<1x128xi32, #tpu.memory_space<vmem>> -> memref<128xi32, #tpu.memory_space<vmem>>
      %dma_wait3A_178 = arith.constant 0 : i32
      %dma_wait3A_179 = arith.constant 0 : i32
      %dma_wait3A_180 = tpu.memref_slice %arg9[%dma_wait3A_178, %dma_wait3A_179] : memref<10240x128xf32, #tpu.memory_space<vmem_shared>> -> memref<10240x128xf32, #tpu.memory_space<vmem_shared>>
      tpu.wait_indirect_dma semaphore(%arg11 : memref<!tpu.dma_semaphore, #tpu.memory_space<semaphore_mem>>) src(%dma_wait3A_174 : memref<128x128xf32, #tpu.memory_space<vmem>>) dst(%dma_wait3A_180 : memref<10240x128xf32, #tpu.memory_space<vmem_shared>>)
      %add3A_181 = arith.constant 2 : i32
      %add3A_182 = arith.addi %mul3A_118, %add3A_181 : i32
      %add3A_183 = arith.constant 0 : i32
      %add3A_184 = arith.addi %add3A_182, %add3A_183 : i32
      %lt3A = arith.constant 40 : i32
      %lt3A_185 = arith.cmpi slt, %add3A_184, %lt3A : i32
      %convert_element_type3A = arith.extui %lt3A_185 : i1 to i32
      %cond3A = arith.constant 0 : i32
      %cond3A_186 = arith.cmpi ne, %convert_element_type3A, %cond3A : i32
      scf.if %cond3A_186 {
        %add3A_207 = arith.constant 2 : i32
        %add3A_208 = arith.addi %mul3A_118, %add3A_207 : i32
        %add3A_209 = arith.constant 0 : i32
        %add3A_210 = arith.addi %add3A_208, %add3A_209 : i32
        %dma_start3A_211 = arith.constant 0 : i32
        %dma_start3A_212 = arith.constant 0 : i32
        %dma_start3A_213 = arith.constant 0 : i32
        %dma_start3A_214 = tpu.memref_slice %arg8[%dma_start3A_211, %dma_start3A_212, %dma_start3A_213] : memref<2x128x128xf32, #tpu.memory_space<vmem>> -> memref<1x128x128xf32, #tpu.memory_space<vmem>>
        %dma_start3A_215 = tpu.memref_squeeze %dma_start3A_214 : memref<1x128x128xf32, #tpu.memory_space<vmem>> -> memref<128x128xf32, #tpu.memory_space<vmem>>
        %dma_start3A_216 = arith.constant 0 : i32
        %dma_start3A_217 = tpu.memref_slice %arg6[%add3A_210, %dma_start3A_216] : memref<40x128xi32, #tpu.memory_space<vmem>> -> memref<1x128xi32, #tpu.memory_space<vmem>>
        %dma_start3A_218 = tpu.memref_squeeze %dma_start3A_217 : memref<1x128xi32, #tpu.memory_space<vmem>> -> memref<128xi32, #tpu.memory_space<vmem>>
        %dma_start3A_219 = arith.constant 0 : i32
        %dma_start3A_220 = arith.constant 0 : i32
        %dma_start3A_221 = tpu.memref_slice %arg2[%dma_start3A_219, %dma_start3A_220] : memref<10240x128xf32, #tpu.memory_space<hbm>> -> memref<10240x128xf32, #tpu.memory_space<hbm>>
        tpu.enqueue_indirect_dma source(%dma_start3A_221 : memref<10240x128xf32, #tpu.memory_space<hbm>>) target(%dma_start3A_215 : memref<128x128xf32, #tpu.memory_space<vmem>>) offsets(%dma_start3A_218 : memref<128xi32, #tpu.memory_space<vmem>>) semaphore(%arg10 : memref<!tpu.dma_semaphore, #tpu.memory_space<semaphore_mem>>)
      } else {
      }
      %dma_wait3A_187 = arith.constant 1 : i32
      %dma_wait3A_188 = arith.constant 0 : i32
      %dma_wait3A_189 = arith.constant 0 : i32
      %dma_wait3A_190 = tpu.memref_slice %arg8[%dma_wait3A_187, %dma_wait3A_188, %dma_wait3A_189] : memref<2x128x128xf32, #tpu.memory_space<vmem>> -> memref<1x128x128xf32, #tpu.memory_space<vmem>>
      %dma_wait3A_191 = tpu.memref_squeeze %dma_wait3A_190 : memref<1x128x128xf32, #tpu.memory_space<vmem>> -> memref<128x128xf32, #tpu.memory_space<vmem>>
      %dma_wait3A_192 = arith.constant 0 : i32
      %dma_wait3A_193 = tpu.memref_slice %arg7[%add3A_158, %dma_wait3A_192] : memref<40x128xi32, #tpu.memory_space<vmem>> -> memref<1x128xi32, #tpu.memory_space<vmem>>
      %dma_wait3A_194 = tpu.memref_squeeze %dma_wait3A_193 : memref<1x128xi32, #tpu.memory_space<vmem>> -> memref<128xi32, #tpu.memory_space<vmem>>
      %dma_wait3A_195 = arith.constant 0 : i32
      %dma_wait3A_196 = arith.constant 0 : i32
      %dma_wait3A_197 = tpu.memref_slice %arg9[%dma_wait3A_195, %dma_wait3A_196] : memref<10240x128xf32, #tpu.memory_space<vmem_shared>> -> memref<10240x128xf32, #tpu.memory_space<vmem_shared>>
      tpu.wait_indirect_dma semaphore(%arg11 : memref<!tpu.dma_semaphore, #tpu.memory_space<semaphore_mem>>) src(%dma_wait3A_191 : memref<128x128xf32, #tpu.memory_space<vmem>>) dst(%dma_wait3A_197 : memref<10240x128xf32, #tpu.memory_space<vmem_shared>>)
      %add3A_198 = arith.constant 2 : i32
      %add3A_199 = arith.addi %mul3A_118, %add3A_198 : i32
      %add3A_200 = arith.constant 1 : i32
      %add3A_201 = arith.addi %add3A_199, %add3A_200 : i32
      %lt3A_202 = arith.constant 40 : i32
      %lt3A_203 = arith.cmpi slt, %add3A_201, %lt3A_202 : i32
      %convert_element_type3A_204 = arith.extui %lt3A_203 : i1 to i32
      %cond3A_205 = arith.constant 0 : i32
      %cond3A_206 = arith.cmpi ne, %convert_element_type3A_204, %cond3A_205 : i32
      scf.if %cond3A_206 {
        %add3A_207 = arith.constant 2 : i32
        %add3A_208 = arith.addi %mul3A_118, %add3A_207 : i32
        %add3A_209 = arith.constant 1 : i32
        %add3A_210 = arith.addi %add3A_208, %add3A_209 : i32
        %dma_start3A_211 = arith.constant 1 : i32
        %dma_start3A_212 = arith.constant 0 : i32
        %dma_start3A_213 = arith.constant 0 : i32
        %dma_start3A_214 = tpu.memref_slice %arg8[%dma_start3A_211, %dma_start3A_212, %dma_start3A_213] : memref<2x128x128xf32, #tpu.memory_space<vmem>> -> memref<1x128x128xf32, #tpu.memory_space<vmem>>
        %dma_start3A_215 = tpu.memref_squeeze %dma_start3A_214 : memref<1x128x128xf32, #tpu.memory_space<vmem>> -> memref<128x128xf32, #tpu.memory_space<vmem>>
        %dma_start3A_216 = arith.constant 0 : i32
        %dma_start3A_217 = tpu.memref_slice %arg6[%add3A_210, %dma_start3A_216] : memref<40x128xi32, #tpu.memory_space<vmem>> -> memref<1x128xi32, #tpu.memory_space<vmem>>
        %dma_start3A_218 = tpu.memref_squeeze %dma_start3A_217 : memref<1x128xi32, #tpu.memory_space<vmem>> -> memref<128xi32, #tpu.memory_space<vmem>>
        %dma_start3A_219 = arith.constant 0 : i32
        %dma_start3A_220 = arith.constant 0 : i32
        %dma_start3A_221 = tpu.memref_slice %arg2[%dma_start3A_219, %dma_start3A_220] : memref<10240x128xf32, #tpu.memory_space<hbm>> -> memref<10240x128xf32, #tpu.memory_space<hbm>>
        tpu.enqueue_indirect_dma source(%dma_start3A_221 : memref<10240x128xf32, #tpu.memory_space<hbm>>) target(%dma_start3A_215 : memref<128x128xf32, #tpu.memory_space<vmem>>) offsets(%dma_start3A_218 : memref<128xi32, #tpu.memory_space<vmem>>) semaphore(%arg10 : memref<!tpu.dma_semaphore, #tpu.memory_space<semaphore_mem>>)
      } else {
      }
    }
    %scan3A_61 = arith.constant 20 : i32
    %mul3A_62 = arith.constant 80 : i32
    %mul3A_63 = arith.muli %add3A, %mul3A_62 : i32
    %add3A_64 = arith.constant 40 : i32
    %add3A_65 = arith.addi %mul3A_63, %add3A_64 : i32
    "tpu.region"() ({
      %run_scoped3A_116 = tpu.sem_alloc : memref<!tpu.dma_semaphore, #tpu.memory_space<semaphore_mem>>
      %dma_start3A_117 = arith.constant 0 : i32
      %dma_start3A_118 = tpu.memref_slice %arg3[%add3A_65, %dma_start3A_117] : memref<2560x128xi32, #tpu.memory_space<hbm>> -> memref<40x128xi32, #tpu.memory_space<hbm>>
      %dma_start3A_119 = arith.constant 0 : i32
      %dma_start3A_120 = tpu.memref_slice %arg3[%add3A_65, %dma_start3A_119] : memref<2560x128xi32, #tpu.memory_space<hbm>> -> memref<40x128xi32, #tpu.memory_space<hbm>>
      tpu.enqueue_dma source(%dma_start3A_120 : memref<40x128xi32, #tpu.memory_space<hbm>>) target(%arg6 : memref<40x128xi32, #tpu.memory_space<vmem>>) target_semaphore(%run_scoped3A_116 : memref<!tpu.dma_semaphore, #tpu.memory_space<semaphore_mem>>)
      %dma_wait3A = arith.constant 0 : i32
      %dma_wait3A_121 = tpu.memref_slice %arg3[%add3A_65, %dma_wait3A] : memref<2560x128xi32, #tpu.memory_space<hbm>> -> memref<40x128xi32, #tpu.memory_space<hbm>>
      %dma_wait3A_122 = arith.constant 0 : i32
      %dma_wait3A_123 = tpu.memref_slice %arg3[%add3A_65, %dma_wait3A_122] : memref<2560x128xi32, #tpu.memory_space<hbm>> -> memref<40x128xi32, #tpu.memory_space<hbm>>
      tpu.wait_dma2 semaphore(%run_scoped3A_116 : memref<!tpu.dma_semaphore, #tpu.memory_space<semaphore_mem>>) src(%dma_wait3A_123 : memref<40x128xi32, #tpu.memory_space<hbm>>) dst(%arg6 : memref<40x128xi32, #tpu.memory_space<vmem>>)
      tpu.yield
    }) : () -> ()
    "tpu.region"() ({
      %run_scoped3A_116 = tpu.sem_alloc : memref<!tpu.dma_semaphore, #tpu.memory_space<semaphore_mem>>
      %dma_start3A_117 = arith.constant 0 : i32
      %dma_start3A_118 = tpu.memref_slice %arg4[%add3A_65, %dma_start3A_117] : memref<2560x128xi32, #tpu.memory_space<hbm>> -> memref<40x128xi32, #tpu.memory_space<hbm>>
      %dma_start3A_119 = arith.constant 0 : i32
      %dma_start3A_120 = tpu.memref_slice %arg4[%add3A_65, %dma_start3A_119] : memref<2560x128xi32, #tpu.memory_space<hbm>> -> memref<40x128xi32, #tpu.memory_space<hbm>>
      tpu.enqueue_dma source(%dma_start3A_120 : memref<40x128xi32, #tpu.memory_space<hbm>>) target(%arg7 : memref<40x128xi32, #tpu.memory_space<vmem>>) target_semaphore(%run_scoped3A_116 : memref<!tpu.dma_semaphore, #tpu.memory_space<semaphore_mem>>)
      %dma_wait3A = arith.constant 0 : i32
      %dma_wait3A_121 = tpu.memref_slice %arg4[%add3A_65, %dma_wait3A] : memref<2560x128xi32, #tpu.memory_space<hbm>> -> memref<40x128xi32, #tpu.memory_space<hbm>>
      %dma_wait3A_122 = arith.constant 0 : i32
      %dma_wait3A_123 = tpu.memref_slice %arg4[%add3A_65, %dma_wait3A_122] : memref<2560x128xi32, #tpu.memory_space<hbm>> -> memref<40x128xi32, #tpu.memory_space<hbm>>
      tpu.wait_dma2 semaphore(%run_scoped3A_116 : memref<!tpu.dma_semaphore, #tpu.memory_space<semaphore_mem>>) src(%dma_wait3A_123 : memref<40x128xi32, #tpu.memory_space<hbm>>) dst(%arg7 : memref<40x128xi32, #tpu.memory_space<vmem>>)
      tpu.yield
    }) : () -> ()
    %dma_start3A_66 = arith.constant 0 : i32
    %dma_start3A_67 = arith.constant 0 : i32
    %dma_start3A_68 = arith.constant 0 : i32
    %dma_start3A_69 = arith.constant 0 : i32
    %dma_start3A_70 = tpu.memref_slice %arg8[%dma_start3A_67, %dma_start3A_68, %dma_start3A_69] : memref<2x128x128xf32, #tpu.memory_space<vmem>> -> memref<1x128x128xf32, #tpu.memory_space<vmem>>
    %dma_start3A_71 = tpu.memref_squeeze %dma_start3A_70 : memref<1x128x128xf32, #tpu.memory_space<vmem>> -> memref<128x128xf32, #tpu.memory_space<vmem>>
    %dma_start3A_72 = arith.constant 0 : i32
    %dma_start3A_73 = tpu.memref_slice %arg6[%dma_start3A_66, %dma_start3A_72] : memref<40x128xi32, #tpu.memory_space<vmem>> -> memref<1x128xi32, #tpu.memory_space<vmem>>
    %dma_start3A_74 = tpu.memref_squeeze %dma_start3A_73 : memref<1x128xi32, #tpu.memory_space<vmem>> -> memref<128xi32, #tpu.memory_space<vmem>>
    %dma_start3A_75 = arith.constant 0 : i32
    %dma_start3A_76 = arith.constant 0 : i32
    %dma_start3A_77 = tpu.memref_slice %arg2[%dma_start3A_75, %dma_start3A_76] : memref<10240x128xf32, #tpu.memory_space<hbm>> -> memref<10240x128xf32, #tpu.memory_space<hbm>>
    tpu.enqueue_indirect_dma source(%dma_start3A_77 : memref<10240x128xf32, #tpu.memory_space<hbm>>) target(%dma_start3A_71 : memref<128x128xf32, #tpu.memory_space<vmem>>) offsets(%dma_start3A_74 : memref<128xi32, #tpu.memory_space<vmem>>) semaphore(%arg10 : memref<!tpu.dma_semaphore, #tpu.memory_space<semaphore_mem>>)
    %dma_start3A_78 = arith.constant 1 : i32
    %dma_start3A_79 = arith.constant 1 : i32
    %dma_start3A_80 = arith.constant 0 : i32
    %dma_start3A_81 = arith.constant 0 : i32
    %dma_start3A_82 = tpu.memref_slice %arg8[%dma_start3A_79, %dma_start3A_80, %dma_start3A_81] : memref<2x128x128xf32, #tpu.memory_space<vmem>> -> memref<1x128x128xf32, #tpu.memory_space<vmem>>
    %dma_start3A_83 = tpu.memref_squeeze %dma_start3A_82 : memref<1x128x128xf32, #tpu.memory_space<vmem>> -> memref<128x128xf32, #tpu.memory_space<vmem>>
    %dma_start3A_84 = arith.constant 0 : i32
    %dma_start3A_85 = tpu.memref_slice %arg6[%dma_start3A_78, %dma_start3A_84] : memref<40x128xi32, #tpu.memory_space<vmem>> -> memref<1x128xi32, #tpu.memory_space<vmem>>
    %dma_start3A_86 = tpu.memref_squeeze %dma_start3A_85 : memref<1x128xi32, #tpu.memory_space<vmem>> -> memref<128xi32, #tpu.memory_space<vmem>>
    %dma_start3A_87 = arith.constant 0 : i32
    %dma_start3A_88 = arith.constant 0 : i32
    %dma_start3A_89 = tpu.memref_slice %arg2[%dma_start3A_87, %dma_start3A_88] : memref<10240x128xf32, #tpu.memory_space<hbm>> -> memref<10240x128xf32, #tpu.memory_space<hbm>>
    tpu.enqueue_indirect_dma source(%dma_start3A_89 : memref<10240x128xf32, #tpu.memory_space<hbm>>) target(%dma_start3A_83 : memref<128x128xf32, #tpu.memory_space<vmem>>) offsets(%dma_start3A_86 : memref<128xi32, #tpu.memory_space<vmem>>) semaphore(%arg10 : memref<!tpu.dma_semaphore, #tpu.memory_space<semaphore_mem>>)
    %scan3A_90 = arith.constant 0 : i32
    %scan3A_91 = arith.constant 20 : i32
    %scan3A_92 = arith.addi %scan3A_90, %scan3A_91 : i32
    %scan3A_93 = arith.constant 1 : i32
    scf.for %scan3A_116 = %scan3A_90 to %scan3A_92 step %scan3A_93  : i32 {
      %mul3A_117 = arith.constant 2 : i32
      %mul3A_118 = arith.muli %scan3A_116, %mul3A_117 : i32
      %add3A_119 = arith.constant 0 : i32
      %add3A_120 = arith.addi %mul3A_118, %add3A_119 : i32
      %dma_wait3A = arith.constant 0 : i32
      %dma_wait3A_121 = arith.constant 0 : i32
      %dma_wait3A_122 = arith.constant 0 : i32
      %dma_wait3A_123 = tpu.memref_slice %arg8[%dma_wait3A, %dma_wait3A_121, %dma_wait3A_122] : memref<2x128x128xf32, #tpu.memory_space<vmem>> -> memref<1x128x128xf32, #tpu.memory_space<vmem>>
      %dma_wait3A_124 = tpu.memref_squeeze %dma_wait3A_123 : memref<1x128x128xf32, #tpu.memory_space<vmem>> -> memref<128x128xf32, #tpu.memory_space<vmem>>
      %dma_wait3A_125 = arith.constant 0 : i32
      %dma_wait3A_126 = tpu.memref_slice %arg6[%add3A_120, %dma_wait3A_125] : memref<40x128xi32, #tpu.memory_space<vmem>> -> memref<1x128xi32, #tpu.memory_space<vmem>>
      %dma_wait3A_127 = tpu.memref_squeeze %dma_wait3A_126 : memref<1x128xi32, #tpu.memory_space<vmem>> -> memref<128xi32, #tpu.memory_space<vmem>>
      %dma_wait3A_128 = arith.constant 0 : i32
      %dma_wait3A_129 = arith.constant 0 : i32
      %dma_wait3A_130 = tpu.memref_slice %arg2[%dma_wait3A_128, %dma_wait3A_129] : memref<10240x128xf32, #tpu.memory_space<hbm>> -> memref<10240x128xf32, #tpu.memory_space<hbm>>
      tpu.wait_indirect_dma semaphore(%arg10 : memref<!tpu.dma_semaphore, #tpu.memory_space<semaphore_mem>>) src(%dma_wait3A_130 : memref<10240x128xf32, #tpu.memory_space<hbm>>) dst(%dma_wait3A_124 : memref<128x128xf32, #tpu.memory_space<vmem>>)
      %add3A_131 = arith.constant 0 : i32
      %add3A_132 = arith.addi %mul3A_118, %add3A_131 : i32
      %dma_start3A_133 = arith.constant 0 : i32
      %dma_start3A_134 = arith.constant 0 : i32
      %dma_start3A_135 = arith.constant 0 : i32
      %dma_start3A_136 = tpu.memref_slice %arg8[%dma_start3A_133, %dma_start3A_134, %dma_start3A_135] : memref<2x128x128xf32, #tpu.memory_space<vmem>> -> memref<1x128x128xf32, #tpu.memory_space<vmem>>
      %dma_start3A_137 = tpu.memref_squeeze %dma_start3A_136 : memref<1x128x128xf32, #tpu.memory_space<vmem>> -> memref<128x128xf32, #tpu.memory_space<vmem>>
      %dma_start3A_138 = arith.constant 0 : i32
      %dma_start3A_139 = tpu.memref_slice %arg7[%add3A_132, %dma_start3A_138] : memref<40x128xi32, #tpu.memory_space<vmem>> -> memref<1x128xi32, #tpu.memory_space<vmem>>
      %dma_start3A_140 = tpu.memref_squeeze %dma_start3A_139 : memref<1x128xi32, #tpu.memory_space<vmem>> -> memref<128xi32, #tpu.memory_space<vmem>>
      %dma_start3A_141 = arith.constant 0 : i32
      %dma_start3A_142 = arith.constant 0 : i32
      %dma_start3A_143 = tpu.memref_slice %arg9[%dma_start3A_141, %dma_start3A_142] : memref<10240x128xf32, #tpu.memory_space<vmem_shared>> -> memref<10240x128xf32, #tpu.memory_space<vmem_shared>>
      tpu.enqueue_indirect_dma source(%dma_start3A_137 : memref<128x128xf32, #tpu.memory_space<vmem>>) target(%dma_start3A_143 : memref<10240x128xf32, #tpu.memory_space<vmem_shared>>) offsets(%dma_start3A_140 : memref<128xi32, #tpu.memory_space<vmem>>) semaphore(%arg11 : memref<!tpu.dma_semaphore, #tpu.memory_space<semaphore_mem>>) {add = true}
      %add3A_144 = arith.constant 1 : i32
      %add3A_145 = arith.addi %mul3A_118, %add3A_144 : i32
      %dma_wait3A_146 = arith.constant 1 : i32
      %dma_wait3A_147 = arith.constant 0 : i32
      %dma_wait3A_148 = arith.constant 0 : i32
      %dma_wait3A_149 = tpu.memref_slice %arg8[%dma_wait3A_146, %dma_wait3A_147, %dma_wait3A_148] : memref<2x128x128xf32, #tpu.memory_space<vmem>> -> memref<1x128x128xf32, #tpu.memory_space<vmem>>
      %dma_wait3A_150 = tpu.memref_squeeze %dma_wait3A_149 : memref<1x128x128xf32, #tpu.memory_space<vmem>> -> memref<128x128xf32, #tpu.memory_space<vmem>>
      %dma_wait3A_151 = arith.constant 0 : i32
      %dma_wait3A_152 = tpu.memref_slice %arg6[%add3A_145, %dma_wait3A_151] : memref<40x128xi32, #tpu.memory_space<vmem>> -> memref<1x128xi32, #tpu.memory_space<vmem>>
      %dma_wait3A_153 = tpu.memref_squeeze %dma_wait3A_152 : memref<1x128xi32, #tpu.memory_space<vmem>> -> memref<128xi32, #tpu.memory_space<vmem>>
      %dma_wait3A_154 = arith.constant 0 : i32
      %dma_wait3A_155 = arith.constant 0 : i32
      %dma_wait3A_156 = tpu.memref_slice %arg2[%dma_wait3A_154, %dma_wait3A_155] : memref<10240x128xf32, #tpu.memory_space<hbm>> -> memref<10240x128xf32, #tpu.memory_space<hbm>>
      tpu.wait_indirect_dma semaphore(%arg10 : memref<!tpu.dma_semaphore, #tpu.memory_space<semaphore_mem>>) src(%dma_wait3A_156 : memref<10240x128xf32, #tpu.memory_space<hbm>>) dst(%dma_wait3A_150 : memref<128x128xf32, #tpu.memory_space<vmem>>)
      %add3A_157 = arith.constant 1 : i32
      %add3A_158 = arith.addi %mul3A_118, %add3A_157 : i32
      %dma_start3A_159 = arith.constant 1 : i32
      %dma_start3A_160 = arith.constant 0 : i32
      %dma_start3A_161 = arith.constant 0 : i32
      %dma_start3A_162 = tpu.memref_slice %arg8[%dma_start3A_159, %dma_start3A_160, %dma_start3A_161] : memref<2x128x128xf32, #tpu.memory_space<vmem>> -> memref<1x128x128xf32, #tpu.memory_space<vmem>>
      %dma_start3A_163 = tpu.memref_squeeze %dma_start3A_162 : memref<1x128x128xf32, #tpu.memory_space<vmem>> -> memref<128x128xf32, #tpu.memory_space<vmem>>
      %dma_start3A_164 = arith.constant 0 : i32
      %dma_start3A_165 = tpu.memref_slice %arg7[%add3A_158, %dma_start3A_164] : memref<40x128xi32, #tpu.memory_space<vmem>> -> memref<1x128xi32, #tpu.memory_space<vmem>>
      %dma_start3A_166 = tpu.memref_squeeze %dma_start3A_165 : memref<1x128xi32, #tpu.memory_space<vmem>> -> memref<128xi32, #tpu.memory_space<vmem>>
      %dma_start3A_167 = arith.constant 0 : i32
      %dma_start3A_168 = arith.constant 0 : i32
      %dma_start3A_169 = tpu.memref_slice %arg9[%dma_start3A_167, %dma_start3A_168] : memref<10240x128xf32, #tpu.memory_space<vmem_shared>> -> memref<10240x128xf32, #tpu.memory_space<vmem_shared>>
      tpu.enqueue_indirect_dma source(%dma_start3A_163 : memref<128x128xf32, #tpu.memory_space<vmem>>) target(%dma_start3A_169 : memref<10240x128xf32, #tpu.memory_space<vmem_shared>>) offsets(%dma_start3A_166 : memref<128xi32, #tpu.memory_space<vmem>>) semaphore(%arg11 : memref<!tpu.dma_semaphore, #tpu.memory_space<semaphore_mem>>) {add = true}
      %dma_wait3A_170 = arith.constant 0 : i32
      %dma_wait3A_171 = arith.constant 0 : i32
      %dma_wait3A_172 = arith.constant 0 : i32
      %dma_wait3A_173 = tpu.memref_slice %arg8[%dma_wait3A_170, %dma_wait3A_171, %dma_wait3A_172] : memref<2x128x128xf32, #tpu.memory_space<vmem>> -> memref<1x128x128xf32, #tpu.memory_space<vmem>>
      %dma_wait3A_174 = tpu.memref_squeeze %dma_wait3A_173 : memref<1x128x128xf32, #tpu.memory_space<vmem>> -> memref<128x128xf32, #tpu.memory_space<vmem>>
      %dma_wait3A_175 = arith.constant 0 : i32
      %dma_wait3A_176 = tpu.memref_slice %arg7[%add3A_132, %dma_wait3A_175] : memref<40x128xi32, #tpu.memory_space<vmem>> -> memref<1x128xi32, #tpu.memory_space<vmem>>
      %dma_wait3A_177 = tpu.memref_squeeze %dma_wait3A_176 : memref<1x128xi32, #tpu.memory_space<vmem>> -> memref<128xi32, #tpu.memory_space<vmem>>
      %dma_wait3A_178 = arith.constant 0 : i32
      %dma_wait3A_179 = arith.constant 0 : i32
      %dma_wait3A_180 = tpu.memref_slice %arg9[%dma_wait3A_178, %dma_wait3A_179] : memref<10240x128xf32, #tpu.memory_space<vmem_shared>> -> memref<10240x128xf32, #tpu.memory_space<vmem_shared>>
      tpu.wait_indirect_dma semaphore(%arg11 : memref<!tpu.dma_semaphore, #tpu.memory_space<semaphore_mem>>) src(%dma_wait3A_174 : memref<128x128xf32, #tpu.memory_space<vmem>>) dst(%dma_wait3A_180 : memref<10240x128xf32, #tpu.memory_space<vmem_shared>>)
      %add3A_181 = arith.constant 2 : i32
      %add3A_182 = arith.addi %mul3A_118, %add3A_181 : i32
      %add3A_183 = arith.constant 0 : i32
      %add3A_184 = arith.addi %add3A_182, %add3A_183 : i32
      %lt3A = arith.constant 40 : i32
      %lt3A_185 = arith.cmpi slt, %add3A_184, %lt3A : i32
      %convert_element_type3A = arith.extui %lt3A_185 : i1 to i32
      %cond3A = arith.constant 0 : i32
      %cond3A_186 = arith.cmpi ne, %convert_element_type3A, %cond3A : i32
      scf.if %cond3A_186 {
        %add3A_207 = arith.constant 2 : i32
        %add3A_208 = arith.addi %mul3A_118, %add3A_207 : i32
        %add3A_209 = arith.constant 0 : i32
        %add3A_210 = arith.addi %add3A_208, %add3A_209 : i32
        %dma_start3A_211 = arith.constant 0 : i32
        %dma_start3A_212 = arith.constant 0 : i32
        %dma_start3A_213 = arith.constant 0 : i32
        %dma_start3A_214 = tpu.memref_slice %arg8[%dma_start3A_211, %dma_start3A_212, %dma_start3A_213] : memref<2x128x128xf32, #tpu.memory_space<vmem>> -> memref<1x128x128xf32, #tpu.memory_space<vmem>>
        %dma_start3A_215 = tpu.memref_squeeze %dma_start3A_214 : memref<1x128x128xf32, #tpu.memory_space<vmem>> -> memref<128x128xf32, #tpu.memory_space<vmem>>
        %dma_start3A_216 = arith.constant 0 : i32
        %dma_start3A_217 = tpu.memref_slice %arg6[%add3A_210, %dma_start3A_216] : memref<40x128xi32, #tpu.memory_space<vmem>> -> memref<1x128xi32, #tpu.memory_space<vmem>>
        %dma_start3A_218 = tpu.memref_squeeze %dma_start3A_217 : memref<1x128xi32, #tpu.memory_space<vmem>> -> memref<128xi32, #tpu.memory_space<vmem>>
        %dma_start3A_219 = arith.constant 0 : i32
        %dma_start3A_220 = arith.constant 0 : i32
        %dma_start3A_221 = tpu.memref_slice %arg2[%dma_start3A_219, %dma_start3A_220] : memref<10240x128xf32, #tpu.memory_space<hbm>> -> memref<10240x128xf32, #tpu.memory_space<hbm>>
        tpu.enqueue_indirect_dma source(%dma_start3A_221 : memref<10240x128xf32, #tpu.memory_space<hbm>>) target(%dma_start3A_215 : memref<128x128xf32, #tpu.memory_space<vmem>>) offsets(%dma_start3A_218 : memref<128xi32, #tpu.memory_space<vmem>>) semaphore(%arg10 : memref<!tpu.dma_semaphore, #tpu.memory_space<semaphore_mem>>)
      } else {
      }
      %dma_wait3A_187 = arith.constant 1 : i32
      %dma_wait3A_188 = arith.constant 0 : i32
      %dma_wait3A_189 = arith.constant 0 : i32
      %dma_wait3A_190 = tpu.memref_slice %arg8[%dma_wait3A_187, %dma_wait3A_188, %dma_wait3A_189] : memref<2x128x128xf32, #tpu.memory_space<vmem>> -> memref<1x128x128xf32, #tpu.memory_space<vmem>>
      %dma_wait3A_191 = tpu.memref_squeeze %dma_wait3A_190 : memref<1x128x128xf32, #tpu.memory_space<vmem>> -> memref<128x128xf32, #tpu.memory_space<vmem>>
      %dma_wait3A_192 = arith.constant 0 : i32
      %dma_wait3A_193 = tpu.memref_slice %arg7[%add3A_158, %dma_wait3A_192] : memref<40x128xi32, #tpu.memory_space<vmem>> -> memref<1x128xi32, #tpu.memory_space<vmem>>
      %dma_wait3A_194 = tpu.memref_squeeze %dma_wait3A_193 : memref<1x128xi32, #tpu.memory_space<vmem>> -> memref<128xi32, #tpu.memory_space<vmem>>
      %dma_wait3A_195 = arith.constant 0 : i32
      %dma_wait3A_196 = arith.constant 0 : i32
      %dma_wait3A_197 = tpu.memref_slice %arg9[%dma_wait3A_195, %dma_wait3A_196] : memref<10240x128xf32, #tpu.memory_space<vmem_shared>> -> memref<10240x128xf32, #tpu.memory_space<vmem_shared>>
      tpu.wait_indirect_dma semaphore(%arg11 : memref<!tpu.dma_semaphore, #tpu.memory_space<semaphore_mem>>) src(%dma_wait3A_191 : memref<128x128xf32, #tpu.memory_space<vmem>>) dst(%dma_wait3A_197 : memref<10240x128xf32, #tpu.memory_space<vmem_shared>>)
      %add3A_198 = arith.constant 2 : i32
      %add3A_199 = arith.addi %mul3A_118, %add3A_198 : i32
      %add3A_200 = arith.constant 1 : i32
      %add3A_201 = arith.addi %add3A_199, %add3A_200 : i32
      %lt3A_202 = arith.constant 40 : i32
      %lt3A_203 = arith.cmpi slt, %add3A_201, %lt3A_202 : i32
      %convert_element_type3A_204 = arith.extui %lt3A_203 : i1 to i32
      %cond3A_205 = arith.constant 0 : i32
      %cond3A_206 = arith.cmpi ne, %convert_element_type3A_204, %cond3A_205 : i32
      scf.if %cond3A_206 {
        %add3A_207 = arith.constant 2 : i32
        %add3A_208 = arith.addi %mul3A_118, %add3A_207 : i32
        %add3A_209 = arith.constant 1 : i32
        %add3A_210 = arith.addi %add3A_208, %add3A_209 : i32
        %dma_start3A_211 = arith.constant 1 : i32
        %dma_start3A_212 = arith.constant 0 : i32
        %dma_start3A_213 = arith.constant 0 : i32
        %dma_start3A_214 = tpu.memref_slice %arg8[%dma_start3A_211, %dma_start3A_212, %dma_start3A_213] : memref<2x128x128xf32, #tpu.memory_space<vmem>> -> memref<1x128x128xf32, #tpu.memory_space<vmem>>
        %dma_start3A_215 = tpu.memref_squeeze %dma_start3A_214 : memref<1x128x128xf32, #tpu.memory_space<vmem>> -> memref<128x128xf32, #tpu.memory_space<vmem>>
        %dma_start3A_216 = arith.constant 0 : i32
        %dma_start3A_217 = tpu.memref_slice %arg6[%add3A_210, %dma_start3A_216] : memref<40x128xi32, #tpu.memory_space<vmem>> -> memref<1x128xi32, #tpu.memory_space<vmem>>
        %dma_start3A_218 = tpu.memref_squeeze %dma_start3A_217 : memref<1x128xi32, #tpu.memory_space<vmem>> -> memref<128xi32, #tpu.memory_space<vmem>>
        %dma_start3A_219 = arith.constant 0 : i32
        %dma_start3A_220 = arith.constant 0 : i32
        %dma_start3A_221 = tpu.memref_slice %arg2[%dma_start3A_219, %dma_start3A_220] : memref<10240x128xf32, #tpu.memory_space<hbm>> -> memref<10240x128xf32, #tpu.memory_space<hbm>>
        tpu.enqueue_indirect_dma source(%dma_start3A_221 : memref<10240x128xf32, #tpu.memory_space<hbm>>) target(%dma_start3A_215 : memref<128x128xf32, #tpu.memory_space<vmem>>) offsets(%dma_start3A_218 : memref<128xi32, #tpu.memory_space<vmem>>) semaphore(%arg10 : memref<!tpu.dma_semaphore, #tpu.memory_space<semaphore_mem>>)
      } else {
      }
    }
    %scan3A_94 = arith.constant 20 : i32
    %barrier3A_95 = arith.constant 0 : index
    tpu.barrier barrier_id(%barrier3A_95)
    %mul3A_96 = arith.constant 640 : i32
    %mul3A_97 = arith.muli %arg1, %mul3A_96 : i32
    %add3A_98 = arith.constant 0 : i32
    %add3A_99 = arith.addi %mul3A_97, %add3A_98 : i32
    "tpu.region"() ({
      %run_scoped3A_116 = tpu.sem_alloc : memref<!tpu.dma_semaphore, #tpu.memory_space<semaphore_mem>>
      %dma_start3A_117 = arith.constant 0 : i32
      %dma_start3A_118 = tpu.memref_slice %arg5[%arg0, %add3A_99, %dma_start3A_117] : memref<2x10240x128xf32, #tpu.memory_space<hbm>> -> memref<1x128x128xf32, #tpu.memory_space<hbm>>
      %dma_start3A_119 = tpu.memref_squeeze %dma_start3A_118 : memref<1x128x128xf32, #tpu.memory_space<hbm>> -> memref<128x128xf32, #tpu.memory_space<hbm>>
      %dma_start3A_120 = arith.constant 0 : i32
      %dma_start3A_121 = tpu.memref_slice %arg9[%add3A_99, %dma_start3A_120] : memref<10240x128xf32, #tpu.memory_space<vmem_shared>> -> memref<128x128xf32, #tpu.memory_space<vmem_shared>>
      tpu.enqueue_dma source(%dma_start3A_121 : memref<128x128xf32, #tpu.memory_space<vmem_shared>>) target(%dma_start3A_119 : memref<128x128xf32, #tpu.memory_space<hbm>>) target_semaphore(%run_scoped3A_116 : memref<!tpu.dma_semaphore, #tpu.memory_space<semaphore_mem>>)
      %dma_wait3A = arith.constant 0 : i32
      %dma_wait3A_122 = tpu.memref_slice %arg5[%arg0, %add3A_99, %dma_wait3A] : memref<2x10240x128xf32, #tpu.memory_space<hbm>> -> memref<1x128x128xf32, #tpu.memory_space<hbm>>
      %dma_wait3A_123 = tpu.memref_squeeze %dma_wait3A_122 : memref<1x128x128xf32, #tpu.memory_space<hbm>> -> memref<128x128xf32, #tpu.memory_space<hbm>>
      %dma_wait3A_124 = arith.constant 0 : i32
      %dma_wait3A_125 = tpu.memref_slice %arg9[%add3A_99, %dma_wait3A_124] : memref<10240x128xf32, #tpu.memory_space<vmem_shared>> -> memref<128x128xf32, #tpu.memory_space<vmem_shared>>
      tpu.wait_dma2 semaphore(%run_scoped3A_116 : memref<!tpu.dma_semaphore, #tpu.memory_space<semaphore_mem>>) src(%dma_wait3A_125 : memref<128x128xf32, #tpu.memory_space<vmem_shared>>) dst(%dma_wait3A_123 : memref<128x128xf32, #tpu.memory_space<hbm>>)
      tpu.yield
    }) : () -> ()
    %mul3A_100 = arith.constant 640 : i32
    %mul3A_101 = arith.muli %arg1, %mul3A_100 : i32
    %add3A_102 = arith.constant 128 : i32
    %add3A_103 = arith.addi %mul3A_101, %add3A_102 : i32
    "tpu.region"() ({
      %run_scoped3A_116 = tpu.sem_alloc : memref<!tpu.dma_semaphore, #tpu.memory_space<semaphore_mem>>
      %dma_start3A_117 = arith.constant 0 : i32
      %dma_start3A_118 = tpu.memref_slice %arg5[%arg0, %add3A_103, %dma_start3A_117] : memref<2x10240x128xf32, #tpu.memory_space<hbm>> -> memref<1x128x128xf32, #tpu.memory_space<hbm>>
      %dma_start3A_119 = tpu.memref_squeeze %dma_start3A_118 : memref<1x128x128xf32, #tpu.memory_space<hbm>> -> memref<128x128xf32, #tpu.memory_space<hbm>>
      %dma_start3A_120 = arith.constant 0 : i32
      %dma_start3A_121 = tpu.memref_slice %arg9[%add3A_103, %dma_start3A_120] : memref<10240x128xf32, #tpu.memory_space<vmem_shared>> -> memref<128x128xf32, #tpu.memory_space<vmem_shared>>
      tpu.enqueue_dma source(%dma_start3A_121 : memref<128x128xf32, #tpu.memory_space<vmem_shared>>) target(%dma_start3A_119 : memref<128x128xf32, #tpu.memory_space<hbm>>) target_semaphore(%run_scoped3A_116 : memref<!tpu.dma_semaphore, #tpu.memory_space<semaphore_mem>>)
      %dma_wait3A = arith.constant 0 : i32
      %dma_wait3A_122 = tpu.memref_slice %arg5[%arg0, %add3A_103, %dma_wait3A] : memref<2x10240x128xf32, #tpu.memory_space<hbm>> -> memref<1x128x128xf32, #tpu.memory_space<hbm>>
      %dma_wait3A_123 = tpu.memref_squeeze %dma_wait3A_122 : memref<1x128x128xf32, #tpu.memory_space<hbm>> -> memref<128x128xf32, #tpu.memory_space<hbm>>
      %dma_wait3A_124 = arith.constant 0 : i32
      %dma_wait3A_125 = tpu.memref_slice %arg9[%add3A_103, %dma_wait3A_124] : memref<10240x128xf32, #tpu.memory_space<vmem_shared>> -> memref<128x128xf32, #tpu.memory_space<vmem_shared>>
      tpu.wait_dma2 semaphore(%run_scoped3A_116 : memref<!tpu.dma_semaphore, #tpu.memory_space<semaphore_mem>>) src(%dma_wait3A_125 : memref<128x128xf32, #tpu.memory_space<vmem_shared>>) dst(%dma_wait3A_123 : memref<128x128xf32, #tpu.memory_space<hbm>>)
      tpu.yield
    }) : () -> ()
    %mul3A_104 = arith.constant 640 : i32
    %mul3A_105 = arith.muli %arg1, %mul3A_104 : i32
    %add3A_106 = arith.constant 256 : i32
    %add3A_107 = arith.addi %mul3A_105, %add3A_106 : i32
    "tpu.region"() ({
      %run_scoped3A_116 = tpu.sem_alloc : memref<!tpu.dma_semaphore, #tpu.memory_space<semaphore_mem>>
      %dma_start3A_117 = arith.constant 0 : i32
      %dma_start3A_118 = tpu.memref_slice %arg5[%arg0, %add3A_107, %dma_start3A_117] : memref<2x10240x128xf32, #tpu.memory_space<hbm>> -> memref<1x128x128xf32, #tpu.memory_space<hbm>>
      %dma_start3A_119 = tpu.memref_squeeze %dma_start3A_118 : memref<1x128x128xf32, #tpu.memory_space<hbm>> -> memref<128x128xf32, #tpu.memory_space<hbm>>
      %dma_start3A_120 = arith.constant 0 : i32
      %dma_start3A_121 = tpu.memref_slice %arg9[%add3A_107, %dma_start3A_120] : memref<10240x128xf32, #tpu.memory_space<vmem_shared>> -> memref<128x128xf32, #tpu.memory_space<vmem_shared>>
      tpu.enqueue_dma source(%dma_start3A_121 : memref<128x128xf32, #tpu.memory_space<vmem_shared>>) target(%dma_start3A_119 : memref<128x128xf32, #tpu.memory_space<hbm>>) target_semaphore(%run_scoped3A_116 : memref<!tpu.dma_semaphore, #tpu.memory_space<semaphore_mem>>)
      %dma_wait3A = arith.constant 0 : i32
      %dma_wait3A_122 = tpu.memref_slice %arg5[%arg0, %add3A_107, %dma_wait3A] : memref<2x10240x128xf32, #tpu.memory_space<hbm>> -> memref<1x128x128xf32, #tpu.memory_space<hbm>>
      %dma_wait3A_123 = tpu.memref_squeeze %dma_wait3A_122 : memref<1x128x128xf32, #tpu.memory_space<hbm>> -> memref<128x128xf32, #tpu.memory_space<hbm>>
      %dma_wait3A_124 = arith.constant 0 : i32
      %dma_wait3A_125 = tpu.memref_slice %arg9[%add3A_107, %dma_wait3A_124] : memref<10240x128xf32, #tpu.memory_space<vmem_shared>> -> memref<128x128xf32, #tpu.memory_space<vmem_shared>>
      tpu.wait_dma2 semaphore(%run_scoped3A_116 : memref<!tpu.dma_semaphore, #tpu.memory_space<semaphore_mem>>) src(%dma_wait3A_125 : memref<128x128xf32, #tpu.memory_space<vmem_shared>>) dst(%dma_wait3A_123 : memref<128x128xf32, #tpu.memory_space<hbm>>)
      tpu.yield
    }) : () -> ()
    %mul3A_108 = arith.constant 640 : i32
    %mul3A_109 = arith.muli %arg1, %mul3A_108 : i32
    %add3A_110 = arith.constant 384 : i32
    %add3A_111 = arith.addi %mul3A_109, %add3A_110 : i32
    "tpu.region"() ({
      %run_scoped3A_116 = tpu.sem_alloc : memref<!tpu.dma_semaphore, #tpu.memory_space<semaphore_mem>>
      %dma_start3A_117 = arith.constant 0 : i32
      %dma_start3A_118 = tpu.memref_slice %arg5[%arg0, %add3A_111, %dma_start3A_117] : memref<2x10240x128xf32, #tpu.memory_space<hbm>> -> memref<1x128x128xf32, #tpu.memory_space<hbm>>
      %dma_start3A_119 = tpu.memref_squeeze %dma_start3A_118 : memref<1x128x128xf32, #tpu.memory_space<hbm>> -> memref<128x128xf32, #tpu.memory_space<hbm>>
      %dma_start3A_120 = arith.constant 0 : i32
      %dma_start3A_121 = tpu.memref_slice %arg9[%add3A_111, %dma_start3A_120] : memref<10240x128xf32, #tpu.memory_space<vmem_shared>> -> memref<128x128xf32, #tpu.memory_space<vmem_shared>>
      tpu.enqueue_dma source(%dma_start3A_121 : memref<128x128xf32, #tpu.memory_space<vmem_shared>>) target(%dma_start3A_119 : memref<128x128xf32, #tpu.memory_space<hbm>>) target_semaphore(%run_scoped3A_116 : memref<!tpu.dma_semaphore, #tpu.memory_space<semaphore_mem>>)
      %dma_wait3A = arith.constant 0 : i32
      %dma_wait3A_122 = tpu.memref_slice %arg5[%arg0, %add3A_111, %dma_wait3A] : memref<2x10240x128xf32, #tpu.memory_space<hbm>> -> memref<1x128x128xf32, #tpu.memory_space<hbm>>
      %dma_wait3A_123 = tpu.memref_squeeze %dma_wait3A_122 : memref<1x128x128xf32, #tpu.memory_space<hbm>> -> memref<128x128xf32, #tpu.memory_space<hbm>>
      %dma_wait3A_124 = arith.constant 0 : i32
      %dma_wait3A_125 = tpu.memref_slice %arg9[%add3A_111, %dma_wait3A_124] : memref<10240x128xf32, #tpu.memory_space<vmem_shared>> -> memref<128x128xf32, #tpu.memory_space<vmem_shared>>
      tpu.wait_dma2 semaphore(%run_scoped3A_116 : memref<!tpu.dma_semaphore, #tpu.memory_space<semaphore_mem>>) src(%dma_wait3A_125 : memref<128x128xf32, #tpu.memory_space<vmem_shared>>) dst(%dma_wait3A_123 : memref<128x128xf32, #tpu.memory_space<hbm>>)
      tpu.yield
    }) : () -> ()
    %mul3A_112 = arith.constant 640 : i32
    %mul3A_113 = arith.muli %arg1, %mul3A_112 : i32
    %add3A_114 = arith.constant 512 : i32
    %add3A_115 = arith.addi %mul3A_113, %add3A_114 : i32
    "tpu.region"() ({
      %run_scoped3A_116 = tpu.sem_alloc : memref<!tpu.dma_semaphore, #tpu.memory_space<semaphore_mem>>
      %dma_start3A_117 = arith.constant 0 : i32
      %dma_start3A_118 = tpu.memref_slice %arg5[%arg0, %add3A_115, %dma_start3A_117] : memref<2x10240x128xf32, #tpu.memory_space<hbm>> -> memref<1x128x128xf32, #tpu.memory_space<hbm>>
      %dma_start3A_119 = tpu.memref_squeeze %dma_start3A_118 : memref<1x128x128xf32, #tpu.memory_space<hbm>> -> memref<128x128xf32, #tpu.memory_space<hbm>>
      %dma_start3A_120 = arith.constant 0 : i32
      %dma_start3A_121 = tpu.memref_slice %arg9[%add3A_115, %dma_start3A_120] : memref<10240x128xf32, #tpu.memory_space<vmem_shared>> -> memref<128x128xf32, #tpu.memory_space<vmem_shared>>
      tpu.enqueue_dma source(%dma_start3A_121 : memref<128x128xf32, #tpu.memory_space<vmem_shared>>) target(%dma_start3A_119 : memref<128x128xf32, #tpu.memory_space<hbm>>) target_semaphore(%run_scoped3A_116 : memref<!tpu.dma_semaphore, #tpu.memory_space<semaphore_mem>>)
      %dma_wait3A = arith.constant 0 : i32
      %dma_wait3A_122 = tpu.memref_slice %arg5[%arg0, %add3A_115, %dma_wait3A] : memref<2x10240x128xf32, #tpu.memory_space<hbm>> -> memref<1x128x128xf32, #tpu.memory_space<hbm>>
      %dma_wait3A_123 = tpu.memref_squeeze %dma_wait3A_122 : memref<1x128x128xf32, #tpu.memory_space<hbm>> -> memref<128x128xf32, #tpu.memory_space<hbm>>
      %dma_wait3A_124 = arith.constant 0 : i32
      %dma_wait3A_125 = tpu.memref_slice %arg9[%add3A_115, %dma_wait3A_124] : memref<10240x128xf32, #tpu.memory_space<vmem_shared>> -> memref<128x128xf32, #tpu.memory_space<vmem_shared>>
      tpu.wait_dma2 semaphore(%run_scoped3A_116 : memref<!tpu.dma_semaphore, #tpu.memory_space<semaphore_mem>>) src(%dma_wait3A_125 : memref<128x128xf32, #tpu.memory_space<vmem_shared>>) dst(%dma_wait3A_123 : memref<128x128xf32, #tpu.memory_space<hbm>>)
      tpu.yield
    }) : () -> ()
    return
  }
}

module attributes {stable_mosaic.version = 14 : i64} {
  func.func @_matmul(%arg0: i32, %arg1: memref<1024x128xf32, #tpu.memory_space<vmem>>, %arg2: memref<128x128xf32, #tpu.memory_space<vmem>>, %arg3: memref<1024x128xf32, #tpu.memory_space<vmem>>) attributes {dimension_semantics = [#tpu.dimension_semantics<arbitrary>], iteration_bounds = array<i64: 10>, scalar_prefetch = 0 : i64, scratch_operands = 0 : i64, tpu.core_type = #tpu.core_type<tc>, window_params = [{transform_indices = @transform_0, window_bounds = array<i64: 1024, 128>}, {pipeline_mode = #tpu.pipeline_mode<synchronous>, transform_indices = @transform_1, window_bounds = array<i64: 128, 128>}, {transform_indices = @transform_2, window_bounds = array<i64: 1024, 128>}]} {
    %get3A = arith.constant 0 : index
    %get3A_0 = arith.constant 0 : index
    %get3A_1 = vector.load %arg1[%get3A, %get3A_0] : memref<1024x128xf32, #tpu.memory_space<vmem>>, vector<1024x128xf32>
    %get3A_2 = arith.constant 0 : index
    %get3A_3 = arith.constant 0 : index
    %get3A_4 = vector.load %arg2[%get3A_2, %get3A_3] : memref<128x128xf32, #tpu.memory_space<vmem>>, vector<128x128xf32>
    %dot_general3A = arith.constant dense<0.000000e+00> : vector<1024x128xf32>
    %dot_general3A_5 = tpu.matmul %get3A_1, %get3A_4, %dot_general3A {dimension_numbers = #tpu.dot_dimension_numbers<[1], [0], [0], [1], [0, 0, 1, 1], [], []>, transpose_lhs_hint = false} : vector<1024x128xf32>, vector<128x128xf32>, vector<1024x128xf32> -> vector<1024x128xf32>
    %swap3A = arith.constant 0 : index
    %swap3A_6 = arith.constant 0 : index
    %swap3A_7 = vector.load %arg3[%swap3A, %swap3A_6] : memref<1024x128xf32, #tpu.memory_space<vmem>>, vector<1024x128xf32>
    tpu.vector_store %arg3[%swap3A, %swap3A_6], %dot_general3A_5 {strides = array<i32>} : memref<1024x128xf32, #tpu.memory_space<vmem>>, vector<1024x128xf32>,
    return
  }
  func.func @transform_0(%arg0: i32) -> (i32, i32) {
    %c0_i32 = arith.constant 0 : i32
    %c0_i32_0 = arith.constant 0 : i32
    return %arg0, %c0_i32 : i32, i32
  }
  func.func @transform_1(%arg0: i32) -> (i32, i32) {
    %c0_i32 = arith.constant 0 : i32
    %c0_i32_0 = arith.constant 0 : i32
    %c0_i32_1 = arith.constant 0 : i32
    return %c0_i32, %c0_i32_0 : i32, i32
  }
  func.func @transform_2(%arg0: i32) -> (i32, i32) {
    %c0_i32 = arith.constant 0 : i32
    %c0_i32_0 = arith.constant 0 : i32
    return %arg0, %c0_i32 : i32, i32
  }
}

module attributes {stable_mosaic.version = 14 : i64} {
  func.func @_phase_a(%arg0: i32, %arg1: memref<1024x128xf32, #tpu.memory_space<vmem>>, %arg2: memref<2x1024xf32, #tpu.memory_space<vmem>>, %arg3: memref<1024x128xf32, #tpu.memory_space<vmem>>, %arg4: memref<1024x1xf32, #tpu.memory_space<vmem>>) attributes {dimension_semantics = [#tpu.dimension_semantics<arbitrary>], iteration_bounds = array<i64: 10>, scalar_prefetch = 0 : i64, scratch_operands = 0 : i64, tpu.core_type = #tpu.core_type<tc>, window_params = [{transform_indices = @transform_0, window_bounds = array<i64: 1024, 128>}, {transform_indices = @transform_1, window_bounds = array<i64: 2, 1024>}, {transform_indices = @transform_2, window_bounds = array<i64: 1024, 128>}, {transform_indices = @transform_3, window_bounds = array<i64: 1024, 1>}]} {
    %get3A = arith.constant 0 : index
    %get3A_0 = arith.constant 0 : index
    %get3A_1 = vector.load %arg2[%get3A, %get3A_0] : memref<2x1024xf32, #tpu.memory_space<vmem>>, vector<1x1024xf32>
    %get3A_2 = vector.shape_cast %get3A_1 : vector<1x1024xf32> to vector<1024xf32>
    %get3A_3 = arith.constant 1 : index
    %get3A_4 = arith.constant 0 : index
    %get3A_5 = vector.load %arg2[%get3A_3, %get3A_4] : memref<2x1024xf32, #tpu.memory_space<vmem>>, vector<1x1024xf32>
    %get3A_6 = vector.shape_cast %get3A_5 : vector<1x1024xf32> to vector<1024xf32>
    %add3A = arith.addf %get3A_2, %get3A_6 : vector<1024xf32>
    %add3A_7 = arith.constant 1.000000e+00 : f32
    %add3A_8 = vector.broadcast %add3A_7 : f32 to vector<1024xf32>
    %add3A_9 = arith.addf %add3A, %add3A_8 : vector<1024xf32>
    %rsqrt3A = math.rsqrt %add3A_9 : vector<1024xf32>
    %get3A_10 = arith.constant 0 : index
    %get3A_11 = arith.constant 0 : index
    %get3A_12 = vector.load %arg1[%get3A_10, %get3A_11] : memref<1024x128xf32, #tpu.memory_space<vmem>>, vector<1024x128xf32>
    %broadcast_in_dim3A = vector.shape_cast %rsqrt3A : vector<1024xf32> to vector<1024x1xf32>
    %mul3A = vector.broadcast %broadcast_in_dim3A : vector<1024x1xf32> to vector<1024x128xf32>
    %mul3A_13 = arith.mulf %get3A_12, %mul3A : vector<1024x128xf32>
    %swap3A = arith.constant 0 : index
    %swap3A_14 = arith.constant 0 : index
    %swap3A_15 = vector.load %arg3[%swap3A, %swap3A_14] : memref<1024x128xf32, #tpu.memory_space<vmem>>, vector<1024x128xf32>
    tpu.vector_store %arg3[%swap3A, %swap3A_14], %mul3A_13 {strides = array<i32>} : memref<1024x128xf32, #tpu.memory_space<vmem>>, vector<1024x128xf32>,
    %broadcast_in_dim3A_16 = vector.shape_cast %rsqrt3A : vector<1024xf32> to vector<1024x1xf32>
    %swap3A_17 = arith.constant 0 : index
    %swap3A_18 = arith.constant 0 : index
    %swap3A_19 = vector.load %arg4[%swap3A_17, %swap3A_18] : memref<1024x1xf32, #tpu.memory_space<vmem>>, vector<1024x1xf32>
    tpu.vector_store %arg4[%swap3A_17, %swap3A_18], %broadcast_in_dim3A_16 {strides = array<i32>} : memref<1024x1xf32, #tpu.memory_space<vmem>>, vector<1024x1xf32>,
    return
  }
  func.func @transform_0(%arg0: i32) -> (i32, i32) {
    %c0_i32 = arith.constant 0 : i32
    %c0_i32_0 = arith.constant 0 : i32
    return %arg0, %c0_i32 : i32, i32
  }
  func.func @transform_1(%arg0: i32) -> (i32, i32) {
    %c0_i32 = arith.constant 0 : i32
    %c0_i32_0 = arith.constant 0 : i32
    return %c0_i32, %arg0 : i32, i32
  }
  func.func @transform_2(%arg0: i32) -> (i32, i32) {
    %c0_i32 = arith.constant 0 : i32
    %c0_i32_0 = arith.constant 0 : i32
    return %arg0, %c0_i32 : i32, i32
  }
  func.func @transform_3(%arg0: i32) -> (i32, i32) {
    %c0_i32 = arith.constant 0 : i32
    %c0_i32_0 = arith.constant 0 : i32
    return %arg0, %c0_i32 : i32, i32
  }
}

module attributes {stable_mosaic.version = 14 : i64} {
  func.func @_phase_b(%arg0: i32, %arg1: memref<2x1024x128xf32, #tpu.memory_space<vmem>>, %arg2: memref<1024x128xf32, #tpu.memory_space<vmem>>, %arg3: memref<1024x1xf32, #tpu.memory_space<vmem>>, %arg4: memref<128xf32, #tpu.memory_space<vmem>>, %arg5: memref<128x128xf32, #tpu.memory_space<vmem>>, %arg6: memref<1024x128xf32, #tpu.memory_space<vmem>>) attributes {dimension_semantics = [#tpu.dimension_semantics<arbitrary>], iteration_bounds = array<i64: 10>, scalar_prefetch = 0 : i64, scratch_operands = 0 : i64, tpu.core_type = #tpu.core_type<tc>, window_params = [{transform_indices = @transform_0, window_bounds = array<i64: 2, 1024, 128>}, {transform_indices = @transform_1, window_bounds = array<i64: 1024, 128>}, {transform_indices = @transform_2, window_bounds = array<i64: 1024, 1>}, {pipeline_mode = #tpu.pipeline_mode<synchronous>, transform_indices = @transform_3, window_bounds = array<i64: 128>}, {pipeline_mode = #tpu.pipeline_mode<synchronous>, transform_indices = @transform_4, window_bounds = array<i64: 128, 128>}, {transform_indices = @transform_5, window_bounds = array<i64: 1024, 128>}]} {
    %get3A = arith.constant 0 : index
    %get3A_0 = arith.constant 0 : index
    %get3A_1 = arith.constant 0 : index
    %get3A_2 = vector.load %arg1[%get3A, %get3A_0, %get3A_1] : memref<2x1024x128xf32, #tpu.memory_space<vmem>>, vector<1x1024x128xf32>
    %get3A_3 = vector.shape_cast %get3A_2 : vector<1x1024x128xf32> to vector<1024x128xf32>
    %get3A_4 = arith.constant 1 : index
    %get3A_5 = arith.constant 0 : index
    %get3A_6 = arith.constant 0 : index
    %get3A_7 = vector.load %arg1[%get3A_4, %get3A_5, %get3A_6] : memref<2x1024x128xf32, #tpu.memory_space<vmem>>, vector<1x1024x128xf32>
    %get3A_8 = vector.shape_cast %get3A_7 : vector<1x1024x128xf32> to vector<1024x128xf32>
    %add3A = arith.addf %get3A_3, %get3A_8 : vector<1024x128xf32>
    %get3A_9 = arith.constant 0 : index
    %get3A_10 = arith.constant 0 : index
    %get3A_11 = vector.load %arg3[%get3A_9, %get3A_10] : memref<1024x1xf32, #tpu.memory_space<vmem>>, vector<1024x1xf32>
    %get3A_12 = arith.constant 0 : index
    %get3A_13 = arith.constant 0 : index
    %get3A_14 = vector.load %arg2[%get3A_12, %get3A_13] : memref<1024x128xf32, #tpu.memory_space<vmem>>, vector<1024x128xf32>
    %add3A_15 = arith.addf %add3A, %get3A_14 : vector<1024x128xf32>
    %mul3A = vector.broadcast %get3A_11 : vector<1024x1xf32> to vector<1024x128xf32>
    %mul3A_16 = arith.mulf %add3A_15, %mul3A : vector<1024x128xf32>
    %get3A_17 = arith.constant 0 : index
    %get3A_18 = vector.load %arg4[%get3A_17] : memref<128xf32, #tpu.memory_space<vmem>>, vector<128xf32>
    %broadcast_in_dim3A = vector.shape_cast %get3A_18 : vector<128xf32> to vector<1x128xf32>
    %add3A_19 = vector.broadcast %broadcast_in_dim3A : vector<1x128xf32> to vector<1024x128xf32>
    %add3A_20 = arith.addf %mul3A_16, %add3A_19 : vector<1024x128xf32>
    %max3A = arith.constant 0.000000e+00 : f32
    %max3A_21 = vector.broadcast %max3A : f32 to vector<1024x128xf32>
    %max3A_22 = arith.maximumf %add3A_20, %max3A_21 : vector<1024x128xf32>
    %get3A_23 = arith.constant 0 : index
    %get3A_24 = arith.constant 0 : index
    %get3A_25 = vector.load %arg5[%get3A_23, %get3A_24] : memref<128x128xf32, #tpu.memory_space<vmem>>, vector<128x128xf32>
    %dot_general3A = arith.constant dense<0.000000e+00> : vector<1024x128xf32>
    %dot_general3A_26 = tpu.matmul %max3A_22, %get3A_25, %dot_general3A {dimension_numbers = #tpu.dot_dimension_numbers<[1], [0], [0], [1], [0, 0, 1, 1], [], []>, transpose_lhs_hint = false} : vector<1024x128xf32>, vector<128x128xf32>, vector<1024x128xf32> -> vector<1024x128xf32>
    %mul3A_27 = vector.broadcast %get3A_11 : vector<1024x1xf32> to vector<1024x128xf32>
    %mul3A_28 = arith.mulf %dot_general3A_26, %mul3A_27 : vector<1024x128xf32>
    %swap3A = arith.constant 0 : index
    %swap3A_29 = arith.constant 0 : index
    %swap3A_30 = vector.load %arg6[%swap3A, %swap3A_29] : memref<1024x128xf32, #tpu.memory_space<vmem>>, vector<1024x128xf32>
    tpu.vector_store %arg6[%swap3A, %swap3A_29], %mul3A_28 {strides = array<i32>} : memref<1024x128xf32, #tpu.memory_space<vmem>>, vector<1024x128xf32>,
    return
  }
  func.func @transform_0(%arg0: i32) -> (i32, i32, i32) {
    %c0_i32 = arith.constant 0 : i32
    %c0_i32_0 = arith.constant 0 : i32
    %c0_i32_1 = arith.constant 0 : i32
    return %c0_i32, %arg0, %c0_i32_0 : i32, i32, i32
  }
  func.func @transform_1(%arg0: i32) -> (i32, i32) {
    %c0_i32 = arith.constant 0 : i32
    %c0_i32_0 = arith.constant 0 : i32
    return %arg0, %c0_i32 : i32, i32
  }
  func.func @transform_2(%arg0: i32) -> (i32, i32) {
    %c0_i32 = arith.constant 0 : i32
    %c0_i32_0 = arith.constant 0 : i32
    return %arg0, %c0_i32 : i32, i32
  }
  func.func @transform_3(%arg0: i32) -> i32 {
    %c0_i32 = arith.constant 0 : i32
    %c0_i32_0 = arith.constant 0 : i32
    return %c0_i32 : i32
  }
  func.func @transform_4(%arg0: i32) -> (i32, i32) {
    %c0_i32 = arith.constant 0 : i32
    %c0_i32_0 = arith.constant 0 : i32
    %c0_i32_1 = arith.constant 0 : i32
    return %c0_i32, %c0_i32_0 : i32, i32
  }
  func.func @transform_5(%arg0: i32) -> (i32, i32) {
    %c0_i32 = arith.constant 0 : i32
    %c0_i32_0 = arith.constant 0 : i32
    return %arg0, %c0_i32 : i32, i32
  }
}

module attributes {stable_mosaic.version = 14 : i64} {
  func.func @_phase_c(%arg0: i32, %arg1: memref<2x2000x128xf32, #tpu.memory_space<vmem>>, %arg2: memref<2000x128xf32, #tpu.memory_space<vmem>>, %arg3: memref<2000x1xf32, #tpu.memory_space<vmem>>, %arg4: memref<128xf32, #tpu.memory_space<vmem>>, %arg5: memref<2000x128xf32, #tpu.memory_space<vmem>>) attributes {dimension_semantics = [#tpu.dimension_semantics<arbitrary>], iteration_bounds = array<i64: 5>, scalar_prefetch = 0 : i64, scratch_operands = 0 : i64, tpu.core_type = #tpu.core_type<tc>, window_params = [{transform_indices = @transform_0, window_bounds = array<i64: 2, 2000, 128>}, {transform_indices = @transform_1, window_bounds = array<i64: 2000, 128>}, {transform_indices = @transform_2, window_bounds = array<i64: 2000, 1>}, {pipeline_mode = #tpu.pipeline_mode<synchronous>, transform_indices = @transform_3, window_bounds = array<i64: 128>}, {transform_indices = @transform_4, window_bounds = array<i64: 2000, 128>}]} {
    %get3A = arith.constant 0 : index
    %get3A_0 = arith.constant 0 : index
    %get3A_1 = arith.constant 0 : index
    %get3A_2 = vector.load %arg1[%get3A, %get3A_0, %get3A_1] : memref<2x2000x128xf32, #tpu.memory_space<vmem>>, vector<1x2000x128xf32>
    %get3A_3 = vector.shape_cast %get3A_2 : vector<1x2000x128xf32> to vector<2000x128xf32>
    %get3A_4 = arith.constant 1 : index
    %get3A_5 = arith.constant 0 : index
    %get3A_6 = arith.constant 0 : index
    %get3A_7 = vector.load %arg1[%get3A_4, %get3A_5, %get3A_6] : memref<2x2000x128xf32, #tpu.memory_space<vmem>>, vector<1x2000x128xf32>
    %get3A_8 = vector.shape_cast %get3A_7 : vector<1x2000x128xf32> to vector<2000x128xf32>
    %add3A = arith.addf %get3A_3, %get3A_8 : vector<2000x128xf32>
    %get3A_9 = arith.constant 0 : index
    %get3A_10 = arith.constant 0 : index
    %get3A_11 = vector.load %arg2[%get3A_9, %get3A_10] : memref<2000x128xf32, #tpu.memory_space<vmem>>, vector<2000x128xf32>
    %add3A_12 = arith.addf %add3A, %get3A_11 : vector<2000x128xf32>
    %get3A_13 = arith.constant 0 : index
    %get3A_14 = arith.constant 0 : index
    %get3A_15 = vector.load %arg3[%get3A_13, %get3A_14] : memref<2000x1xf32, #tpu.memory_space<vmem>>, vector<2000x1xf32>
    %mul3A = vector.broadcast %get3A_15 : vector<2000x1xf32> to vector<2000x128xf32>
    %mul3A_16 = arith.mulf %add3A_12, %mul3A : vector<2000x128xf32>
    %get3A_17 = arith.constant 0 : index
    %get3A_18 = vector.load %arg4[%get3A_17] : memref<128xf32, #tpu.memory_space<vmem>>, vector<128xf32>
    %broadcast_in_dim3A = vector.shape_cast %get3A_18 : vector<128xf32> to vector<1x128xf32>
    %add3A_19 = vector.broadcast %broadcast_in_dim3A : vector<1x128xf32> to vector<2000x128xf32>
    %add3A_20 = arith.addf %mul3A_16, %add3A_19 : vector<2000x128xf32>
    %swap3A = arith.constant 0 : index
    %swap3A_21 = arith.constant 0 : index
    %swap3A_22 = vector.load %arg5[%swap3A, %swap3A_21] : memref<2000x128xf32, #tpu.memory_space<vmem>>, vector<2000x128xf32>
    tpu.vector_store %arg5[%swap3A, %swap3A_21], %add3A_20 {strides = array<i32>} : memref<2000x128xf32, #tpu.memory_space<vmem>>, vector<2000x128xf32>,
    return
  }
  func.func @transform_0(%arg0: i32) -> (i32, i32, i32) {
    %c0_i32 = arith.constant 0 : i32
    %c0_i32_0 = arith.constant 0 : i32
    %c0_i32_1 = arith.constant 0 : i32
    return %c0_i32, %arg0, %c0_i32_0 : i32, i32, i32
  }
  func.func @transform_1(%arg0: i32) -> (i32, i32) {
    %c0_i32 = arith.constant 0 : i32
    %c0_i32_0 = arith.constant 0 : i32
    return %arg0, %c0_i32 : i32, i32
  }
  func.func @transform_2(%arg0: i32) -> (i32, i32) {
    %c0_i32 = arith.constant 0 : i32
    %c0_i32_0 = arith.constant 0 : i32
    return %arg0, %c0_i32 : i32, i32
  }
  func.func @transform_3(%arg0: i32) -> i32 {
    %c0_i32 = arith.constant 0 : i32
    %c0_i32_0 = arith.constant 0 : i32
    return %c0_i32 : i32
  }
  func.func @transform_4(%arg0: i32) -> (i32, i32) {
    %c0_i32 = arith.constant 0 : i32
    %c0_i32_0 = arith.constant 0 : i32
    return %arg0, %c0_i32 : i32, i32
  }
}

</mosaic_0001>

<sc_bundles>
// kernel: kernel.12.cloned.1.call-start
scs
__scs_entry_jumppad:
0x0: {  	(pc) =	sbr.rel $0x88, $3  }
0x1: {  	(tag) =	ssettag $0x0;
	lr =	simm.s32 $0x1  }
0x2: {  	[smem:$0x3F9B] =	sst lr;
	_ =	strace $0xD0000000  }
0x3: {  	_ = 	snop  }
0x4: {  	_ = 	snop  }
0x5: {  	_ = 	snop  }
0x6: {  	_ = 	snop  }
0x7: {  	_ = 	snop  }
__scs_overlays_trampoline_lowered:
0x8: {  	[smem:$0x3FAA] =	sst s0  }
0x9: {  	[smem:$0x3FAB] =	sst s1  }
0xa: {  	[smem:$0x3FAC] =	sst s2  }
0xb: {  	[smem:$0x3FAD] =	sst s3  }
0xc: {  	[smem:$0x3FAE] =	sst s4  }
0xd: {  	[smem:$0x3FAF] =	sst s5  }
0xe: {  	[smem:$0x3FB0] =	sst s6  }
0xf: {  	[smem:$0x3FB1] =	sst s7  }
0x10: {  	[smem:$0x3FB2] =	sst s8  }
0x11: {  	[smem:$0x3FB3] =	sst s9;
	s0 =	simm.s32 @!p0 $0x0  }
0x12: {  	s1 =	sld [smem:$0x3F99];
	s0 =	simm.s32 @p0 $0x1  }
0x13: {  	[smem:$0x3FB4] =	sst s0;
	s0 =	simm.s32 @!p1 $0x0  }
0x14: {  	s2 =	sld [smem:$0x3F98];
	s0 =	simm.s32 @p1 $0x1  }
0x15: {  	[smem:$0x3FB5] =	sst s0;
	s0 =	simm.s32 @!p2 $0x0  }
0x16: {  	s3 =	sld [smem:$0x3FDB];
	s0 =	simm.s32 @p2 $0x1  }
0x17: {  	s4 =	simm.s32 $0x1BF5;
	[smem:$0x3FB7] =	sst s0  }
0x18: {  	s0 =	sld [smem:$0x3F9A];
	_ =	swait.ge [sflag:s4], $0x0  }
0x19: {  	s7 =	sld [smem:$0x3F9B]  }
0x1a: {  	s8 =	sadd.s32 $0xFFFFE003, lr  }
0x1b: {  	s9 =	sadd.s32 $0xFFFFFEF7, lr;
	s5 =	simm.s32 $0xFFFFFFFF;
	p2 =	slt.u32 s8, $0xFFFFF086  }
0x1c: {  	p1 =	slt.u32 s9, $0xF7A;
	s5 =	simm.s32 @!p2 $0x0  }
0x1d: {  	s5 =	simm.s32 @p1 $0x1;
	p0 =	seq.s32 s7, s2  }
0x1e: {  	s7 =	smul.u32 @!p0 $0xF7A, s2;
	p2 =	seq.s32 @!p0 s5, $0x0  }
0x1f: {  	s9 =	smul.u32 $0xF7A, s1;
	s8 =	simm.s32 @!p0 $0x1BF5;
	p2 =	por !p2, p0  }
0x20: {  	[sflag:s8] =	ssyncset.s32 @!p0 $0xFFFFF086;
	s6 =	sadd.s32 @!p0 s3, s7;
	s7 =	simm.s32 @!p0 $0x108  }
0x21: {  	s3 =	sadd.s32 s3, s9;
	s6 =	sadd.s32 @!p0 $0x88, s6;
	s7 =	simm.s32 @p2 $0x1082  }
0x22: {  	[simem:s7], [sflag:s8] =	dma.local @!p0 [hbm:s6], $0xF7A  }
0x23: {  	s9 =	sor.u32 $0xD0000000, s2;
	s6 =	simm.s32 $0x108;
	_ =	swait.ge @!p0 [sflag:s8], $0x0  }
0x24: {  	s3 =	sadd.s32 $0x88, s3;
	s6 =	simm.s32 @!p1 $0x1082;
	[sflag:s4] =	ssyncset.s32 $0xFFFFF086  }
0x25: {  	[simem:s6], [sflag:s4] =	dma.local [hbm:s3], $0xF7A  }
0x26: {  	[smem:$0x3F9B] =	sst s1;
	(tag) =	ssettag s2;
	_ =	strace s9  }
0x27: {  	s1 =	sld [smem:$0x3FAB]  }
0x28: {  	s2 =	sld [smem:$0x3FAC]  }
0x29: {  	s4 =	sld [smem:$0x3FAE]  }
0x2a: {  	p0 =	seq.s32 s5, $0x0;
	s5 =	sld [smem:$0x3FAF]  }
0x2b: {  	s6 =	sld [smem:$0x3FB0]  }
0x2c: {  	s7 =	sld [smem:$0x3FB1]  }
0x2d: {  	s3 =	simm.s32 $0x108;
	s8 =	sld [smem:$0x3FB2]  }
0x2e: {  	s3 =	simm.s32 @!p0 $0x1082;
	s9 =	sld [smem:$0x3FB3]  }
0x2f: {  	lr =	sadd.s32 s0, s3;
	s0 =	sld [smem:$0x3FAA]  }
0x30: {  	s3 =	sld [smem:$0x3FAD]  }
0x31: {  	[smem:$0x3FB6] =	sst s10  }
0x32: {  	s10 =	sld [smem:$0x3FB4];
	_ =	sdelay $0x3  }
0x33: {  	p0 =	seq.s32 s10, $0x1;
	s10 =	sld [smem:$0x3FB6];
	_ =	sdelay $0x3  }
0x34: {  	[smem:$0x3FB6] =	sst s10  }
0x35: {  	s10 =	sld [smem:$0x3FB5];
	_ =	sdelay $0x3  }
0x36: {  	p1 =	seq.s32 s10, $0x1;
	s10 =	sld [smem:$0x3FB6];
	_ =	sdelay $0x3  }
0x37: {  	[smem:$0x3FB6] =	sst s10  }
0x38: {  	s10 =	sld [smem:$0x3FB7]  }
0x39: {  	_ = 	snop;
	(pc) =	sbr.ind lr, $3  }
0x3a: {  	_ = 	snop  }
0x3b: {  	_ = 	snop  }
0x3c: {  	p2 =	seq.s32 s10, $0x1;
	s10 =	sld [smem:$0x3FB6]  }
0x3d: {  	_ =	shalt  }
0x3e: {  	_ =	shalt  }
0x3f: {  	_ =	shalt  }
0x40: {  	_ =	shalt  }
0x41: {  	_ =	shalt  }
0x42: {  	_ =	shalt  }
0x43: {  	_ =	shalt  }
0x44: {  	_ =	shalt  }
0x45: {  	_ =	shalt  }
0x46: {  	_ =	shalt  }
0x47: {  	_ =	shalt  }
0x48: {  	_ =	shalt  }
0x49: {  	_ =	shalt  }
0x4a: {  	_ =	shalt  }
0x4b: {  	_ =	shalt  }
0x4c: {  	_ =	shalt  }
0x4d: {  	_ =	shalt  }
0x4e: {  	_ =	shalt  }
0x4f: {  	_ =	shalt  }
0x50: {  	_ =	shalt  }
0x51: {  	_ =	shalt  }
0x52: {  	_ =	shalt  }
0x53: {  	_ =	shalt  }
0x54: {  	_ =	shalt  }
0x55: {  	_ =	shalt  }
0x56: {  	_ =	shalt  }
0x57: {  	_ =	shalt  }
0x58: {  	_ =	shalt  }
0x59: {  	_ =	shalt  }
0x5a: {  	_ =	shalt  }
0x5b: {  	_ =	shalt  }
0x5c: {  	_ =	shalt  }
0x5d: {  	_ =	shalt  }
0x5e: {  	_ =	shalt  }
0x5f: {  	_ =	shalt  }
0x60: {  	_ =	shalt  }
0x61: {  	_ =	shalt  }
0x62: {  	_ =	shalt  }
0x63: {  	_ =	shalt  }
0x64: {  	_ =	shalt  }
0x65: {  	_ =	shalt  }
0x66: {  	_ =	shalt  }
0x67: {  	_ =	shalt  }
0x68: {  	_ =	shalt  }
0x69: {  	_ =	shalt  }
0x6a: {  	_ =	shalt  }
0x6b: {  	_ =	shalt  }
0x6c: {  	_ =	shalt  }
0x6d: {  	_ =	shalt  }
0x6e: {  	_ =	shalt  }
0x6f: {  	_ =	shalt  }
0x70: {  	_ =	shalt  }
0x71: {  	_ =	shalt  }
0x72: {  	_ =	shalt  }
0x73: {  	_ =	shalt  }
0x74: {  	_ =	shalt  }
0x75: {  	_ =	shalt  }
0x76: {  	_ =	shalt  }
0x77: {  	_ =	shalt  }
0x78: {  	_ =	shalt  }
0x79: {  	_ =	shalt  }
0x7a: {  	_ =	shalt  }
0x7b: {  	_ =	shalt  }
0x7c: {  	_ =	shalt  }
0x7d: {  	_ =	shalt  }
0x7e: {  	_ =	shalt  }
0x7f: {  	_ =	shalt  }
0x80: {  	_ =	shalt  }
0x81: {  	_ =	shalt  }
0x82: {  	_ =	shalt  }
0x83: {  	_ =	shalt  }
0x84: {  	_ =	shalt  }
0x85: {  	_ =	shalt  }
0x86: {  	_ =	shalt  }
0x87: {  	_ =	shalt  }
.Lfunc_end0:
.L_simem_size_0:
called_computation.1_lowered:
.L_overlay_start_0:
0x88: {  	s2 =	sld [smem:$0x3FD9]  }
0x89: {  	s3 =	sld [smem:$0x3FFE];
	_ =	sdelay $0x1  }
0x8a: {  	s1 =	srdreg.scid  }
0x8b: {  	s0 =	sand.u32 $0x1, s1  }
0x8c: {  	s17 =	sshll.u32 s0, $0xA;
	s2 =	sadd.s32 s3, s2  }
0x8d: {  	s2 =	sadd.s32 s2, s17  }
0x8e: {  	[smem:$0x3FC2] =	sst s2  }
0x8f: {  	_ = 	snop  }
0x90: {  	s2 =	sld [smem:$0x3FD0];
	(tm) =	ssettm $0x1  }
0x91: {  	s18 =	sld [smem:$0x3FFB];
	_ =	sdelay $0x3  }
0x92: {  	_ =	strace s18  }
0x93: {  	s3 =	sld [smem:$0x3FFC];
	_ =	sdelay $0x3  }
0x94: {  	_ =	strace s3  }
0x95: {  	s3 =	sld [smem:$0x3FFD];
	_ =	sdelay $0x3  }
0x96: {  	_ =	strace s3  }
0x97: {  	_ =	strace $0x8FFFFFFF  }
0x98: {  	s19 =	sld [smem:$0x3FDB];
	_ =	sdelay $0x1  }
0x99: {  	s4 =	simm.s32 $_scs_section_size  }
0x9a: {  	s5 =	simm.s32 $_size__tile_overlayer_lowered;
	s6 =	simm.s32 $_tile_overlayer_lowered  }
0x9b: {  	s22 =	simm.s32 $0x1BFF;
	s21 =	sshll.u32 s6, $0x1;
	s3 =	sadd.s32 s4, s19  }
0x9c: {  	s7 =	simm.s32 $0x0;
	s20 =	sshll.u32 s5, $0x1;
	s5 =	sadd.s32 s21, s3  }
0x9d: {  	[timem:s7], [sflag:s22] =	dma.local [hbm:s5], s20  }
0x9e: {  	_ =	swait.ge [sflag:s22], s20  }
0x9f: {  	s4 =	ssub.s32 $0x0, s20;
	[sflag:s22] =	ssyncset.done $0x0  }
0xa0: {  	[sflag:s22] =	ssyncadd.s32 s4;
	_ =	sdelay $0x1  }
0xa1: {  	s23 =	simm.s32 $0x1B8B  }
0xa2: {  	_ =	swait.ge [sflag:s23], $0x1  }
0xa3: {  	[sflag:s23] =	ssyncset.done $0x0  }
0xa4: {  	s25 =	simm.s32 $0x1B8E;
	s24 =	sld [smem:$0x3FFE];
	[sflag:s23] =	ssyncadd.s32 $0xFFFFFFFF  }
0xa5: {  	s26 =	simm.s32 $execute0_lowered;
	[smem:$0x3FD2] =	sst s25  }
0xa6: {  	s5 =	sshll.u32 s26, $0x1;
	_ =	strace $0x80000049;
	[dreg:$0x1] =	wrdreg $0xFFFFFFFF  }
0xa7: {  	s28 =	simm.s32 $_size_execute0_lowered;
	s3 =	sadd.s32 s3, s5;
	[dreg:$0x0] =	wrdreg $0x0  }
0xa8: {  	s5 =	sshll.u32 s28, $0x1;
	[dreg:$0x2] =	wrdreg s3  }
0xa9: {  	[dreg:$0x3] =	wrdreg s5  }
0xaa: {  	[dreg:$0x4] =	wrdreg $0xC0  }
0xab: {  	_ =	task [dreg:s7], $0x5FFFF  }
0xac: {  	[dreg:$0x1] =	wrdreg $0xFFFFFFFF  }
0xad: {  	[dreg:$0x0] =	wrdreg $0x60  }
0xae: {  	[dreg:$0x2] =	wrdreg s24  }
0xaf: {  	[dreg:$0x3] =	wrdreg s2  }
0xb0: {  	[dreg:$0x4] =	wrdreg $0xA8000  }
0xb1: {  	[dreg:$0x5] =	wrdreg $0x9  }
0xb2: {  	_ =	task.clear_ibuf [dreg:s7], $0x6FFFF;
	_ =	strace $0x90000049  }
0xb3: {  	s29 =	simm.s32 $0x9;
	_ =	strace $0x8000004B  }
0xb4: {  	_ =	swait.ge [sflag:s29], $0x1  }
0xb5: {  	[sflag:s29] =	ssyncadd.s32 $0xFFFFFFFF  }
0xb6: {  	_ =	strace $0x9000004B  }
0xb7: {  	_ =	sfence  }
0xb8: {  	s30 =	sld [smem:$0x0];
	_ =	sdelay $0x2  }
0xb9: {  	s31 =	sshll.u32 s1, $0xD;
	s1 =	sshrl.u32 s1, $0x2  }
0xba: {  	s3 =	sand.u32 $0x4000, s31;
	s1 =	sadd.s32 s1, s30  }
0xbb: {  	s0 =	sor.u32 s3, s0;
	s1 =	sshll.u32 s1, $0x11  }
0xbc: {  	s0 =	sor.u32 s1, s0  }
0xbd: {  	s0 =	sadd.s32 $0x8F2B, s0  }
0xbe: {  	[sflag:s0] =	ssyncadd.remote.s32 $0x1  }
0xbf: {  	_ =	sfence.sel $0xFFFF  }
0xc0: {  	[dreg:$0x0] =	wrdreg $0xFFFFFFFF;
	(pc) =	sbr.abs _section_cstart, $3  }
0xc1: {  	[dreg:$0x1] =	wrdreg $0xFFFFFFFF  }
0xc2: {  	_ =	task.clear_ibuf [dreg:s7], $0x2FFFF;
	_ =	strace $0x9FFFFFFF  }
0xc3: {  	(tm) =	ssettm $0x7FFFFFFF  }
tec
execute0_lowered:
.L_overlay_start_1:
0x0: {  	(tag) =	ssettag $0x1  }
0x1: {  	s5 =	rddreg [dreg:$0x0]  }
0x2: {  	s12 =	rddreg [dreg:$0x1]  }
0x3: {  	s1 =	rddreg [dreg:$0x2]  }
0x4: {  	s3 =	simm.s32 $0x0;
	s4 =	srdreg.scid;
	s2 =	stileid.u32  }
0x5: {  	s24 =	simm.s32 $0x6800;
	s25 =	simm.s32 $0x1;
	s28 =	simm.s32 $0x2700  }
0x6: {  	s29 =	simm.s32 $0x2780;
	[smem:$0x7FF] =	sst s3;
	s10 =	sand.u32 $0x1, s4  }
0x7: {  	s4 =	sadd.s32 $0x17000, s5;
	s7 =	smul.u32 $0x50000, s2;
	s13 =	sadd.s32 $0xD000, s5  }
0x8: {  	s14 =	smul.u32 $0x14000, s2;
	s18 =	sadd.s32 $0x3F000, s5;
	_ =	strace $0x8000004A  }
0x9: {  	s6 =	ssub.s32 $0x2, s10;
	s26 =	sshll.u32 s10, $0x4;
	s23 =	smul.u32 $0x140000, s10  }
0xa: {  	s8 =	sshrl.u32 s6, $0x1;
	s9 =	sor.u32 s2, s26;
	s30 =	sshrl.u32 s7, $0x2  }
0xb: {  	s15 =	sadd.s32 $0x4000, s14;
	s16 =	sadd.s32 $0x8000, s14;
	s17 =	sadd.s32 $0xC000, s14  }
0xc: {  	s20 =	sadd.s32 $0x10000, s14;
	s26 =	simm.s32 $0x2;
	s19 =	ssub.s32 s6, s8  }
0xd: {  	s5 =	sadd.s32 s30, s1;
	s6 =	sadd.s32 s15, s1;
	s11 =	smul.u32 $0x2800, s9  }
0xe: {  	s7 =	sadd.s32 s16, s1;
	s8 =	sadd.s32 s17, s1;
	s21 =	smul.u32 $0x500, s9  }
0xf: {  	s9 =	sadd.s32 s20, s1;
	s14 =	sadd.s32 s14, s23;
	s15 =	sadd.s32 s23, s15  }
0x10: {  	s16 =	sadd.s32 s23, s16;
	s17 =	sadd.s32 s23, s17;
	s20 =	sadd.s32 s23, s20  }
0x11: {  	s23 =	simm.s32 $0x80;
	s14 =	sshrl.u32 s14, $0x3;
	s15 =	sshrl.u32 s15, $0x3  }
0x12: {  	s16 =	sshrl.u32 s16, $0x3;
	s17 =	sshrl.u32 s17, $0x3;
	s20 =	sshrl.u32 s20, $0x3  }
0x13: {  	s19 =	smax.u32 s19, $0x1;
	s22 =	sshrl.u32 s11, $0x3;
	s10 =	sadd.s32 s12, s21  }
0x14: {  	s11 =	sadd.s32 s13, s21;
	s14 =	sadd.s32 s18, s14;
	s15 =	sadd.s32 s18, s15  }
0x15: {  	s16 =	sadd.s32 s18, s16;
	s17 =	sadd.s32 s18, s17;
	s18 =	sadd.s32 s18, s20  }
0x16: {  	s20 =	simm.s32 $0x2800;
	s21 =	simm.s32 $0x3;
	s31 =	sadd.s32 $0x280, s22  }
0x17: {  	v0 =	vimm.f32 $0.0e+00;
	s22 =	simm.s32 $0x1400;
	s12 =	sadd.s32 s12, s31;
	s13 =	sadd.s32 s13, s31  }
.LBB2_1:
0x18: {  	s30 =	simm.s32 $0x0;
	s31 =	simm.s32 $0x200  }
.LBB2_2:
0x19: {  	p0 =	sne.s32 s31, $0xFE00;
	[tilespmem:s30+$0x6870] =	vst v0  }
0x1a: {  	[tilespmem:s30+$0x2800] =	vst v0  }
0x1b: {  	[tilespmem:s30+$0x2810] =	vst v0  }
0x1c: {  	[tilespmem:s30+$0x2820] =	vst v0  }
0x1d: {  	[tilespmem:s30+$0x2830] =	vst v0  }
0x1e: {  	[tilespmem:s30+$0x2840] =	vst v0  }
0x1f: {  	[tilespmem:s30+$0x2850] =	vst v0  }
0x20: {  	[tilespmem:s30+$0x2860] =	vst v0  }
0x21: {  	[tilespmem:s30+$0x2870] =	vst v0  }
0x22: {  	[tilespmem:s30+$0x6800] =	vst v0  }
0x23: {  	[tilespmem:s30+$0x6810] =	vst v0  }
.Ltmp0:
0x24: {  	[tilespmem:s30+$0x6820] =	vst v0;
	(pc) =	sbr.rel @p0 .LBB2_2-.Ltmp0, $4  }
0x25: {  	[tilespmem:s30+$0x6830] =	vst v0  }
0x26: {  	[tilespmem:s30+$0x6840] =	vst v0  }
0x27: {  	[tilespmem:s30+$0x6850] =	vst v0  }
0x28: {  	[tilespmem:s30+$0x6860] =	vst v0;
	s30 =	sshra.s32 s31, $0x2;
	s31 =	sadd.s32 $0x200, s31  }
0x29: {  	[tilespmem:s30+$0x6870] =	vst v0  }
0x2a: {  	[tilespmem:s30+$0x2800] =	vst v0  }
0x2b: {  	[tilespmem:s30+$0x2810] =	vst v0  }
0x2c: {  	[tilespmem:s30+$0x2820] =	vst v0  }
0x2d: {  	[tilespmem:s30+$0x2830] =	vst v0  }
0x2e: {  	[tilespmem:s30+$0x2840] =	vst v0  }
0x2f: {  	[tilespmem:s30+$0x2850] =	vst v0  }
0x30: {  	[tilespmem:s30+$0x2860] =	vst v0  }
0x31: {  	[tilespmem:s30+$0x2870] =	vst v0  }
0x32: {  	[tilespmem:s30+$0x6800] =	vst v0  }
0x33: {  	[tilespmem:s30+$0x6810] =	vst v0  }
0x34: {  	[tilespmem:s30+$0x6820] =	vst v0  }
0x35: {  	[tilespmem:s30+$0x6830] =	vst v0  }
0x36: {  	[tilespmem:s30+$0x6840] =	vst v0  }
0x37: {  	[tilespmem:s30+$0x6850] =	vst v0  }
0x38: {  	[tilespmem:s30+$0x6860] =	vst v0  }
0x39: {  	[spmem:s5] =	stream.linear.scatter [tilespmem:s20], [sflag:$0x3], $0x4000, $0x38;
	[tilespmem:$0x1E800] =	vst v63  }
0x3a: {  	_ =	swait.ge [sflag:s21], $0x4000  }
0x3b: {  	[sflag:s21] =	ssyncset.done $0x0  }
0x3c: {  	[sflag:s21] =	ssyncadd.s32 $0xFFFFC000  }
0x3d: {  	[spmem:s6] =	stream.linear.scatter [tilespmem:s20], [sflag:$0x3], $0x4000, $0x38;
	[tilespmem:$0x1E800] =	vst v63  }
0x3e: {  	_ =	swait.ge [sflag:s21], $0x4000  }
0x3f: {  	[sflag:s21] =	ssyncset.done $0x0  }
0x40: {  	[sflag:s21] =	ssyncadd.s32 $0xFFFFC000  }
0x41: {  	[spmem:s7] =	stream.linear.scatter [tilespmem:s20], [sflag:$0x3], $0x4000, $0x38;
	[tilespmem:$0x1E800] =	vst v63  }
0x42: {  	_ =	swait.ge [sflag:s21], $0x4000  }
0x43: {  	[sflag:s21] =	ssyncset.done $0x0  }
0x44: {  	[sflag:s21] =	ssyncadd.s32 $0xFFFFC000  }
0x45: {  	[spmem:s8] =	stream.linear.scatter [tilespmem:s20], [sflag:$0x3], $0x4000, $0x38;
	[tilespmem:$0x1E800] =	vst v63  }
0x46: {  	_ =	swait.ge [sflag:s21], $0x4000  }
0x47: {  	[sflag:s21] =	ssyncset.done $0x0  }
0x48: {  	[sflag:s21] =	ssyncadd.s32 $0xFFFFC000  }
0x49: {  	[spmem:s9] =	stream.linear.scatter [tilespmem:s20], [sflag:$0x3], $0x4000, $0x38;
	[tilespmem:$0x1E800] =	vst v63  }
0x4a: {  	_ =	swait.ge [sflag:s21], $0x4000  }
0x4b: {  	[sflag:s21] =	ssyncset.done $0x0  }
0x4c: {  	[sflag:s21] =	ssyncadd.s32 $0xFFFFC000  }
0x4d: {  	s30 =	simm.s32 $0x0;
	[bflag:$0x0] =	sbarrier.arrive $0xFFFF  }
0x4e: {  	[tilespmem:s30], [sflag:$0x3] =	stream.linear.gather [hbm4b:s10+s30], $0x1400, $0x38;
	[tilespmem:$0x1E800] =	vst v63  }
0x4f: {  	_ =	swait.ge [sflag:s21], $0x1400  }
0x50: {  	[sflag:s21] =	ssyncset.done $0x0  }
0x51: {  	[sflag:s21] =	ssyncadd.s32 $0xFFFFEC00  }
0x52: {  	[tilespmem:s22], [sflag:$0x3] =	stream.linear.gather [hbm4b:s11+s30], $0x1400, $0x38;
	[tilespmem:$0x1E800] =	vst v63  }
0x53: {  	_ =	swait.ge [sflag:s21], $0x1400  }
0x54: {  	[sflag:s21] =	ssyncset.done $0x0  }
0x55: {  	[sflag:s21] =	ssyncadd.s32 $0xFFFFEC00  }
0x56: {  	[tilespmem:s20], [sflag:$0x1] =	stream.indirect.gather [hbm4b:s4+s23], $0x80, s30, s23, $0xb8;
	[tilespmem:$0x1E800] =	vst v63  }
0x57: {  	_ = 	snop  }
0x58: {  	[tilespmem:s24], [sflag:$0x1] =	stream.indirect.gather [hbm4b:s4+s23], $0x80, s23, s23, $0xb8;
	[tilespmem:$0x1E800] =	vst v63  }
0x59: {  	_ =	swait.ge [sflag:s25], $0x4000  }
0x5a: {  	[sflag:s25] =	ssyncset.done $0x0  }
0x5b: {  	s30 =	simm.s32 $0x1400;
	[sflag:s25] =	ssyncadd.s32 $0xFFFFC000  }
0x5c: {  	[spmem:s1] =	stream.indirect.scatter.add.f32 [tilespmem:s20], [sflag:$0x2], $0x80, s30, s23, $0xb8;
	[tilespmem:$0x1E800] =	vst v63  }
0x5d: {  	_ =	swait.ge [sflag:s25], $0x4000  }
0x5e: {  	[sflag:s25] =	ssyncset.done $0x0  }
0x5f: {  	s30 =	simm.s32 $0x1480;
	[sflag:s25] =	ssyncadd.s32 $0xFFFFC000  }
0x60: {  	[spmem:s1] =	stream.indirect.scatter.add.f32 [tilespmem:s24], [sflag:$0x2], $0x80, s30, s23, $0xb8;
	[tilespmem:$0x1E800] =	vst v63  }
0x61: {  	_ =	swait.ge [sflag:s26], $0x4000  }
0x62: {  	[sflag:s26] =	ssyncset.done $0x0  }
0x63: {  	s30 =	simm.s32 $0x100;
	[sflag:s26] =	ssyncadd.s32 $0xFFFFC000  }
0x64: {  	[tilespmem:s20], [sflag:$0x1] =	stream.indirect.gather [hbm4b:s4+s23], $0x80, s30, s23, $0xb8;
	[tilespmem:$0x1E800] =	vst v63  }
0x65: {  	_ =	swait.ge [sflag:s26], $0x4000  }
0x66: {  	[sflag:s26] =	ssyncset.done $0x0  }
0x67: {  	s31 =	simm.s32 $0x180;
	s30 =	simm.s32 $0x400;
	[sflag:s26] =	ssyncadd.s32 $0xFFFFC000  }
.LBB2_4:
0x68: {  	[tilespmem:s24], [sflag:$0x1] =	stream.indirect.gather [hbm4b:s4+s23], $0x80, s31, s23, $0xb8;
	[tilespmem:$0x1E800] =	vst v63  }
0x69: {  	s31 =	smov.u32 s30  }
0x6a: {  	p0 =	sne.s32 s30, $0x4800;
	s30 =	sadd.s32 $0x400, s30;
	_ =	swait.ge [sflag:s25], $0x4000  }
0x6b: {  	s31 =	sshra.s32 s31, $0x2;
	[sflag:s25] =	ssyncset.done $0x0  }
0x6c: {  	s0 =	sadd.s32 $0x1400, s31;
	[sflag:s25] =	ssyncadd.s32 $0xFFFFC000  }
0x6d: {  	[spmem:s1] =	stream.indirect.scatter.add.f32 [tilespmem:s20], [sflag:$0x2], $0x80, s0, s23, $0xb8;
	[tilespmem:$0x1E800] =	vst v63  }
0x6e: {  	_ =	swait.ge [sflag:s25], $0x4000  }
0x6f: {  	[sflag:s25] =	ssyncset.done $0x0  }
0x70: {  	s0 =	sadd.s32 $0x1480, s31;
	[sflag:s25] =	ssyncadd.s32 $0xFFFFC000  }
0x71: {  	[spmem:s1] =	stream.indirect.scatter.add.f32 [tilespmem:s24], [sflag:$0x2], $0x80, s0, s23, $0xb8;
	[tilespmem:$0x1E800] =	vst v63  }
0x72: {  	_ =	swait.ge [sflag:s26], $0x4000  }
0x73: {  	[sflag:s26] =	ssyncset.done $0x0  }
.Ltmp1:
0x74: {  	s0 =	sadd.s32 $0x100, s31;
	[sflag:s26] =	ssyncadd.s32 $0xFFFFC000;
	(pc) =	sbr.rel @p0 .LBB2_4-.Ltmp1, $4  }
0x75: {  	[tilespmem:s20], [sflag:$0x1] =	stream.indirect.gather [hbm4b:s4+s23], $0x80, s0, s23, $0xb8;
	[tilespmem:$0x1E800] =	vst v63  }
0x76: {  	_ =	swait.ge [sflag:s26], $0x4000  }
0x77: {  	[sflag:s26] =	ssyncset.done $0x0  }
0x78: {  	s31 =	sadd.s32 $0x180, s31;
	[sflag:s26] =	ssyncadd.s32 $0xFFFFC000  }
0x79: {  	[tilespmem:s24], [sflag:$0x1] =	stream.indirect.gather [hbm4b:s4+s23], $0x80, s31, s23, $0xb8;
	[tilespmem:$0x1E800] =	vst v63  }
0x7a: {  	_ =	swait.ge [sflag:s25], $0x4000  }
0x7b: {  	[sflag:s25] =	ssyncset.done $0x0  }
0x7c: {  	[sflag:s25] =	ssyncadd.s32 $0xFFFFC000  }
0x7d: {  	[spmem:s1] =	stream.indirect.scatter.add.f32 [tilespmem:s20], [sflag:$0x2], $0x80, s28, s23, $0xb8;
	[tilespmem:$0x1E800] =	vst v63  }
0x7e: {  	_ =	swait.ge [sflag:s25], $0x4000  }
0x7f: {  	[sflag:s25] =	ssyncset.done $0x0  }
0x80: {  	[sflag:s25] =	ssyncadd.s32 $0xFFFFC000  }
0x81: {  	[spmem:s1] =	stream.indirect.scatter.add.f32 [tilespmem:s24], [sflag:$0x2], $0x80, s29, s23, $0xb8;
	[tilespmem:$0x1E800] =	vst v63  }
0x82: {  	_ =	swait.ge [sflag:s26], $0x4000  }
0x83: {  	[sflag:s26] =	ssyncset.done $0x0  }
0x84: {  	[sflag:s26] =	ssyncadd.s32 $0xFFFFC000  }
0x85: {  	_ =	swait.ge [sflag:s26], $0x4000  }
0x86: {  	[sflag:s26] =	ssyncset.done $0x0  }
0x87: {  	s0 =	simm.s32 $0x0;
	[sflag:s26] =	ssyncadd.s32 $0xFFFFC000  }
0x88: {  	[tilespmem:s0], [sflag:$0x3] =	stream.linear.gather [hbm4b:s12+s0], $0x1400, $0x38;
	[tilespmem:$0x1E800] =	vst v63  }
0x89: {  	_ =	swait.ge [sflag:s21], $0x1400  }
0x8a: {  	[sflag:s21] =	ssyncset.done $0x0  }
0x8b: {  	[sflag:s21] =	ssyncadd.s32 $0xFFFFEC00  }
0x8c: {  	[tilespmem:s22], [sflag:$0x3] =	stream.linear.gather [hbm4b:s13+s0], $0x1400, $0x38;
	[tilespmem:$0x1E800] =	vst v63  }
0x8d: {  	_ =	swait.ge [sflag:s21], $0x1400  }
0x8e: {  	[sflag:s21] =	ssyncset.done $0x0  }
0x8f: {  	[sflag:s21] =	ssyncadd.s32 $0xFFFFEC00  }
0x90: {  	[tilespmem:s20], [sflag:$0x1] =	stream.indirect.gather [hbm4b:s4+s23], $0x80, s0, s23, $0xb8;
	[tilespmem:$0x1E800] =	vst v63  }
0x91: {  	_ = 	snop  }
0x92: {  	[tilespmem:s24], [sflag:$0x1] =	stream.indirect.gather [hbm4b:s4+s23], $0x80, s23, s23, $0xb8;
	[tilespmem:$0x1E800] =	vst v63  }
0x93: {  	_ =	swait.ge [sflag:s25], $0x4000  }
0x94: {  	[sflag:s25] =	ssyncset.done $0x0  }
0x95: {  	s0 =	simm.s32 $0x1400;
	[sflag:s25] =	ssyncadd.s32 $0xFFFFC000  }
0x96: {  	[spmem:s1] =	stream.indirect.scatter.add.f32 [tilespmem:s20], [sflag:$0x2], $0x80, s0, s23, $0xb8;
	[tilespmem:$0x1E800] =	vst v63  }
0x97: {  	_ =	swait.ge [sflag:s25], $0x4000  }
0x98: {  	[sflag:s25] =	ssyncset.done $0x0  }
0x99: {  	s0 =	simm.s32 $0x1480;
	[sflag:s25] =	ssyncadd.s32 $0xFFFFC000  }
0x9a: {  	[spmem:s1] =	stream.indirect.scatter.add.f32 [tilespmem:s24], [sflag:$0x2], $0x80, s0, s23, $0xb8;
	[tilespmem:$0x1E800] =	vst v63  }
0x9b: {  	_ =	swait.ge [sflag:s26], $0x4000  }
0x9c: {  	[sflag:s26] =	ssyncset.done $0x0  }
0x9d: {  	s0 =	simm.s32 $0x100;
	[sflag:s26] =	ssyncadd.s32 $0xFFFFC000  }
0x9e: {  	[tilespmem:s20], [sflag:$0x1] =	stream.indirect.gather [hbm4b:s4+s23], $0x80, s0, s23, $0xb8;
	[tilespmem:$0x1E800] =	vst v63  }
0x9f: {  	_ =	swait.ge [sflag:s26], $0x4000  }
0xa0: {  	[sflag:s26] =	ssyncset.done $0x0  }
0xa1: {  	s30 =	simm.s32 $0x400;
	s31 =	simm.s32 $0x180;
	[sflag:s26] =	ssyncadd.s32 $0xFFFFC000  }
.LBB2_6:
0xa2: {  	[tilespmem:s24], [sflag:$0x1] =	stream.indirect.gather [hbm4b:s4+s23], $0x80, s31, s23, $0xb8;
	[tilespmem:$0x1E800] =	vst v63  }
0xa3: {  	s0 =	smov.u32 s30  }
0xa4: {  	p0 =	sne.s32 s30, $0x4800;
	s30 =	sadd.s32 $0x400, s30;
	_ =	swait.ge [sflag:s25], $0x4000  }
0xa5: {  	s0 =	sshra.s32 s0, $0x2;
	[sflag:s25] =	ssyncset.done $0x0  }
0xa6: {  	s31 =	sadd.s32 $0x1400, s0;
	[sflag:s25] =	ssyncadd.s32 $0xFFFFC000  }
0xa7: {  	[spmem:s1] =	stream.indirect.scatter.add.f32 [tilespmem:s20], [sflag:$0x2], $0x80, s31, s23, $0xb8;
	[tilespmem:$0x1E800] =	vst v63  }
0xa8: {  	_ =	swait.ge [sflag:s25], $0x4000  }
0xa9: {  	[sflag:s25] =	ssyncset.done $0x0  }
0xaa: {  	s31 =	sadd.s32 $0x1480, s0;
	[sflag:s25] =	ssyncadd.s32 $0xFFFFC000  }
0xab: {  	[spmem:s1] =	stream.indirect.scatter.add.f32 [tilespmem:s24], [sflag:$0x2], $0x80, s31, s23, $0xb8;
	[tilespmem:$0x1E800] =	vst v63  }
0xac: {  	_ =	swait.ge [sflag:s26], $0x4000  }
0xad: {  	[sflag:s26] =	ssyncset.done $0x0  }
.Ltmp2:
0xae: {  	s31 =	sadd.s32 $0x100, s0;
	[sflag:s26] =	ssyncadd.s32 $0xFFFFC000;
	(pc) =	sbr.rel @p0 .LBB2_6-.Ltmp2, $4  }
0xaf: {  	[tilespmem:s20], [sflag:$0x1] =	stream.indirect.gather [hbm4b:s4+s23], $0x80, s31, s23, $0xb8;
	[tilespmem:$0x1E800] =	vst v63  }
0xb0: {  	_ =	swait.ge [sflag:s26], $0x4000  }
0xb1: {  	[sflag:s26] =	ssyncset.done $0x0  }
0xb2: {  	s31 =	sadd.s32 $0x180, s0;
	[sflag:s26] =	ssyncadd.s32 $0xFFFFC000  }
0xb3: {  	[tilespmem:s24], [sflag:$0x1] =	stream.indirect.gather [hbm4b:s4+s23], $0x80, s31, s23, $0xb8;
	[tilespmem:$0x1E800] =	vst v63  }
0xb4: {  	_ =	swait.ge [sflag:s25], $0x4000  }
0xb5: {  	[sflag:s25] =	ssyncset.done $0x0  }
0xb6: {  	[sflag:s25] =	ssyncadd.s32 $0xFFFFC000  }
0xb7: {  	[spmem:s1] =	stream.indirect.scatter.add.f32 [tilespmem:s20], [sflag:$0x2], $0x80, s28, s23, $0xb8;
	[tilespmem:$0x1E800] =	vst v63  }
0xb8: {  	_ =	swait.ge [sflag:s25], $0x4000  }
0xb9: {  	[sflag:s25] =	ssyncset.done $0x0  }
0xba: {  	[sflag:s25] =	ssyncadd.s32 $0xFFFFC000  }
0xbb: {  	[spmem:s1] =	stream.indirect.scatter.add.f32 [tilespmem:s24], [sflag:$0x2], $0x80, s29, s23, $0xb8;
	[tilespmem:$0x1E800] =	vst v63  }
0xbc: {  	_ =	swait.ge [sflag:s26], $0x4000  }
0xbd: {  	[sflag:s26] =	ssyncset.done $0x0  }
0xbe: {  	[sflag:s26] =	ssyncadd.s32 $0xFFFFC000  }
0xbf: {  	_ =	swait.ge [sflag:s26], $0x4000  }
0xc0: {  	[sflag:s26] =	ssyncset.done $0x0  }
0xc1: {  	s0 =	sshll.u32 s2, $0x6;
	[sflag:s26] =	ssyncadd.s32 $0xFFFFC000  }
0xc2: {  	s30 =	sshrl.u32 s5, $0x3;
	s0 =	sor.u32 $0x1C03, s0;
	[bflag:$0x0] =	sbarrier.arrive $0xFFFF  }
0xc3: {  	[hbm:s14], [sflag:s0] =	dma.local [spmem:s30], $0x800  }
0xc4: {  	_ =	swait.ge [sflag:s21], $0x800  }
0xc5: {  	[sflag:s21] =	ssyncset.done $0x0  }
0xc6: {  	s31 =	sshrl.u32 s6, $0x3;
	[sflag:s21] =	ssyncadd.s32 $0xFFFFF800  }
0xc7: {  	[hbm:s15], [sflag:s0] =	dma.local [spmem:s31], $0x800  }
0xc8: {  	_ =	swait.ge [sflag:s21], $0x800  }
0xc9: {  	[sflag:s21] =	ssyncset.done $0x0  }
0xca: {  	s31 =	sshrl.u32 s7, $0x3;
	[sflag:s21] =	ssyncadd.s32 $0xFFFFF800  }
0xcb: {  	[hbm:s16], [sflag:s0] =	dma.local [spmem:s31], $0x800  }
0xcc: {  	_ =	swait.ge [sflag:s21], $0x800  }
0xcd: {  	[sflag:s21] =	ssyncset.done $0x0  }
0xce: {  	s31 =	sshrl.u32 s8, $0x3;
	[sflag:s21] =	ssyncadd.s32 $0xFFFFF800  }
0xcf: {  	[hbm:s17], [sflag:s0] =	dma.local [spmem:s31], $0x800  }
0xd0: {  	s3 =	sadd.s32 $0x1, s3;
	_ =	swait.ge [sflag:s21], $0x800  }
0xd1: {  	p0 =	sne.s32 s3, s19;
	[sflag:s21] =	ssyncset.done $0x0  }
.Ltmp3:
0xd2: {  	s31 =	sshrl.u32 s9, $0x3;
	[sflag:s21] =	ssyncadd.s32 $0xFFFFF800;
	(pc) =	sbr.rel @p0 .LBB2_1-.Ltmp3, $4  }
0xd3: {  	[hbm:s18], [sflag:s0] =	dma.local [spmem:s31], $0x800  }
0xd4: {  	_ =	swait.ge [sflag:s21], $0x800  }
0xd5: {  	[sflag:s21] =	ssyncset.done $0x0  }
0xd6: {  	[sflag:s21] =	ssyncadd.s32 $0xFFFFF800  }
0xd7: {  	_ =	sfence.sel $0x180000  }
0xd8: {  	[bflag:$0x0] =	sbarrier.arrive $0xFFFF  }
0xd9: {  	_ =	strace $0x9000004A  }
0xda: {  	[bflag:$0x2] =	sbarrier.arrive $0xFFFF  }
0xdb: {  	p0 =	sne.s32 s2, $0x0;
	s0 =	rddreg [dreg:$0x3]  }
0xdc: {  	s0 =	sadd.s32 @!p0 $0x100000, s0  }
0xdd: {  	[sflag:s0] =	ssyncadd.tile.s32 @!p0 $0x1;
	_ =	shalt  }
.Lfunc_end2:
_tile_overlayer_lowered:
.L_overlay_start_2:
0xde: {  	(tag) =	ssettag $0x2  }
0xdf: {  	s0 =	rddreg [dreg:$0x0];
	s2 =	stileid.u32  }
0xe0: {  	s1 =	rddreg [dreg:$0x1];
	p0 =	sne.s32 s2, $0x0  }
0xe1: {  	s3 =	rddreg [dreg:$0x2];
	[bflag:$0x3] =	sbarrier.arrive $0xFFFF;
	s2 =	simm.s32 @!p0 $0x1C03  }
0xe2: {  	[timem:s3], [sflag:s2] =	dma.local @!p0 [hbm:s0], s1  }
0xe3: {  	s0 =	simm.s32 @!p0 $0x3  }
0xe4: {  	_ =	swait.ge @!p0 [sflag:s0], s1  }
0xe5: {  	s1 =	ssub.s32 @!p0 $0x0, s1;
	[sflag:s0] =	ssyncset.done @!p0 $0x0  }
0xe6: {  	[sflag:s0] =	ssyncadd.s32 @!p0 s1  }
0xe7: {  	[bflag:$0x3] =	sbarrier.arrive $0xFFFF  }
0xe8: {  	_ =	shalt  }

// kernel: kernel.15.cloned.1.call-start
scs
__scs_entry_jumppad:
0x0: {  	(pc) =	sbr.rel $0x88, $3  }
0x1: {  	(tag) =	ssettag $0x0;
	lr =	simm.s32 $0x1  }
0x2: {  	[smem:$0x3F9B] =	sst lr;
	_ =	strace $0xD0000000  }
0x3: {  	_ = 	snop  }
0x4: {  	_ = 	snop  }
0x5: {  	_ = 	snop  }
0x6: {  	_ = 	snop  }
0x7: {  	_ = 	snop  }
__scs_overlays_trampoline_lowered:
0x8: {  	[smem:$0x3FAA] =	sst s0  }
0x9: {  	[smem:$0x3FAB] =	sst s1  }
0xa: {  	[smem:$0x3FAC] =	sst s2  }
0xb: {  	[smem:$0x3FAD] =	sst s3  }
0xc: {  	[smem:$0x3FAE] =	sst s4  }
0xd: {  	[smem:$0x3FAF] =	sst s5  }
0xe: {  	[smem:$0x3FB0] =	sst s6  }
0xf: {  	[smem:$0x3FB1] =	sst s7  }
0x10: {  	[smem:$0x3FB2] =	sst s8  }
0x11: {  	[smem:$0x3FB3] =	sst s9;
	s0 =	simm.s32 @!p0 $0x0  }
0x12: {  	s1 =	sld [smem:$0x3F99];
	s0 =	simm.s32 @p0 $0x1  }
0x13: {  	[smem:$0x3FB4] =	sst s0;
	s0 =	simm.s32 @!p1 $0x0  }
0x14: {  	s2 =	sld [smem:$0x3F98];
	s0 =	simm.s32 @p1 $0x1  }
0x15: {  	[smem:$0x3FB5] =	sst s0;
	s0 =	simm.s32 @!p2 $0x0  }
0x16: {  	s3 =	sld [smem:$0x3FDB];
	s0 =	simm.s32 @p2 $0x1  }
0x17: {  	s4 =	simm.s32 $0x1BF5;
	[smem:$0x3FB7] =	sst s0  }
0x18: {  	s0 =	sld [smem:$0x3F9A];
	_ =	swait.ge [sflag:s4], $0x0  }
0x19: {  	s7 =	sld [smem:$0x3F9B]  }
0x1a: {  	s8 =	sadd.s32 $0xFFFFE003, lr  }
0x1b: {  	s9 =	sadd.s32 $0xFFFFFEF7, lr;
	s5 =	simm.s32 $0xFFFFFFFF;
	p2 =	slt.u32 s8, $0xFFFFF086  }
0x1c: {  	p1 =	slt.u32 s9, $0xF7A;
	s5 =	simm.s32 @!p2 $0x0  }
0x1d: {  	s5 =	simm.s32 @p1 $0x1;
	p0 =	seq.s32 s7, s2  }
0x1e: {  	s7 =	smul.u32 @!p0 $0xF7A, s2;
	p2 =	seq.s32 @!p0 s5, $0x0  }
0x1f: {  	s9 =	smul.u32 $0xF7A, s1;
	s8 =	simm.s32 @!p0 $0x1BF5;
	p2 =	por !p2, p0  }
0x20: {  	[sflag:s8] =	ssyncset.s32 @!p0 $0xFFFFF086;
	s6 =	sadd.s32 @!p0 s3, s7;
	s7 =	simm.s32 @!p0 $0x108  }
0x21: {  	s3 =	sadd.s32 s3, s9;
	s6 =	sadd.s32 @!p0 $0x88, s6;
	s7 =	simm.s32 @p2 $0x1082  }
0x22: {  	[simem:s7], [sflag:s8] =	dma.local @!p0 [hbm:s6], $0xF7A  }
0x23: {  	s9 =	sor.u32 $0xD0000000, s2;
	s6 =	simm.s32 $0x108;
	_ =	swait.ge @!p0 [sflag:s8], $0x0  }
0x24: {  	s3 =	sadd.s32 $0x88, s3;
	s6 =	simm.s32 @!p1 $0x1082;
	[sflag:s4] =	ssyncset.s32 $0xFFFFF086  }
0x25: {  	[simem:s6], [sflag:s4] =	dma.local [hbm:s3], $0xF7A  }
0x26: {  	[smem:$0x3F9B] =	sst s1;
	(tag) =	ssettag s2;
	_ =	strace s9  }
0x27: {  	s1 =	sld [smem:$0x3FAB]  }
0x28: {  	s2 =	sld [smem:$0x3FAC]  }
0x29: {  	s4 =	sld [smem:$0x3FAE]  }
0x2a: {  	p0 =	seq.s32 s5, $0x0;
	s5 =	sld [smem:$0x3FAF]  }
0x2b: {  	s6 =	sld [smem:$0x3FB0]  }
0x2c: {  	s7 =	sld [smem:$0x3FB1]  }
0x2d: {  	s3 =	simm.s32 $0x108;
	s8 =	sld [smem:$0x3FB2]  }
0x2e: {  	s3 =	simm.s32 @!p0 $0x1082;
	s9 =	sld [smem:$0x3FB3]  }
0x2f: {  	lr =	sadd.s32 s0, s3;
	s0 =	sld [smem:$0x3FAA]  }
0x30: {  	s3 =	sld [smem:$0x3FAD]  }
0x31: {  	[smem:$0x3FB6] =	sst s10  }
0x32: {  	s10 =	sld [smem:$0x3FB4];
	_ =	sdelay $0x3  }
0x33: {  	p0 =	seq.s32 s10, $0x1;
	s10 =	sld [smem:$0x3FB6];
	_ =	sdelay $0x3  }
0x34: {  	[smem:$0x3FB6] =	sst s10  }
0x35: {  	s10 =	sld [smem:$0x3FB5];
	_ =	sdelay $0x3  }
0x36: {  	p1 =	seq.s32 s10, $0x1;
	s10 =	sld [smem:$0x3FB6];
	_ =	sdelay $0x3  }
0x37: {  	[smem:$0x3FB6] =	sst s10  }
0x38: {  	s10 =	sld [smem:$0x3FB7]  }
0x39: {  	_ = 	snop;
	(pc) =	sbr.ind lr, $3  }
0x3a: {  	_ = 	snop  }
0x3b: {  	_ = 	snop  }
0x3c: {  	p2 =	seq.s32 s10, $0x1;
	s10 =	sld [smem:$0x3FB6]  }
0x3d: {  	_ =	shalt  }
0x3e: {  	_ =	shalt  }
0x3f: {  	_ =	shalt  }
0x40: {  	_ =	shalt  }
0x41: {  	_ =	shalt  }
0x42: {  	_ =	shalt  }
0x43: {  	_ =	shalt  }
0x44: {  	_ =	shalt  }
0x45: {  	_ =	shalt  }
0x46: {  	_ =	shalt  }
0x47: {  	_ =	shalt  }
0x48: {  	_ =	shalt  }
0x49: {  	_ =	shalt  }
0x4a: {  	_ =	shalt  }
0x4b: {  	_ =	shalt  }
0x4c: {  	_ =	shalt  }
0x4d: {  	_ =	shalt  }
0x4e: {  	_ =	shalt  }
0x4f: {  	_ =	shalt  }
0x50: {  	_ =	shalt  }
0x51: {  	_ =	shalt  }
0x52: {  	_ =	shalt  }
0x53: {  	_ =	shalt  }
0x54: {  	_ =	shalt  }
0x55: {  	_ =	shalt  }
0x56: {  	_ =	shalt  }
0x57: {  	_ =	shalt  }
0x58: {  	_ =	shalt  }
0x59: {  	_ =	shalt  }
0x5a: {  	_ =	shalt  }
0x5b: {  	_ =	shalt  }
0x5c: {  	_ =	shalt  }
0x5d: {  	_ =	shalt  }
0x5e: {  	_ =	shalt  }
0x5f: {  	_ =	shalt  }
0x60: {  	_ =	shalt  }
0x61: {  	_ =	shalt  }
0x62: {  	_ =	shalt  }
0x63: {  	_ =	shalt  }
0x64: {  	_ =	shalt  }
0x65: {  	_ =	shalt  }
0x66: {  	_ =	shalt  }
0x67: {  	_ =	shalt  }
0x68: {  	_ =	shalt  }
0x69: {  	_ =	shalt  }
0x6a: {  	_ =	shalt  }
0x6b: {  	_ =	shalt  }
0x6c: {  	_ =	shalt  }
0x6d: {  	_ =	shalt  }
0x6e: {  	_ =	shalt  }
0x6f: {  	_ =	shalt  }
0x70: {  	_ =	shalt  }
0x71: {  	_ =	shalt  }
0x72: {  	_ =	shalt  }
0x73: {  	_ =	shalt  }
0x74: {  	_ =	shalt  }
0x75: {  	_ =	shalt  }
0x76: {  	_ =	shalt  }
0x77: {  	_ =	shalt  }
0x78: {  	_ =	shalt  }
0x79: {  	_ =	shalt  }
0x7a: {  	_ =	shalt  }
0x7b: {  	_ =	shalt  }
0x7c: {  	_ =	shalt  }
0x7d: {  	_ =	shalt  }
0x7e: {  	_ =	shalt  }
0x7f: {  	_ =	shalt  }
0x80: {  	_ =	shalt  }
0x81: {  	_ =	shalt  }
0x82: {  	_ =	shalt  }
0x83: {  	_ =	shalt  }
0x84: {  	_ =	shalt  }
0x85: {  	_ =	shalt  }
0x86: {  	_ =	shalt  }
0x87: {  	_ =	shalt  }
.Lfunc_end0:
.L_simem_size_0:
called_computation.2_lowered:
.L_overlay_start_0:
0x88: {  	s2 =	sld [smem:$0x3FD9]  }
0x89: {  	s3 =	sld [smem:$0x3FFE];
	_ =	sdelay $0x1  }
0x8a: {  	s1 =	srdreg.scid  }
0x8b: {  	s0 =	sand.u32 $0x1, s1  }
0x8c: {  	s17 =	sshll.u32 s0, $0xA;
	s2 =	sadd.s32 s3, s2  }
0x8d: {  	s2 =	sadd.s32 s2, s17  }
0x8e: {  	[smem:$0x3FC2] =	sst s2  }
0x8f: {  	_ = 	snop  }
0x90: {  	s2 =	sld [smem:$0x3FD0];
	(tm) =	ssettm $0x1  }
0x91: {  	s18 =	sld [smem:$0x3FFB];
	_ =	sdelay $0x3  }
0x92: {  	_ =	strace s18  }
0x93: {  	s3 =	sld [smem:$0x3FFC];
	_ =	sdelay $0x3  }
0x94: {  	_ =	strace s3  }
0x95: {  	s3 =	sld [smem:$0x3FFD];
	_ =	sdelay $0x3  }
0x96: {  	_ =	strace s3  }
0x97: {  	_ =	strace $0x8FFFFFFF  }
0x98: {  	s19 =	sld [smem:$0x3FDB];
	_ =	sdelay $0x1  }
0x99: {  	s4 =	simm.s32 $_scs_section_size  }
0x9a: {  	s5 =	simm.s32 $_size__tile_overlayer_lowered;
	s6 =	simm.s32 $_tile_overlayer_lowered  }
0x9b: {  	s22 =	simm.s32 $0x1BFF;
	s21 =	sshll.u32 s6, $0x1;
	s3 =	sadd.s32 s4, s19  }
0x9c: {  	s7 =	simm.s32 $0x0;
	s20 =	sshll.u32 s5, $0x1;
	s5 =	sadd.s32 s21, s3  }
0x9d: {  	[timem:s7], [sflag:s22] =	dma.local [hbm:s5], s20  }
0x9e: {  	_ =	swait.ge [sflag:s22], s20  }
0x9f: {  	s4 =	ssub.s32 $0x0, s20;
	[sflag:s22] =	ssyncset.done $0x0  }
0xa0: {  	[sflag:s22] =	ssyncadd.s32 s4;
	_ =	sdelay $0x1  }
0xa1: {  	s23 =	simm.s32 $0x1B8B  }
0xa2: {  	_ =	swait.ge [sflag:s23], $0x1  }
0xa3: {  	[sflag:s23] =	ssyncset.done $0x0  }
0xa4: {  	s25 =	simm.s32 $0x1B8E;
	s24 =	sld [smem:$0x3FFE];
	[sflag:s23] =	ssyncadd.s32 $0xFFFFFFFF  }
0xa5: {  	s26 =	simm.s32 $execute0_lowered;
	[smem:$0x3FD2] =	sst s25  }
0xa6: {  	s5 =	sshll.u32 s26, $0x1;
	_ =	strace $0x8000004C;
	[dreg:$0x1] =	wrdreg $0xFFFFFFFF  }
0xa7: {  	s28 =	simm.s32 $_size_execute0_lowered;
	s3 =	sadd.s32 s3, s5;
	[dreg:$0x0] =	wrdreg $0x0  }
0xa8: {  	s5 =	sshll.u32 s28, $0x1;
	[dreg:$0x2] =	wrdreg s3  }
0xa9: {  	[dreg:$0x3] =	wrdreg s5  }
0xaa: {  	[dreg:$0x4] =	wrdreg $0xC0  }
0xab: {  	_ =	task [dreg:s7], $0x5FFFF  }
0xac: {  	[dreg:$0x1] =	wrdreg $0xFFFFFFFF  }
0xad: {  	[dreg:$0x0] =	wrdreg $0x60  }
0xae: {  	[dreg:$0x2] =	wrdreg s24  }
0xaf: {  	[dreg:$0x3] =	wrdreg s2  }
0xb0: {  	[dreg:$0x4] =	wrdreg $0xA8000  }
0xb1: {  	[dreg:$0x5] =	wrdreg $0x9  }
0xb2: {  	_ =	task.clear_ibuf [dreg:s7], $0x6FFFF;
	_ =	strace $0x9000004C  }
0xb3: {  	s29 =	simm.s32 $0x9;
	_ =	strace $0x8000004E  }
0xb4: {  	_ =	swait.ge [sflag:s29], $0x1  }
0xb5: {  	[sflag:s29] =	ssyncadd.s32 $0xFFFFFFFF  }
0xb6: {  	_ =	strace $0x9000004E  }
0xb7: {  	_ =	sfence  }
0xb8: {  	s30 =	sld [smem:$0x0];
	_ =	sdelay $0x2  }
0xb9: {  	s31 =	sshll.u32 s1, $0xD;
	s1 =	sshrl.u32 s1, $0x2  }
0xba: {  	s3 =	sand.u32 $0x4000, s31;
	s1 =	sadd.s32 s1, s30  }
0xbb: {  	s0 =	sor.u32 s3, s0;
	s1 =	sshll.u32 s1, $0x11  }
0xbc: {  	s0 =	sor.u32 s1, s0  }
0xbd: {  	s0 =	sadd.s32 $0x8F2B, s0  }
0xbe: {  	[sflag:s0] =	ssyncadd.remote.s32 $0x1  }
0xbf: {  	_ =	sfence.sel $0xFFFF  }
0xc0: {  	[dreg:$0x0] =	wrdreg $0xFFFFFFFF;
	(pc) =	sbr.abs _section_cstart, $3  }
0xc1: {  	[dreg:$0x1] =	wrdreg $0xFFFFFFFF  }
0xc2: {  	_ =	task.clear_ibuf [dreg:s7], $0x2FFFF;
	_ =	strace $0x9FFFFFFF  }
0xc3: {  	(tm) =	ssettm $0x7FFFFFFF  }
tec
execute0_lowered:
.L_overlay_start_1:
0x0: {  	(tag) =	ssettag $0x1  }
0x1: {  	s5 =	rddreg [dreg:$0x0]  }
0x2: {  	s12 =	rddreg [dreg:$0x1]  }
0x3: {  	s1 =	rddreg [dreg:$0x2]  }
0x4: {  	s3 =	simm.s32 $0x0;
	s4 =	srdreg.scid;
	s2 =	stileid.u32  }
0x5: {  	s24 =	simm.s32 $0x6800;
	s25 =	simm.s32 $0x1;
	s28 =	simm.s32 $0x2700  }
0x6: {  	s29 =	simm.s32 $0x2780;
	[smem:$0x7FF] =	sst s3;
	s10 =	sand.u32 $0x1, s4  }
0x7: {  	s4 =	sadd.s32 $0x17000, s5;
	s7 =	smul.u32 $0x50000, s2;
	s13 =	sadd.s32 $0xD000, s5  }
0x8: {  	s14 =	smul.u32 $0x14000, s2;
	s18 =	sadd.s32 $0x3F000, s5;
	_ =	strace $0x8000004D  }
0x9: {  	s6 =	ssub.s32 $0x2, s10;
	s26 =	sshll.u32 s10, $0x4;
	s23 =	smul.u32 $0x140000, s10  }
0xa: {  	s8 =	sshrl.u32 s6, $0x1;
	s9 =	sor.u32 s2, s26;
	s30 =	sshrl.u32 s7, $0x2  }
0xb: {  	s15 =	sadd.s32 $0x4000, s14;
	s16 =	sadd.s32 $0x8000, s14;
	s17 =	sadd.s32 $0xC000, s14  }
0xc: {  	s20 =	sadd.s32 $0x10000, s14;
	s26 =	simm.s32 $0x2;
	s19 =	ssub.s32 s6, s8  }
0xd: {  	s5 =	sadd.s32 s30, s1;
	s6 =	sadd.s32 s15, s1;
	s11 =	smul.u32 $0x2800, s9  }
0xe: {  	s7 =	sadd.s32 s16, s1;
	s8 =	sadd.s32 s17, s1;
	s21 =	smul.u32 $0x500, s9  }
0xf: {  	s9 =	sadd.s32 s20, s1;
	s14 =	sadd.s32 s14, s23;
	s15 =	sadd.s32 s23, s15  }
0x10: {  	s16 =	sadd.s32 s23, s16;
	s17 =	sadd.s32 s23, s17;
	s20 =	sadd.s32 s23, s20  }
0x11: {  	s23 =	simm.s32 $0x80;
	s14 =	sshrl.u32 s14, $0x3;
	s15 =	sshrl.u32 s15, $0x3  }
0x12: {  	s16 =	sshrl.u32 s16, $0x3;
	s17 =	sshrl.u32 s17, $0x3;
	s20 =	sshrl.u32 s20, $0x3  }
0x13: {  	s19 =	smax.u32 s19, $0x1;
	s22 =	sshrl.u32 s11, $0x3;
	s10 =	sadd.s32 s12, s21  }
0x14: {  	s11 =	sadd.s32 s13, s21;
	s14 =	sadd.s32 s18, s14;
	s15 =	sadd.s32 s18, s15  }
0x15: {  	s16 =	sadd.s32 s18, s16;
	s17 =	sadd.s32 s18, s17;
	s18 =	sadd.s32 s18, s20  }
0x16: {  	s20 =	simm.s32 $0x2800;
	s21 =	simm.s32 $0x3;
	s31 =	sadd.s32 $0x280, s22  }
0x17: {  	v0 =	vimm.f32 $0.0e+00;
	s22 =	simm.s32 $0x1400;
	s12 =	sadd.s32 s12, s31;
	s13 =	sadd.s32 s13, s31  }
.LBB2_1:
0x18: {  	s30 =	simm.s32 $0x0;
	s31 =	simm.s32 $0x200  }
.LBB2_2:
0x19: {  	p0 =	sne.s32 s31, $0xFE00;
	[tilespmem:s30+$0x6870] =	vst v0  }
0x1a: {  	[tilespmem:s30+$0x2800] =	vst v0  }
0x1b: {  	[tilespmem:s30+$0x2810] =	vst v0  }
0x1c: {  	[tilespmem:s30+$0x2820] =	vst v0  }
0x1d: {  	[tilespmem:s30+$0x2830] =	vst v0  }
0x1e: {  	[tilespmem:s30+$0x2840] =	vst v0  }
0x1f: {  	[tilespmem:s30+$0x2850] =	vst v0  }
0x20: {  	[tilespmem:s30+$0x2860] =	vst v0  }
0x21: {  	[tilespmem:s30+$0x2870] =	vst v0  }
0x22: {  	[tilespmem:s30+$0x6800] =	vst v0  }
0x23: {  	[tilespmem:s30+$0x6810] =	vst v0  }
.Ltmp0:
0x24: {  	[tilespmem:s30+$0x6820] =	vst v0;
	(pc) =	sbr.rel @p0 .LBB2_2-.Ltmp0, $4  }
0x25: {  	[tilespmem:s30+$0x6830] =	vst v0  }
0x26: {  	[tilespmem:s30+$0x6840] =	vst v0  }
0x27: {  	[tilespmem:s30+$0x6850] =	vst v0  }
0x28: {  	[tilespmem:s30+$0x6860] =	vst v0;
	s30 =	sshra.s32 s31, $0x2;
	s31 =	sadd.s32 $0x200, s31  }
0x29: {  	[tilespmem:s30+$0x6870] =	vst v0  }
0x2a: {  	[tilespmem:s30+$0x2800] =	vst v0  }
0x2b: {  	[tilespmem:s30+$0x2810] =	vst v0  }
0x2c: {  	[tilespmem:s30+$0x2820] =	vst v0  }
0x2d: {  	[tilespmem:s30+$0x2830] =	vst v0  }
0x2e: {  	[tilespmem:s30+$0x2840] =	vst v0  }
0x2f: {  	[tilespmem:s30+$0x2850] =	vst v0  }
0x30: {  	[tilespmem:s30+$0x2860] =	vst v0  }
0x31: {  	[tilespmem:s30+$0x2870] =	vst v0  }
0x32: {  	[tilespmem:s30+$0x6800] =	vst v0  }
0x33: {  	[tilespmem:s30+$0x6810] =	vst v0  }
0x34: {  	[tilespmem:s30+$0x6820] =	vst v0  }
0x35: {  	[tilespmem:s30+$0x6830] =	vst v0  }
0x36: {  	[tilespmem:s30+$0x6840] =	vst v0  }
0x37: {  	[tilespmem:s30+$0x6850] =	vst v0  }
0x38: {  	[tilespmem:s30+$0x6860] =	vst v0  }
0x39: {  	[spmem:s5] =	stream.linear.scatter [tilespmem:s20], [sflag:$0x3], $0x4000, $0x38;
	[tilespmem:$0x1E800] =	vst v63  }
0x3a: {  	_ =	swait.ge [sflag:s21], $0x4000  }
0x3b: {  	[sflag:s21] =	ssyncset.done $0x0  }
0x3c: {  	[sflag:s21] =	ssyncadd.s32 $0xFFFFC000  }
0x3d: {  	[spmem:s6] =	stream.linear.scatter [tilespmem:s20], [sflag:$0x3], $0x4000, $0x38;
	[tilespmem:$0x1E800] =	vst v63  }
0x3e: {  	_ =	swait.ge [sflag:s21], $0x4000  }
0x3f: {  	[sflag:s21] =	ssyncset.done $0x0  }
0x40: {  	[sflag:s21] =	ssyncadd.s32 $0xFFFFC000  }
0x41: {  	[spmem:s7] =	stream.linear.scatter [tilespmem:s20], [sflag:$0x3], $0x4000, $0x38;
	[tilespmem:$0x1E800] =	vst v63  }
0x42: {  	_ =	swait.ge [sflag:s21], $0x4000  }
0x43: {  	[sflag:s21] =	ssyncset.done $0x0  }
0x44: {  	[sflag:s21] =	ssyncadd.s32 $0xFFFFC000  }
0x45: {  	[spmem:s8] =	stream.linear.scatter [tilespmem:s20], [sflag:$0x3], $0x4000, $0x38;
	[tilespmem:$0x1E800] =	vst v63  }
0x46: {  	_ =	swait.ge [sflag:s21], $0x4000  }
0x47: {  	[sflag:s21] =	ssyncset.done $0x0  }
0x48: {  	[sflag:s21] =	ssyncadd.s32 $0xFFFFC000  }
0x49: {  	[spmem:s9] =	stream.linear.scatter [tilespmem:s20], [sflag:$0x3], $0x4000, $0x38;
	[tilespmem:$0x1E800] =	vst v63  }
0x4a: {  	_ =	swait.ge [sflag:s21], $0x4000  }
0x4b: {  	[sflag:s21] =	ssyncset.done $0x0  }
0x4c: {  	[sflag:s21] =	ssyncadd.s32 $0xFFFFC000  }
0x4d: {  	s30 =	simm.s32 $0x0;
	[bflag:$0x0] =	sbarrier.arrive $0xFFFF  }
0x4e: {  	[tilespmem:s30], [sflag:$0x3] =	stream.linear.gather [hbm4b:s10+s30], $0x1400, $0x38;
	[tilespmem:$0x1E800] =	vst v63  }
0x4f: {  	_ =	swait.ge [sflag:s21], $0x1400  }
0x50: {  	[sflag:s21] =	ssyncset.done $0x0  }
0x51: {  	[sflag:s21] =	ssyncadd.s32 $0xFFFFEC00  }
0x52: {  	[tilespmem:s22], [sflag:$0x3] =	stream.linear.gather [hbm4b:s11+s30], $0x1400, $0x38;
	[tilespmem:$0x1E800] =	vst v63  }
0x53: {  	_ =	swait.ge [sflag:s21], $0x1400  }
0x54: {  	[sflag:s21] =	ssyncset.done $0x0  }
0x55: {  	[sflag:s21] =	ssyncadd.s32 $0xFFFFEC00  }
0x56: {  	[tilespmem:s20], [sflag:$0x1] =	stream.indirect.gather [hbm4b:s4+s23], $0x80, s30, s23, $0xb8;
	[tilespmem:$0x1E800] =	vst v63  }
0x57: {  	_ = 	snop  }
0x58: {  	[tilespmem:s24], [sflag:$0x1] =	stream.indirect.gather [hbm4b:s4+s23], $0x80, s23, s23, $0xb8;
	[tilespmem:$0x1E800] =	vst v63  }
0x59: {  	_ =	swait.ge [sflag:s25], $0x4000  }
0x5a: {  	[sflag:s25] =	ssyncset.done $0x0  }
0x5b: {  	s30 =	simm.s32 $0x1400;
	[sflag:s25] =	ssyncadd.s32 $0xFFFFC000  }
0x5c: {  	[spmem:s1] =	stream.indirect.scatter.add.f32 [tilespmem:s20], [sflag:$0x2], $0x80, s30, s23, $0xb8;
	[tilespmem:$0x1E800] =	vst v63  }
0x5d: {  	_ =	swait.ge [sflag:s25], $0x4000  }
0x5e: {  	[sflag:s25] =	ssyncset.done $0x0  }
0x5f: {  	s30 =	simm.s32 $0x1480;
	[sflag:s25] =	ssyncadd.s32 $0xFFFFC000  }
0x60: {  	[spmem:s1] =	stream.indirect.scatter.add.f32 [tilespmem:s24], [sflag:$0x2], $0x80, s30, s23, $0xb8;
	[tilespmem:$0x1E800] =	vst v63  }
0x61: {  	_ =	swait.ge [sflag:s26], $0x4000  }
0x62: {  	[sflag:s26] =	ssyncset.done $0x0  }
0x63: {  	s30 =	simm.s32 $0x100;
	[sflag:s26] =	ssyncadd.s32 $0xFFFFC000  }
0x64: {  	[tilespmem:s20], [sflag:$0x1] =	stream.indirect.gather [hbm4b:s4+s23], $0x80, s30, s23, $0xb8;
	[tilespmem:$0x1E800] =	vst v63  }
0x65: {  	_ =	swait.ge [sflag:s26], $0x4000  }
0x66: {  	[sflag:s26] =	ssyncset.done $0x0  }
0x67: {  	s31 =	simm.s32 $0x180;
	s30 =	simm.s32 $0x400;
	[sflag:s26] =	ssyncadd.s32 $0xFFFFC000  }
.LBB2_4:
0x68: {  	[tilespmem:s24], [sflag:$0x1] =	stream.indirect.gather [hbm4b:s4+s23], $0x80, s31, s23, $0xb8;
	[tilespmem:$0x1E800] =	vst v63  }
0x69: {  	s31 =	smov.u32 s30  }
0x6a: {  	p0 =	sne.s32 s30, $0x4800;
	s30 =	sadd.s32 $0x400, s30;
	_ =	swait.ge [sflag:s25], $0x4000  }
0x6b: {  	s31 =	sshra.s32 s31, $0x2;
	[sflag:s25] =	ssyncset.done $0x0  }
0x6c: {  	s0 =	sadd.s32 $0x1400, s31;
	[sflag:s25] =	ssyncadd.s32 $0xFFFFC000  }
0x6d: {  	[spmem:s1] =	stream.indirect.scatter.add.f32 [tilespmem:s20], [sflag:$0x2], $0x80, s0, s23, $0xb8;
	[tilespmem:$0x1E800] =	vst v63  }
0x6e: {  	_ =	swait.ge [sflag:s25], $0x4000  }
0x6f: {  	[sflag:s25] =	ssyncset.done $0x0  }
0x70: {  	s0 =	sadd.s32 $0x1480, s31;
	[sflag:s25] =	ssyncadd.s32 $0xFFFFC000  }
0x71: {  	[spmem:s1] =	stream.indirect.scatter.add.f32 [tilespmem:s24], [sflag:$0x2], $0x80, s0, s23, $0xb8;
	[tilespmem:$0x1E800] =	vst v63  }
0x72: {  	_ =	swait.ge [sflag:s26], $0x4000  }
0x73: {  	[sflag:s26] =	ssyncset.done $0x0  }
.Ltmp1:
0x74: {  	s0 =	sadd.s32 $0x100, s31;
	[sflag:s26] =	ssyncadd.s32 $0xFFFFC000;
	(pc) =	sbr.rel @p0 .LBB2_4-.Ltmp1, $4  }
0x75: {  	[tilespmem:s20], [sflag:$0x1] =	stream.indirect.gather [hbm4b:s4+s23], $0x80, s0, s23, $0xb8;
	[tilespmem:$0x1E800] =	vst v63  }
0x76: {  	_ =	swait.ge [sflag:s26], $0x4000  }
0x77: {  	[sflag:s26] =	ssyncset.done $0x0  }
0x78: {  	s31 =	sadd.s32 $0x180, s31;
	[sflag:s26] =	ssyncadd.s32 $0xFFFFC000  }
0x79: {  	[tilespmem:s24], [sflag:$0x1] =	stream.indirect.gather [hbm4b:s4+s23], $0x80, s31, s23, $0xb8;
	[tilespmem:$0x1E800] =	vst v63  }
0x7a: {  	_ =	swait.ge [sflag:s25], $0x4000  }
0x7b: {  	[sflag:s25] =	ssyncset.done $0x0  }
0x7c: {  	[sflag:s25] =	ssyncadd.s32 $0xFFFFC000  }
0x7d: {  	[spmem:s1] =	stream.indirect.scatter.add.f32 [tilespmem:s20], [sflag:$0x2], $0x80, s28, s23, $0xb8;
	[tilespmem:$0x1E800] =	vst v63  }
0x7e: {  	_ =	swait.ge [sflag:s25], $0x4000  }
0x7f: {  	[sflag:s25] =	ssyncset.done $0x0  }
0x80: {  	[sflag:s25] =	ssyncadd.s32 $0xFFFFC000  }
0x81: {  	[spmem:s1] =	stream.indirect.scatter.add.f32 [tilespmem:s24], [sflag:$0x2], $0x80, s29, s23, $0xb8;
	[tilespmem:$0x1E800] =	vst v63  }
0x82: {  	_ =	swait.ge [sflag:s26], $0x4000  }
0x83: {  	[sflag:s26] =	ssyncset.done $0x0  }
0x84: {  	[sflag:s26] =	ssyncadd.s32 $0xFFFFC000  }
0x85: {  	_ =	swait.ge [sflag:s26], $0x4000  }
0x86: {  	[sflag:s26] =	ssyncset.done $0x0  }
0x87: {  	s0 =	simm.s32 $0x0;
	[sflag:s26] =	ssyncadd.s32 $0xFFFFC000  }
0x88: {  	[tilespmem:s0], [sflag:$0x3] =	stream.linear.gather [hbm4b:s12+s0], $0x1400, $0x38;
	[tilespmem:$0x1E800] =	vst v63  }
0x89: {  	_ =	swait.ge [sflag:s21], $0x1400  }
0x8a: {  	[sflag:s21] =	ssyncset.done $0x0  }
0x8b: {  	[sflag:s21] =	ssyncadd.s32 $0xFFFFEC00  }
0x8c: {  	[tilespmem:s22], [sflag:$0x3] =	stream.linear.gather [hbm4b:s13+s0], $0x1400, $0x38;
	[tilespmem:$0x1E800] =	vst v63  }
0x8d: {  	_ =	swait.ge [sflag:s21], $0x1400  }
0x8e: {  	[sflag:s21] =	ssyncset.done $0x0  }
0x8f: {  	[sflag:s21] =	ssyncadd.s32 $0xFFFFEC00  }
0x90: {  	[tilespmem:s20], [sflag:$0x1] =	stream.indirect.gather [hbm4b:s4+s23], $0x80, s0, s23, $0xb8;
	[tilespmem:$0x1E800] =	vst v63  }
0x91: {  	_ = 	snop  }
0x92: {  	[tilespmem:s24], [sflag:$0x1] =	stream.indirect.gather [hbm4b:s4+s23], $0x80, s23, s23, $0xb8;
	[tilespmem:$0x1E800] =	vst v63  }
0x93: {  	_ =	swait.ge [sflag:s25], $0x4000  }
0x94: {  	[sflag:s25] =	ssyncset.done $0x0  }
0x95: {  	s0 =	simm.s32 $0x1400;
	[sflag:s25] =	ssyncadd.s32 $0xFFFFC000  }
0x96: {  	[spmem:s1] =	stream.indirect.scatter.add.f32 [tilespmem:s20], [sflag:$0x2], $0x80, s0, s23, $0xb8;
	[tilespmem:$0x1E800] =	vst v63  }
0x97: {  	_ =	swait.ge [sflag:s25], $0x4000  }
0x98: {  	[sflag:s25] =	ssyncset.done $0x0  }
0x99: {  	s0 =	simm.s32 $0x1480;
	[sflag:s25] =	ssyncadd.s32 $0xFFFFC000  }
0x9a: {  	[spmem:s1] =	stream.indirect.scatter.add.f32 [tilespmem:s24], [sflag:$0x2], $0x80, s0, s23, $0xb8;
	[tilespmem:$0x1E800] =	vst v63  }
0x9b: {  	_ =	swait.ge [sflag:s26], $0x4000  }
0x9c: {  	[sflag:s26] =	ssyncset.done $0x0  }
0x9d: {  	s0 =	simm.s32 $0x100;
	[sflag:s26] =	ssyncadd.s32 $0xFFFFC000  }
0x9e: {  	[tilespmem:s20], [sflag:$0x1] =	stream.indirect.gather [hbm4b:s4+s23], $0x80, s0, s23, $0xb8;
	[tilespmem:$0x1E800] =	vst v63  }
0x9f: {  	_ =	swait.ge [sflag:s26], $0x4000  }
0xa0: {  	[sflag:s26] =	ssyncset.done $0x0  }
0xa1: {  	s30 =	simm.s32 $0x400;
	s31 =	simm.s32 $0x180;
	[sflag:s26] =	ssyncadd.s32 $0xFFFFC000  }
.LBB2_6:
0xa2: {  	[tilespmem:s24], [sflag:$0x1] =	stream.indirect.gather [hbm4b:s4+s23], $0x80, s31, s23, $0xb8;
	[tilespmem:$0x1E800] =	vst v63  }
0xa3: {  	s0 =	smov.u32 s30  }
0xa4: {  	p0 =	sne.s32 s30, $0x4800;
	s30 =	sadd.s32 $0x400, s30;
	_ =	swait.ge [sflag:s25], $0x4000  }
0xa5: {  	s0 =	sshra.s32 s0, $0x2;
	[sflag:s25] =	ssyncset.done $0x0  }
0xa6: {  	s31 =	sadd.s32 $0x1400, s0;
	[sflag:s25] =	ssyncadd.s32 $0xFFFFC000  }
0xa7: {  	[spmem:s1] =	stream.indirect.scatter.add.f32 [tilespmem:s20], [sflag:$0x2], $0x80, s31, s23, $0xb8;
	[tilespmem:$0x1E800] =	vst v63  }
0xa8: {  	_ =	swait.ge [sflag:s25], $0x4000  }
0xa9: {  	[sflag:s25] =	ssyncset.done $0x0  }
0xaa: {  	s31 =	sadd.s32 $0x1480, s0;
	[sflag:s25] =	ssyncadd.s32 $0xFFFFC000  }
0xab: {  	[spmem:s1] =	stream.indirect.scatter.add.f32 [tilespmem:s24], [sflag:$0x2], $0x80, s31, s23, $0xb8;
	[tilespmem:$0x1E800] =	vst v63  }
0xac: {  	_ =	swait.ge [sflag:s26], $0x4000  }
0xad: {  	[sflag:s26] =	ssyncset.done $0x0  }
.Ltmp2:
0xae: {  	s31 =	sadd.s32 $0x100, s0;
	[sflag:s26] =	ssyncadd.s32 $0xFFFFC000;
	(pc) =	sbr.rel @p0 .LBB2_6-.Ltmp2, $4  }
0xaf: {  	[tilespmem:s20], [sflag:$0x1] =	stream.indirect.gather [hbm4b:s4+s23], $0x80, s31, s23, $0xb8;
	[tilespmem:$0x1E800] =	vst v63  }
0xb0: {  	_ =	swait.ge [sflag:s26], $0x4000  }
0xb1: {  	[sflag:s26] =	ssyncset.done $0x0  }
0xb2: {  	s31 =	sadd.s32 $0x180, s0;
	[sflag:s26] =	ssyncadd.s32 $0xFFFFC000  }
0xb3: {  	[tilespmem:s24], [sflag:$0x1] =	stream.indirect.gather [hbm4b:s4+s23], $0x80, s31, s23, $0xb8;
	[tilespmem:$0x1E800] =	vst v63  }
0xb4: {  	_ =	swait.ge [sflag:s25], $0x4000  }
0xb5: {  	[sflag:s25] =	ssyncset.done $0x0  }
0xb6: {  	[sflag:s25] =	ssyncadd.s32 $0xFFFFC000  }
0xb7: {  	[spmem:s1] =	stream.indirect.scatter.add.f32 [tilespmem:s20], [sflag:$0x2], $0x80, s28, s23, $0xb8;
	[tilespmem:$0x1E800] =	vst v63  }
0xb8: {  	_ =	swait.ge [sflag:s25], $0x4000  }
0xb9: {  	[sflag:s25] =	ssyncset.done $0x0  }
0xba: {  	[sflag:s25] =	ssyncadd.s32 $0xFFFFC000  }
0xbb: {  	[spmem:s1] =	stream.indirect.scatter.add.f32 [tilespmem:s24], [sflag:$0x2], $0x80, s29, s23, $0xb8;
	[tilespmem:$0x1E800] =	vst v63  }
0xbc: {  	_ =	swait.ge [sflag:s26], $0x4000  }
0xbd: {  	[sflag:s26] =	ssyncset.done $0x0  }
0xbe: {  	[sflag:s26] =	ssyncadd.s32 $0xFFFFC000  }
0xbf: {  	_ =	swait.ge [sflag:s26], $0x4000  }
0xc0: {  	[sflag:s26] =	ssyncset.done $0x0  }
0xc1: {  	s0 =	sshll.u32 s2, $0x6;
	[sflag:s26] =	ssyncadd.s32 $0xFFFFC000  }
0xc2: {  	s30 =	sshrl.u32 s5, $0x3;
	s0 =	sor.u32 $0x1C03, s0;
	[bflag:$0x0] =	sbarrier.arrive $0xFFFF  }
0xc3: {  	[hbm:s14], [sflag:s0] =	dma.local [spmem:s30], $0x800  }
0xc4: {  	_ =	swait.ge [sflag:s21], $0x800  }
0xc5: {  	[sflag:s21] =	ssyncset.done $0x0  }
0xc6: {  	s31 =	sshrl.u32 s6, $0x3;
	[sflag:s21] =	ssyncadd.s32 $0xFFFFF800  }
0xc7: {  	[hbm:s15], [sflag:s0] =	dma.local [spmem:s31], $0x800  }
0xc8: {  	_ =	swait.ge [sflag:s21], $0x800  }
0xc9: {  	[sflag:s21] =	ssyncset.done $0x0  }
0xca: {  	s31 =	sshrl.u32 s7, $0x3;
	[sflag:s21] =	ssyncadd.s32 $0xFFFFF800  }
0xcb: {  	[hbm:s16], [sflag:s0] =	dma.local [spmem:s31], $0x800  }
0xcc: {  	_ =	swait.ge [sflag:s21], $0x800  }
0xcd: {  	[sflag:s21] =	ssyncset.done $0x0  }
0xce: {  	s31 =	sshrl.u32 s8, $0x3;
	[sflag:s21] =	ssyncadd.s32 $0xFFFFF800  }
0xcf: {  	[hbm:s17], [sflag:s0] =	dma.local [spmem:s31], $0x800  }
0xd0: {  	s3 =	sadd.s32 $0x1, s3;
	_ =	swait.ge [sflag:s21], $0x800  }
0xd1: {  	p0 =	sne.s32 s3, s19;
	[sflag:s21] =	ssyncset.done $0x0  }
.Ltmp3:
0xd2: {  	s31 =	sshrl.u32 s9, $0x3;
	[sflag:s21] =	ssyncadd.s32 $0xFFFFF800;
	(pc) =	sbr.rel @p0 .LBB2_1-.Ltmp3, $4  }
0xd3: {  	[hbm:s18], [sflag:s0] =	dma.local [spmem:s31], $0x800  }
0xd4: {  	_ =	swait.ge [sflag:s21], $0x800  }
0xd5: {  	[sflag:s21] =	ssyncset.done $0x0  }
0xd6: {  	[sflag:s21] =	ssyncadd.s32 $0xFFFFF800  }
0xd7: {  	_ =	sfence.sel $0x180000  }
0xd8: {  	[bflag:$0x0] =	sbarrier.arrive $0xFFFF  }
0xd9: {  	_ =	strace $0x9000004D  }
0xda: {  	[bflag:$0x2] =	sbarrier.arrive $0xFFFF  }
0xdb: {  	p0 =	sne.s32 s2, $0x0;
	s0 =	rddreg [dreg:$0x3]  }
0xdc: {  	s0 =	sadd.s32 @!p0 $0x100000, s0  }
0xdd: {  	[sflag:s0] =	ssyncadd.tile.s32 @!p0 $0x1;
	_ =	shalt  }
.Lfunc_end2:
_tile_overlayer_lowered:
.L_overlay_start_2:
0xde: {  	(tag) =	ssettag $0x2  }
0xdf: {  	s0 =	rddreg [dreg:$0x0];
	s2 =	stileid.u32  }
0xe0: {  	s1 =	rddreg [dreg:$0x1];
	p0 =	sne.s32 s2, $0x0  }
0xe1: {  	s3 =	rddreg [dreg:$0x2];
	[bflag:$0x3] =	sbarrier.arrive $0xFFFF;
	s2 =	simm.s32 @!p0 $0x1C03  }
0xe2: {  	[timem:s3], [sflag:s2] =	dma.local @!p0 [hbm:s0], s1  }
0xe3: {  	s0 =	simm.s32 @!p0 $0x3  }
0xe4: {  	_ =	swait.ge @!p0 [sflag:s0], s1  }
0xe5: {  	s1 =	ssub.s32 @!p0 $0x0, s1;
	[sflag:s0] =	ssyncset.done @!p0 $0x0  }
0xe6: {  	[sflag:s0] =	ssyncadd.s32 @!p0 s1  }
0xe7: {  	[bflag:$0x3] =	sbarrier.arrive $0xFFFF  }
0xe8: {  	_ =	shalt  }

// kernel: kernel.9.cloned.1.call-start
scs
__scs_entry_jumppad:
0x0: {  	(pc) =	sbr.rel $0x88, $3  }
0x1: {  	(tag) =	ssettag $0x0;
	lr =	simm.s32 $0x1  }
0x2: {  	[smem:$0x3F9B] =	sst lr;
	_ =	strace $0xD0000000  }
0x3: {  	_ = 	snop  }
0x4: {  	_ = 	snop  }
0x5: {  	_ = 	snop  }
0x6: {  	_ = 	snop  }
0x7: {  	_ = 	snop  }
__scs_overlays_trampoline_lowered:
0x8: {  	[smem:$0x3FAA] =	sst s0  }
0x9: {  	[smem:$0x3FAB] =	sst s1  }
0xa: {  	[smem:$0x3FAC] =	sst s2  }
0xb: {  	[smem:$0x3FAD] =	sst s3  }
0xc: {  	[smem:$0x3FAE] =	sst s4  }
0xd: {  	[smem:$0x3FAF] =	sst s5  }
0xe: {  	[smem:$0x3FB0] =	sst s6  }
0xf: {  	[smem:$0x3FB1] =	sst s7  }
0x10: {  	[smem:$0x3FB2] =	sst s8  }
0x11: {  	[smem:$0x3FB3] =	sst s9;
	s0 =	simm.s32 @!p0 $0x0  }
0x12: {  	s1 =	sld [smem:$0x3F99];
	s0 =	simm.s32 @p0 $0x1  }
0x13: {  	[smem:$0x3FB4] =	sst s0;
	s0 =	simm.s32 @!p1 $0x0  }
0x14: {  	s2 =	sld [smem:$0x3F98];
	s0 =	simm.s32 @p1 $0x1  }
0x15: {  	[smem:$0x3FB5] =	sst s0;
	s0 =	simm.s32 @!p2 $0x0  }
0x16: {  	s3 =	sld [smem:$0x3FDB];
	s0 =	simm.s32 @p2 $0x1  }
0x17: {  	s4 =	simm.s32 $0x1BF5;
	[smem:$0x3FB7] =	sst s0  }
0x18: {  	s0 =	sld [smem:$0x3F9A];
	_ =	swait.ge [sflag:s4], $0x0  }
0x19: {  	s7 =	sld [smem:$0x3F9B]  }
0x1a: {  	s8 =	sadd.s32 $0xFFFFE003, lr  }
0x1b: {  	s9 =	sadd.s32 $0xFFFFFEF7, lr;
	s5 =	simm.s32 $0xFFFFFFFF;
	p2 =	slt.u32 s8, $0xFFFFF086  }
0x1c: {  	p1 =	slt.u32 s9, $0xF7A;
	s5 =	simm.s32 @!p2 $0x0  }
0x1d: {  	s5 =	simm.s32 @p1 $0x1;
	p0 =	seq.s32 s7, s2  }
0x1e: {  	s7 =	smul.u32 @!p0 $0xF7A, s2;
	p2 =	seq.s32 @!p0 s5, $0x0  }
0x1f: {  	s9 =	smul.u32 $0xF7A, s1;
	s8 =	simm.s32 @!p0 $0x1BF5;
	p2 =	por !p2, p0  }
0x20: {  	[sflag:s8] =	ssyncset.s32 @!p0 $0xFFFFF086;
	s6 =	sadd.s32 @!p0 s3, s7;
	s7 =	simm.s32 @!p0 $0x108  }
0x21: {  	s3 =	sadd.s32 s3, s9;
	s6 =	sadd.s32 @!p0 $0x88, s6;
	s7 =	simm.s32 @p2 $0x1082  }
0x22: {  	[simem:s7], [sflag:s8] =	dma.local @!p0 [hbm:s6], $0xF7A  }
0x23: {  	s9 =	sor.u32 $0xD0000000, s2;
	s6 =	simm.s32 $0x108;
	_ =	swait.ge @!p0 [sflag:s8], $0x0  }
0x24: {  	s3 =	sadd.s32 $0x88, s3;
	s6 =	simm.s32 @!p1 $0x1082;
	[sflag:s4] =	ssyncset.s32 $0xFFFFF086  }
0x25: {  	[simem:s6], [sflag:s4] =	dma.local [hbm:s3], $0xF7A  }
0x26: {  	[smem:$0x3F9B] =	sst s1;
	(tag) =	ssettag s2;
	_ =	strace s9  }
0x27: {  	s1 =	sld [smem:$0x3FAB]  }
0x28: {  	s2 =	sld [smem:$0x3FAC]  }
0x29: {  	s4 =	sld [smem:$0x3FAE]  }
0x2a: {  	p0 =	seq.s32 s5, $0x0;
	s5 =	sld [smem:$0x3FAF]  }
0x2b: {  	s6 =	sld [smem:$0x3FB0]  }
0x2c: {  	s7 =	sld [smem:$0x3FB1]  }
0x2d: {  	s3 =	simm.s32 $0x108;
	s8 =	sld [smem:$0x3FB2]  }
0x2e: {  	s3 =	simm.s32 @!p0 $0x1082;
	s9 =	sld [smem:$0x3FB3]  }
0x2f: {  	lr =	sadd.s32 s0, s3;
	s0 =	sld [smem:$0x3FAA]  }
0x30: {  	s3 =	sld [smem:$0x3FAD]  }
0x31: {  	[smem:$0x3FB6] =	sst s10  }
0x32: {  	s10 =	sld [smem:$0x3FB4];
	_ =	sdelay $0x3  }
0x33: {  	p0 =	seq.s32 s10, $0x1;
	s10 =	sld [smem:$0x3FB6];
	_ =	sdelay $0x3  }
0x34: {  	[smem:$0x3FB6] =	sst s10  }
0x35: {  	s10 =	sld [smem:$0x3FB5];
	_ =	sdelay $0x3  }
0x36: {  	p1 =	seq.s32 s10, $0x1;
	s10 =	sld [smem:$0x3FB6];
	_ =	sdelay $0x3  }
0x37: {  	[smem:$0x3FB6] =	sst s10  }
0x38: {  	s10 =	sld [smem:$0x3FB7]  }
0x39: {  	_ = 	snop;
	(pc) =	sbr.ind lr, $3  }
0x3a: {  	_ = 	snop  }
0x3b: {  	_ = 	snop  }
0x3c: {  	p2 =	seq.s32 s10, $0x1;
	s10 =	sld [smem:$0x3FB6]  }
0x3d: {  	_ =	shalt  }
0x3e: {  	_ =	shalt  }
0x3f: {  	_ =	shalt  }
0x40: {  	_ =	shalt  }
0x41: {  	_ =	shalt  }
0x42: {  	_ =	shalt  }
0x43: {  	_ =	shalt  }
0x44: {  	_ =	shalt  }
0x45: {  	_ =	shalt  }
0x46: {  	_ =	shalt  }
0x47: {  	_ =	shalt  }
0x48: {  	_ =	shalt  }
0x49: {  	_ =	shalt  }
0x4a: {  	_ =	shalt  }
0x4b: {  	_ =	shalt  }
0x4c: {  	_ =	shalt  }
0x4d: {  	_ =	shalt  }
0x4e: {  	_ =	shalt  }
0x4f: {  	_ =	shalt  }
0x50: {  	_ =	shalt  }
0x51: {  	_ =	shalt  }
0x52: {  	_ =	shalt  }
0x53: {  	_ =	shalt  }
0x54: {  	_ =	shalt  }
0x55: {  	_ =	shalt  }
0x56: {  	_ =	shalt  }
0x57: {  	_ =	shalt  }
0x58: {  	_ =	shalt  }
0x59: {  	_ =	shalt  }
0x5a: {  	_ =	shalt  }
0x5b: {  	_ =	shalt  }
0x5c: {  	_ =	shalt  }
0x5d: {  	_ =	shalt  }
0x5e: {  	_ =	shalt  }
0x5f: {  	_ =	shalt  }
0x60: {  	_ =	shalt  }
0x61: {  	_ =	shalt  }
0x62: {  	_ =	shalt  }
0x63: {  	_ =	shalt  }
0x64: {  	_ =	shalt  }
0x65: {  	_ =	shalt  }
0x66: {  	_ =	shalt  }
0x67: {  	_ =	shalt  }
0x68: {  	_ =	shalt  }
0x69: {  	_ =	shalt  }
0x6a: {  	_ =	shalt  }
0x6b: {  	_ =	shalt  }
0x6c: {  	_ =	shalt  }
0x6d: {  	_ =	shalt  }
0x6e: {  	_ =	shalt  }
0x6f: {  	_ =	shalt  }
0x70: {  	_ =	shalt  }
0x71: {  	_ =	shalt  }
0x72: {  	_ =	shalt  }
0x73: {  	_ =	shalt  }
0x74: {  	_ =	shalt  }
0x75: {  	_ =	shalt  }
0x76: {  	_ =	shalt  }
0x77: {  	_ =	shalt  }
0x78: {  	_ =	shalt  }
0x79: {  	_ =	shalt  }
0x7a: {  	_ =	shalt  }
0x7b: {  	_ =	shalt  }
0x7c: {  	_ =	shalt  }
0x7d: {  	_ =	shalt  }
0x7e: {  	_ =	shalt  }
0x7f: {  	_ =	shalt  }
0x80: {  	_ =	shalt  }
0x81: {  	_ =	shalt  }
0x82: {  	_ =	shalt  }
0x83: {  	_ =	shalt  }
0x84: {  	_ =	shalt  }
0x85: {  	_ =	shalt  }
0x86: {  	_ =	shalt  }
0x87: {  	_ =	shalt  }
.Lfunc_end0:
.L_simem_size_0:
called_computation_lowered:
.L_overlay_start_0:
0x88: {  	s2 =	sld [smem:$0x3FD9]  }
0x89: {  	s3 =	sld [smem:$0x3FFE];
	_ =	sdelay $0x1  }
0x8a: {  	s1 =	srdreg.scid  }
0x8b: {  	s0 =	sand.u32 $0x1, s1  }
0x8c: {  	s16 =	sshll.u32 s0, $0xA;
	s2 =	sadd.s32 s3, s2  }
0x8d: {  	s2 =	sadd.s32 s2, s16  }
0x8e: {  	[smem:$0x3FC2] =	sst s2  }
0x8f: {  	_ = 	snop  }
0x90: {  	(tm) =	ssettm $0x1  }
0x91: {  	s17 =	sld [smem:$0x3FFB];
	_ =	sdelay $0x3  }
0x92: {  	_ =	strace s17  }
0x93: {  	s2 =	sld [smem:$0x3FFC];
	_ =	sdelay $0x3  }
0x94: {  	_ =	strace s2  }
0x95: {  	s2 =	sld [smem:$0x3FFD];
	_ =	sdelay $0x3  }
0x96: {  	_ =	strace s2  }
0x97: {  	_ =	strace $0x8FFFFFFF  }
0x98: {  	s18 =	sld [smem:$0x3FDB];
	_ =	sdelay $0x1  }
0x99: {  	s19 =	simm.s32 $_scs_section_size  }
0x9a: {  	s4 =	simm.s32 $_size__tile_overlayer_lowered;
	s5 =	simm.s32 $_tile_overlayer_lowered  }
0x9b: {  	s22 =	simm.s32 $0x1BFF;
	s21 =	sshll.u32 s5, $0x1;
	s2 =	sadd.s32 s19, s18  }
0x9c: {  	s6 =	simm.s32 $0x0;
	s20 =	sshll.u32 s4, $0x1;
	s4 =	sadd.s32 s21, s2  }
0x9d: {  	[timem:s6], [sflag:s22] =	dma.local [hbm:s4], s20  }
0x9e: {  	_ =	swait.ge [sflag:s22], s20  }
0x9f: {  	s3 =	ssub.s32 $0x0, s20;
	[sflag:s22] =	ssyncset.done $0x0  }
0xa0: {  	[sflag:s22] =	ssyncadd.s32 s3;
	_ =	sdelay $0x1  }
0xa1: {  	s23 =	simm.s32 $0x1B8B  }
0xa2: {  	_ =	swait.ge [sflag:s23], $0x1  }
0xa3: {  	[sflag:s23] =	ssyncset.done $0x0  }
0xa4: {  	s25 =	simm.s32 $0x1B8E;
	s24 =	sld [smem:$0x3FFE];
	[sflag:s23] =	ssyncadd.s32 $0xFFFFFFFF  }
0xa5: {  	s26 =	simm.s32 $execute0_lowered;
	[smem:$0x3FD2] =	sst s25  }
0xa6: {  	s4 =	sshll.u32 s26, $0x1;
	_ =	strace $0x80000046;
	[dreg:$0x1] =	wrdreg $0xFFFFFFFF  }
0xa7: {  	s28 =	simm.s32 $_size_execute0_lowered;
	s2 =	sadd.s32 s2, s4;
	[dreg:$0x0] =	wrdreg $0x0  }
0xa8: {  	s4 =	sshll.u32 s28, $0x1;
	[dreg:$0x2] =	wrdreg s2  }
0xa9: {  	[dreg:$0x3] =	wrdreg s4  }
0xaa: {  	[dreg:$0x4] =	wrdreg $0xC0  }
0xab: {  	_ =	task [dreg:s6], $0x5FFFF  }
0xac: {  	[dreg:$0x1] =	wrdreg $0xFFFFFFFF  }
0xad: {  	[dreg:$0x0] =	wrdreg $0x60  }
0xae: {  	[dreg:$0x2] =	wrdreg s24  }
0xaf: {  	[dreg:$0x3] =	wrdreg $0x7A000  }
0xb0: {  	[dreg:$0x4] =	wrdreg $0x9  }
0xb1: {  	_ =	task.clear_ibuf [dreg:s6], $0x5FFFF;
	_ =	strace $0x90000046  }
0xb2: {  	s29 =	simm.s32 $0x9;
	_ =	strace $0x80000048  }
0xb3: {  	_ =	swait.ge [sflag:s29], $0x1  }
0xb4: {  	[sflag:s29] =	ssyncadd.s32 $0xFFFFFFFF  }
0xb5: {  	_ =	strace $0x90000048  }
0xb6: {  	_ =	sfence  }
0xb7: {  	s30 =	sld [smem:$0x0];
	_ =	sdelay $0x2  }
0xb8: {  	s31 =	sshll.u32 s1, $0xD;
	s1 =	sshrl.u32 s1, $0x2  }
0xb9: {  	s3 =	sand.u32 $0x4000, s31;
	s1 =	sadd.s32 s1, s30  }
0xba: {  	s0 =	sor.u32 s3, s0;
	s1 =	sshll.u32 s1, $0x11  }
0xbb: {  	s0 =	sor.u32 s1, s0  }
0xbc: {  	s0 =	sadd.s32 $0x8F2B, s0  }
0xbd: {  	[sflag:s0] =	ssyncadd.remote.s32 $0x1  }
0xbe: {  	_ =	sfence.sel $0xFFFF  }
0xbf: {  	[dreg:$0x0] =	wrdreg $0xFFFFFFFF;
	(pc) =	sbr.abs _section_cstart, $3  }
0xc0: {  	[dreg:$0x1] =	wrdreg $0xFFFFFFFF  }
0xc1: {  	_ =	task.clear_ibuf [dreg:s6], $0x2FFFF;
	_ =	strace $0x9FFFFFFF  }
0xc2: {  	(tm) =	ssettm $0x7FFFFFFF  }
0xc3: {  	_ =	shalt  }
tec
execute0_lowered:
.L_overlay_start_1:
0x0: {  	(tag) =	ssettag $0x1  }
0x1: {  	s0 =	srdreg.scid;
	s4 =	rddreg [dreg:$0x0]  }
0x2: {  	s5 =	rddreg [dreg:$0x1];
	s2 =	simm.s32 $0x0;
	s11 =	simm.s32 $0x400  }
0x3: {  	s12 =	simm.s32 $0x1400;
	s13 =	simm.s32 $0x14000;
	s14 =	simm.s32 $0x4F80  }
0x4: {  	s15 =	simm.s32 $0x100;
	s16 =	simm.s32 $0x7780;
	s17 =	simm.s32 $0x0  }
0x5: {  	s3 =	sand.u32 $0x1, s0;
	s0 =	stileid.u32;
	[smem:$0x7FF] =	sst s2  }
0x6: {  	s1 =	sshll.u32 s3, $0x4;
	s7 =	smul.u32 $0x500, s0;
	s8 =	sshll.u32 s3, $0x7  }
0x7: {  	s26 =	sshrl.u32 s0, $0x3;
	s3 =	ssub.s32 $0x2, s3;
	s9 =	smul.u32 $0x5000, s0  }
0x8: {  	s29 =	sshll.u32 s0, $0x7;
	s6 =	sor.u32 s0, s1;
	s1 =	rddreg [dreg:$0x2]  }
0x9: {  	_ =	strace $0x80000047;
	s28 =	sshrl.u32 s3, $0x1;
	s6 =	smul.u32 $0x4E2, s6  }
0xa: {  	s31 =	sand.u32 $0x380, s29;
	s7 =	sor.u32 s8, s7;
	s8 =	smul.u32 $0x50000, s26  }
0xb: {  	s10 =	ssub.s32 s3, s28;
	s9 =	sshrl.u32 s9, $0x2;
	s7 =	sshrl.u32 s7, $0x3  }
0xc: {  	s6 =	sadd.s32 s6, s4;
	s7 =	sadd.s32 s7, s4;
	s30 =	sshrl.u32 s8, $0x2  }
0xd: {  	s8 =	simm.s32 $0x2800;
	s4 =	sadd.s32 s30, s5;
	s3 =	sadd.s32 $0x2800, s6  }
0xe: {  	s5 =	sadd.s32 s9, s5;
	s6 =	sadd.s32 $0xC600, s7;
	s7 =	smax.u32 s10, $0x1  }
0xf: {  	v0 =	vimm.f32 $0.0e+00;
	v1 =	vimm.f32 $1.000000000e+00;
	s9 =	simm.s32 $0x1;
	s10 =	simm.s32 $0x80;
	s4 =	sadd.s32 s31, s4  }
.LBB2_1:
0x10: {  	s18 =	simm.s32 $0x40;
	s19 =	simm.s32 $0x0  }
.LBB2_2:
0x11: {  	p0 =	sne.s32 s18, $0x9FC0;
	[tilespmem:s19+$0x0] =	vst v0;
	s19 =	smov.u32 s18;
	s18 =	sadd.s32 $0x40, s18  }
.Ltmp0:
0x12: {  	(pc) =	sbr.rel @p0 .LBB2_2-.Ltmp0, $2  }
0x13: {  	_ =	sdelay $0x2  }
0x14: {  	s19 =	sshra.s32 s19, $0x2  }
0x15: {  	[tilespmem:s19+$0x0] =	vst v0;
	s18 =	simm.s32 $0x0  }
0x16: {  	[tilespmem:s8], [sflag:$0x1] =	stream.linear.gather [hbm4b:s3+s18], $0x2710, $0x38;
	[tilespmem:$0xA200] =	vst v63  }
0x17: {  	_ =	swait.ge [sflag:s9], $0x2710  }
0x18: {  	[sflag:s9] =	ssyncset.done $0x0  }
0x19: {  	s19 =	simm.s32 $0x0;
	s18 =	simm.s32 $0x40;
	[sflag:s9] =	ssyncadd.s32 $0xFFFFD8F0  }
.LBB2_4:
0x1a: {  	p0 =	sne.s32 s18, $0x9C00;
	v2 =	vld [tilespmem:s19+$0x2800];
	_ =	sdelay $0x3  }
.Ltmp1:
0x1b: {  	(pc) =	sbr.rel @p0 .LBB2_4-.Ltmp1, $2  }
0x1c: {  	_ =	sdelay $0x2  }
0x1d: {  	s19 =	sshra.s32 s18, $0x2;
	s18 =	sadd.s32 $0x40, s18;
	[tilespmem:v2+s2+$0x0] =	vst.idx.add.f32.msk $0xffff, v1  }
0x1e: {  	v2 =	vld [tilespmem:s19+$0x2800];
	_ =	sdelay $0x7  }
0x1f: {  	s18 =	simm.s32 $0x0;
	[tilespmem:v2+s2+$0x0] =	vst.idx.add.f32.msk $0xffff, v1  }
0x20: {  	[spmem:s4] =	stream.strided.scatter [tilespmem:s18], [sflag:$0x1], $0x2800, s11, s10, $0x38;
	[tilespmem:$0xA200] =	vst v63  }
0x21: {  	_ =	swait.ge [sflag:s9], $0x2800  }
0x22: {  	[sflag:s9] =	ssyncset.done $0x0  }
0x23: {  	[sflag:s9] =	ssyncadd.s32 $0xFFFFD800  }
0x24: {  	[bflag:$0x0] =	sbarrier.arrive $0xFFFF  }
0x25: {  	[tilespmem:s14], [sflag:$0x1] =	stream.strided.gather [spmem:s5], $0x2800, s13, s12, $0x38;
	[tilespmem:$0xA200] =	vst v63  }
0x26: {  	_ =	swait.ge [sflag:s9], $0x2800  }
0x27: {  	s30 =	sand.u32 $0x70, s18;
	s18 =	sand.u32 $0x1C00, s18;
	[sflag:s9] =	ssyncset.done $0x0  }
0x28: {  	s18 =	sor.u32 s30, s18;
	[sflag:s9] =	ssyncadd.s32 $0xFFFFD800  }
0x29: {  	v2 =	vld [tilespmem:s18+$0x5000]  }
0x2a: {  	v3 =	vld [tilespmem:s18+$0x4F80];
	_ =	sdelay $0x1  }
0x2b: {  	v4 =	vld [tilespmem:s18+$0x5080];
	_ =	sdelay $0x1  }
0x2c: {  	v5 =	vld [tilespmem:s18+$0x5100]  }
0x2d: {  	v2 =	vadd.f32 v2, v3  }
0x2e: {  	v3 =	vld [tilespmem:s18+$0x5180]  }
0x2f: {  	v2 =	vadd.f32 v4, v2  }
0x30: {  	v56 =	vld [tilespmem:s18+$0x5200]  }
0x31: {  	v2 =	vadd.f32 v5, v2  }
0x32: {  	v57 =	vld [tilespmem:s18+$0x5280]  }
0x33: {  	v2 =	vadd.f32 v3, v2  }
0x34: {  	v3 =	vld [tilespmem:s18+$0x5300]  }
0x35: {  	v2 =	vadd.f32 v56, v2  }
0x36: {  	v58 =	vld [tilespmem:s18+$0x6380]  }
0x37: {  	v2 =	vadd.f32 v57, v2  }
0x38: {  	v59 =	vld [tilespmem:s18+$0x6400]  }
0x39: {  	v2 =	vadd.f32 v3, v2  }
0x3a: {  	v3 =	vld [tilespmem:s18+$0x6480]  }
0x3b: {  	v2 =	vadd.f32 v58, v2  }
0x3c: {  	v60 =	vld [tilespmem:s18+$0x6500]  }
0x3d: {  	v2 =	vadd.f32 v59, v2  }
0x3e: {  	v61 =	vld [tilespmem:s18+$0x6580]  }
0x3f: {  	v2 =	vadd.f32 v3, v2  }
0x40: {  	v3 =	vld [tilespmem:s18+$0x6600]  }
0x41: {  	v2 =	vadd.f32 v60, v2  }
0x42: {  	v62 =	vld [tilespmem:s18+$0x6680]  }
0x43: {  	v2 =	vadd.f32 v61, v2  }
0x44: {  	v63 =	vld [tilespmem:s18+$0x6700]  }
0x45: {  	v2 =	vadd.f32 v3, v2;
	_ =	sdelay $0x1  }
0x46: {  	v2 =	vadd.f32 v62, v2;
	_ =	sdelay $0x1  }
0x47: {  	s31 =	simm.s32 $0x10;
	s20 =	simm.s32 $0x80;
	v2 =	vadd.f32 v63, v2  }
0x48: {  	s19 =	sand.u32 $0x70, s31;
	s21 =	sand.u32 $0x1C00, s20;
	s18 =	simm.s32 $0x7780  }
0x49: {  	s19 =	sor.u32 s19, s21;
	s21 =	simm.s32 $0x20;
	[tilespmem:s18+$0x0] =	vst v2  }
.LBB2_6:
0x4a: {  	p0 =	sne.s32 s21, $0x270;
	v2 =	vld [tilespmem:s19+$0x5000]  }
0x4b: {  	v3 =	vld [tilespmem:s19+$0x4F80];
	_ =	sdelay $0x1  }
0x4c: {  	v4 =	vld [tilespmem:s19+$0x5080];
	_ =	sdelay $0x1  }
0x4d: {  	v5 =	vld [tilespmem:s19+$0x5100]  }
0x4e: {  	v2 =	vadd.f32 v2, v3  }
0x4f: {  	v3 =	vld [tilespmem:s19+$0x5180]  }
0x50: {  	v2 =	vadd.f32 v4, v2  }
0x51: {  	v4 =	vld [tilespmem:s19+$0x5200]  }
0x52: {  	v2 =	vadd.f32 v5, v2  }
0x53: {  	v5 =	vld [tilespmem:s19+$0x5280]  }
0x54: {  	v2 =	vadd.f32 v3, v2  }
0x55: {  	v3 =	vld [tilespmem:s19+$0x5300]  }
0x56: {  	v2 =	vadd.f32 v4, v2  }
0x57: {  	v4 =	vld [tilespmem:s19+$0x6380]  }
0x58: {  	v2 =	vadd.f32 v5, v2  }
0x59: {  	v5 =	vld [tilespmem:s19+$0x6400]  }
0x5a: {  	v2 =	vadd.f32 v3, v2  }
0x5b: {  	v3 =	vld [tilespmem:s19+$0x6480]  }
0x5c: {  	v2 =	vadd.f32 v4, v2  }
0x5d: {  	v4 =	vld [tilespmem:s19+$0x6500]  }
0x5e: {  	v2 =	vadd.f32 v5, v2  }
0x5f: {  	v5 =	vld [tilespmem:s19+$0x6580]  }
0x60: {  	v2 =	vadd.f32 v3, v2  }
0x61: {  	v3 =	vld [tilespmem:s19+$0x6600]  }
0x62: {  	v2 =	vadd.f32 v4, v2  }
0x63: {  	v4 =	vld [tilespmem:s19+$0x6680]  }
0x64: {  	v2 =	vadd.f32 v5, v2  }
0x65: {  	v5 =	vld [tilespmem:s19+$0x6700]  }
0x66: {  	v2 =	vadd.f32 v3, v2;
	_ =	sdelay $0x1  }
.Ltmp2:
0x67: {  	v2 =	vadd.f32 v4, v2;
	(pc) =	sbr.rel @p0 .LBB2_6-.Ltmp2, $4  }
0x68: {  	_ = 	snop  }
0x69: {  	s20 =	sadd.s32 $0x80, s20;
	v2 =	vadd.f32 v5, v2  }
0x6a: {  	s18 =	sadd.s32 $0x10, s18;
	s22 =	sand.u32 $0x1C00, s20;
	s19 =	sand.u32 $0x70, s21  }
0x6b: {  	s21 =	sadd.s32 $0x10, s21;
	s19 =	sor.u32 s19, s22;
	[tilespmem:s18+$0x0] =	vst v2  }
0x6c: {  	v2 =	vld [tilespmem:s19+$0x5000]  }
0x6d: {  	v3 =	vld [tilespmem:s19+$0x4F80];
	_ =	sdelay $0x1  }
0x6e: {  	v4 =	vld [tilespmem:s19+$0x5080];
	_ =	sdelay $0x1  }
0x6f: {  	v5 =	vld [tilespmem:s19+$0x5100]  }
0x70: {  	v2 =	vadd.f32 v2, v3  }
0x71: {  	v3 =	vld [tilespmem:s19+$0x5180]  }
0x72: {  	v2 =	vadd.f32 v4, v2  }
0x73: {  	v56 =	vld [tilespmem:s19+$0x5200]  }
0x74: {  	v2 =	vadd.f32 v5, v2  }
0x75: {  	v57 =	vld [tilespmem:s19+$0x5280]  }
0x76: {  	v2 =	vadd.f32 v3, v2  }
0x77: {  	v3 =	vld [tilespmem:s19+$0x5300]  }
0x78: {  	v2 =	vadd.f32 v56, v2  }
0x79: {  	v58 =	vld [tilespmem:s19+$0x6380]  }
0x7a: {  	v2 =	vadd.f32 v57, v2  }
0x7b: {  	v59 =	vld [tilespmem:s19+$0x6400]  }
0x7c: {  	v2 =	vadd.f32 v3, v2  }
0x7d: {  	v3 =	vld [tilespmem:s19+$0x6480]  }
0x7e: {  	v2 =	vadd.f32 v58, v2  }
0x7f: {  	v60 =	vld [tilespmem:s19+$0x6500]  }
0x80: {  	v2 =	vadd.f32 v59, v2  }
0x81: {  	v61 =	vld [tilespmem:s19+$0x6580]  }
0x82: {  	v2 =	vadd.f32 v3, v2  }
0x83: {  	v3 =	vld [tilespmem:s19+$0x6600]  }
0x84: {  	v2 =	vadd.f32 v60, v2  }
0x85: {  	v62 =	vld [tilespmem:s19+$0x6680]  }
0x86: {  	v2 =	vadd.f32 v61, v2  }
0x87: {  	v63 =	vld [tilespmem:s19+$0x6700]  }
0x88: {  	v2 =	vadd.f32 v3, v2;
	_ =	sdelay $0x1  }
0x89: {  	v2 =	vadd.f32 v62, v2;
	_ =	sdelay $0x1  }
0x8a: {  	s17 =	sadd.s32 $0x1, s17;
	v2 =	vadd.f32 v63, v2  }
0x8b: {  	s18 =	sadd.s32 $0x10, s18;
	p0 =	sne.s32 s17, s7  }
.Ltmp3:
0x8c: {  	[tilespmem:s18+$0x0] =	vst v2;
	(pc) =	sbr.rel @p0 .LBB2_1-.Ltmp3, $4  }
0x8d: {  	[hbm4b:s6+s10] =	stream.strided.scatter [tilespmem:s16], [sflag:$0x1], $0x280, s15, s10, $0x38;
	[tilespmem:$0xA200] =	vst v63  }
0x8e: {  	_ =	swait.ge [sflag:s9], $0x280  }
0x8f: {  	[sflag:s9] =	ssyncset.done $0x0  }
0x90: {  	[sflag:s9] =	ssyncadd.s32 $0xFFFFFD80  }
0x91: {  	_ =	sfence.sel $0x180000  }
0x92: {  	[bflag:$0x0] =	sbarrier.arrive $0xFFFF  }
0x93: {  	p0 =	sne.s32 s0, $0x0;
	_ =	strace $0x90000047  }
0x94: {  	s0 =	sadd.s32 @!p0 $0x100000, s1;
	[bflag:$0x2] =	sbarrier.arrive $0xFFFF  }
0x95: {  	[sflag:s0] =	ssyncadd.tile.s32 @!p0 $0x1;
	_ =	shalt  }
.Lfunc_end2:
_tile_overlayer_lowered:
.L_overlay_start_2:
0x96: {  	(tag) =	ssettag $0x2  }
0x97: {  	s0 =	rddreg [dreg:$0x0];
	s2 =	stileid.u32  }
0x98: {  	s1 =	rddreg [dreg:$0x1];
	p0 =	sne.s32 s2, $0x0  }
0x99: {  	s3 =	rddreg [dreg:$0x2];
	[bflag:$0x3] =	sbarrier.arrive $0xFFFF;
	s2 =	simm.s32 @!p0 $0x1C01  }
0x9a: {  	[timem:s3], [sflag:s2] =	dma.local @!p0 [hbm:s0], s1  }
0x9b: {  	s0 =	simm.s32 @!p0 $0x1  }
0x9c: {  	_ =	swait.ge @!p0 [sflag:s0], s1  }
0x9d: {  	s1 =	ssub.s32 @!p0 $0x0, s1;
	[sflag:s0] =	ssyncset.done @!p0 $0x0  }
0x9e: {  	[sflag:s0] =	ssyncadd.s32 @!p0 s1  }
0x9f: {  	[bflag:$0x3] =	sbarrier.arrive $0xFFFF  }
0xa0: {  	_ =	shalt  }

</sc_bundles>
